<compile_context>
chip_gen: v7x
topology: tpu7x:2x2x1
jax: 0.10.2.dev20260603
libtpu: 0.0.44.dev20260713+nightly
codegen_flags: <defaults>
</compile_context>

<pallas_src>
import functools

import jax
import jax.numpy as jnp
from jax import lax
from jax.experimental import pallas as pl
from jax.experimental.pallas import tpu as pltpu
from jax.experimental.pallas import tpu_sc as plsc

NC = 2
NS = 16
CHUNK = 128


def _seg_sum_sc(y, src_p, dst_p, n_pad, cpt):
    h = y.shape[1]
    rows_per_tile = n_pad // NS

    @functools.partial(
        pl.kernel,
        out_type=jax.ShapeDtypeStruct((NC, n_pad, h), jnp.float32),
        mesh=plsc.VectorSubcoreMesh(
            core_axis_name="c", subcore_axis_name="s",
            num_cores=NC, num_subcores=NS),
        scratch_types=[
            pltpu.VMEM((CHUNK,), jnp.int32),
            pltpu.VMEM((CHUNK,), jnp.int32),
            pltpu.VMEM((CHUNK, h), jnp.float32),
            pltpu.VMEM_SHARED((n_pad, h), jnp.float32),
            pltpu.SemaphoreType.DMA,
        ],
        compiler_params=pltpu.CompilerParams(use_tc_tiling_on_sc=False),
    )
    def agg(y_hbm, src_hbm, dst_hbm, zero_hbm, out_hbm,
            src_v, dst_v, rows_v, acc_sh, sem):
        cid = lax.axis_index("c")
        sid = lax.axis_index("s")
        wid = cid * NS + sid

        r0 = sid * rows_per_tile
        pltpu.sync_copy(zero_hbm, rows_v)
        for k in range(rows_per_tile // CHUNK):
            pltpu.sync_copy(rows_v, acc_sh.at[pl.ds(r0 + k * CHUNK, CHUNK)])
        plsc.subcore_barrier()

        def body(j, carry):
            base = pl.multiple_of((wid * cpt + j) * CHUNK, CHUNK)
            pltpu.sync_copy(src_hbm.at[pl.ds(base, CHUNK)], src_v)
            pltpu.sync_copy(dst_hbm.at[pl.ds(base, CHUNK)], dst_v)
            pltpu.async_copy(y_hbm.at[src_v], rows_v, sem).wait()
            pltpu.sync_copy(rows_v, acc_sh.at[dst_v], add=True)
            return carry

        lax.fori_loop(0, cpt, body, 0)
        plsc.subcore_barrier()

        for k in range(rows_per_tile // CHUNK):
            pltpu.sync_copy(acc_sh.at[pl.ds(r0 + k * CHUNK, CHUNK)], rows_v)
            pltpu.sync_copy(
                rows_v, out_hbm.at[cid, pl.ds(r0 + k * CHUNK, CHUNK)])

    zero = jnp.zeros((CHUNK, h), jnp.float32)
    return agg(y, src_p, dst_p, zero)


def _proj_tc(x, w, blk):
    n, d = x.shape
    h = w.shape[1]

    def body(x_ref, w_ref, o_ref):
        o_ref[...] = jnp.dot(x_ref[...], w_ref[...],
                             preferred_element_type=jnp.float32)

    return pl.pallas_call(
        body,
        grid=(n // blk,),
        in_specs=[pl.BlockSpec((blk, d), lambda i: (i, 0)),
                  pl.BlockSpec((d, h), lambda i: (0, 0))],
        out_specs=pl.BlockSpec((blk, h), lambda i: (i, 0)),
        out_shape=jax.ShapeDtypeStruct((n, h), jnp.float32),
    )(x, w)


def _mid_tc(y, aggs, b1, w2, b2, w1n, blk):
    n, h = y.shape

    def body(y_ref, a_ref, b1_ref, w2_ref, b2_ref, w1n_ref, o_ref):
        t = jnp.maximum(y_ref[...] + a_ref[0] + a_ref[1] + b1_ref[...], 0.0)
        hh = jnp.dot(t, w2_ref[...],
                     preferred_element_type=jnp.float32) + b2_ref[...]
        xn = jnp.maximum(hh, 0.0)
        o_ref[...] = jnp.dot(xn, w1n_ref[...],
                             preferred_element_type=jnp.float32)

    return pl.pallas_call(
        body,
        grid=(n // blk,),
        in_specs=[pl.BlockSpec((blk, h), lambda i: (i, 0)),
                  pl.BlockSpec((NC, blk, h), lambda i: (0, i, 0)),
                  pl.BlockSpec((1, h), lambda i: (0, 0)),
                  pl.BlockSpec((h, h), lambda i: (0, 0)),
                  pl.BlockSpec((1, h), lambda i: (0, 0)),
                  pl.BlockSpec((h, h), lambda i: (0, 0))],
        out_specs=pl.BlockSpec((blk, h), lambda i: (i, 0)),
        out_shape=jax.ShapeDtypeStruct((n, h), jnp.float32),
    )(y, aggs, b1, w2, b2, w1n)


def _final_tc(y, aggs, b1, w2, b2, batch_f, g,
              l0_w, l0_b, l1_w, l1_b, out_w, out_b, blk):
    n, h = y.shape

    def body(y_ref, a_ref, b1_ref, w2_ref, b2_ref, bat_ref,
             l0w_ref, l0b_ref, l1w_ref, l1b_ref, ow_ref, ob_ref,
             o_ref, sums_ref, cnts_ref):
        i = pl.program_id(0)
        t = jnp.maximum(y_ref[...] + a_ref[0] + a_ref[1] + b1_ref[...], 0.0)
        hh = jnp.dot(t, w2_ref[...],
                     preferred_element_type=jnp.float32) + b2_ref[...]
        gid = lax.broadcasted_iota(jnp.int32, (blk, g), 1)
        onehot = jnp.where(bat_ref[...] == gid, 1.0, 0.0)
        ps = lax.dot_general(onehot, hh, (((0,), (0,)), ((), ())),
                             preferred_element_type=jnp.float32)
        pc = lax.dot_general(onehot, jnp.ones_like(hh),
                             (((0,), (0,)), ((), ())),
                             preferred_element_type=jnp.float32)

        @pl.when(i == 0)
        def _():
            sums_ref[...] = jnp.zeros_like(sums_ref)
            cnts_ref[...] = jnp.zeros_like(cnts_ref)

        sums_ref[...] += ps
        cnts_ref[...] += pc

        @pl.when(i == pl.num_programs(0) - 1)
        def _():
            pooled = sums_ref[...] / jnp.maximum(cnts_ref[...], 1.0)
            z = jnp.maximum(pooled, 0.0)
            z = jnp.maximum(
                jnp.dot(z, l0w_ref[...],
                        preferred_element_type=jnp.float32) + l0b_ref[...],
                0.0)
            z = jnp.maximum(
                jnp.dot(z, l1w_ref[...],
                        preferred_element_type=jnp.float32) + l1b_ref[...],
                0.0)
            o_ref[...] = jnp.dot(
                z, ow_ref[...],
                preferred_element_type=jnp.float32) + ob_ref[...]

    return pl.pallas_call(
        body,
        grid=(n // blk,),
        in_specs=[pl.BlockSpec((blk, h), lambda i: (i, 0)),
                  pl.BlockSpec((NC, blk, h), lambda i: (0, i, 0)),
                  pl.BlockSpec((1, h), lambda i: (0, 0)),
                  pl.BlockSpec((h, h), lambda i: (0, 0)),
                  pl.BlockSpec((1, h), lambda i: (0, 0)),
                  pl.BlockSpec((blk, 1), lambda i: (i, 0)),
                  pl.BlockSpec((h, h), lambda i: (0, 0)),
                  pl.BlockSpec((1, h), lambda i: (0, 0)),
                  pl.BlockSpec((h, h), lambda i: (0, 0)),
                  pl.BlockSpec((1, h), lambda i: (0, 0)),
                  pl.BlockSpec((h, 1), lambda i: (0, 0)),
                  pl.BlockSpec((1, 1), lambda i: (0, 0))],
        out_specs=pl.BlockSpec((g, 1), lambda i: (0, 0)),
        out_shape=jax.ShapeDtypeStruct((g, 1), jnp.float32),
        scratch_shapes=[pltpu.VMEM((g, h), jnp.float32),
                        pltpu.VMEM((g, h), jnp.float32)],
    )(y, aggs, b1, w2, b2, batch_f,
      l0_w, l0_b, l1_w, l1_b, out_w, out_b)


def kernel(x, edge_index, batch,
           g0_w1, g0_b1, g0_w2, g0_b2,
           g1_w1, g1_b1, g1_w2, g1_b2,
           g2_w1, g2_b1, g2_w2, g2_b2,
           l0_w, l0_b, l1_w, l1_b, out_w, out_b):
    n = x.shape[0]
    h = g0_w1.shape[1]
    g = 128
    e = edge_index.shape[1]
    blk = 2000

    n_pad = ((n + NS * CHUNK - 1) // (NS * CHUNK)) * (NS * CHUNK)
    per = NC * NS * CHUNK
    cpt = (e + per - 1) // per
    e_pad = cpt * per
    src_p = jnp.concatenate(
        [edge_index[0], jnp.zeros((e_pad - e,), jnp.int32)])
    dst_p = jnp.concatenate(
        [edge_index[1], jnp.full((e_pad - e,), n, jnp.int32)])
    batch_f = batch.reshape(n, 1)

    def row(b):
        return b.reshape(1, -1)

    y0 = _proj_tc(x, g0_w1, blk)
    a0 = _seg_sum_sc(y0, src_p, dst_p, n_pad, cpt)
    y1 = _mid_tc(y0, a0, row(g0_b1), g0_w2, row(g0_b2), g1_w1, blk)
    a1 = _seg_sum_sc(y1, src_p, dst_p, n_pad, cpt)
    y2 = _mid_tc(y1, a1, row(g1_b1), g1_w2, row(g1_b2), g2_w1, blk)
    a2 = _seg_sum_sc(y2, src_p, dst_p, n_pad, cpt)
    z = _final_tc(y2, a2, row(g2_b1), g2_w2, row(g2_b2), batch_f, g,
                  l0_w, row(l0_b), l1_w, row(l1_b),
                  out_w, out_b.reshape(1, 1), blk)
    return z.reshape(-1)

# --- scband reference (transcript-rebuilt; emitter-appended) ---
"""Pipeline reference for scband-ginmodel-67602785239438 (READ-ONLY COPY).

The authoritative reference and input builder live on the scoring server;
editing this copy changes nothing except your own understanding.
"""

import jax, jax.numpy as jnp
import numpy as np

N = 10000
E = 320000
D = 128
H = 64
G = 128
S = 0.05


def setup_inputs(seed: int = 0) -> dict:
    key = jax.random.key(seed)
    ks = jax.random.split(key, 32)
    inp = {}
    inp['x'] = jax.random.normal(ks[0], (N, D), dtype=jnp.float32)
    inp['edge_index'] = jax.random.randint(ks[1], (2, E), 0, N, dtype=jnp.int32)
    inp['batch'] = jnp.sort(jax.random.randint(ks[2], (N,), 0, G, dtype=jnp.int32))
    # GIN conv MLP params (2-layer MLP per conv: in -> H -> H)
    inp['g0_w1'] = jax.random.normal(ks[3], (D, H), dtype=jnp.float32) * S
    inp['g0_b1'] = jnp.zeros((H,), dtype=jnp.float32)
    inp['g0_w2'] = jax.random.normal(ks[4], (H, H), dtype=jnp.float32) * S
    inp['g0_b2'] = jnp.zeros((H,), dtype=jnp.float32)
    inp['g1_w1'] = jax.random.normal(ks[5], (H, H), dtype=jnp.float32) * S
    inp['g1_b1'] = jnp.zeros((H,), dtype=jnp.float32)
    inp['g1_w2'] = jax.random.normal(ks[6], (H, H), dtype=jnp.float32) * S
    inp['g1_b2'] = jnp.zeros((H,), dtype=jnp.float32)
    inp['g2_w1'] = jax.random.normal(ks[7], (H, H), dtype=jnp.float32) * S
    inp['g2_b1'] = jnp.zeros((H,), dtype=jnp.float32)
    inp['g2_w2'] = jax.random.normal(ks[8], (H, H), dtype=jnp.float32) * S
    inp['g2_b2'] = jnp.zeros((H,), dtype=jnp.float32)
    # post-pool MLP head
    inp['l0_w'] = jax.random.normal(ks[9], (H, H), dtype=jnp.float32) * S
    inp['l0_b'] = jnp.zeros((H,), dtype=jnp.float32)
    inp['l1_w'] = jax.random.normal(ks[10], (H, H), dtype=jnp.float32) * S
    inp['l1_b'] = jnp.zeros((H,), dtype=jnp.float32)
    inp['out_w'] = jax.random.normal(ks[11], (H, 1), dtype=jnp.float32) * S
    inp['out_b'] = jnp.zeros((1,), dtype=jnp.float32)
    return inp


def _gin_conv(x, src, dst, w1, b1, w2, b2):
    # GINConv, eps=0: h = MLP((1+eps)*x + sum_{j in N(i)} x_j)
    agg = jax.ops.segment_sum(x[src], dst, num_segments=N)
    h = x + agg
    h = jnp.maximum(h @ w1 + b1, 0.0)
    h = h @ w2 + b2
    return h


def reference(x, edge_index, batch, g0_w1, g0_b1, g0_w2, g0_b2, g1_w1, g1_b1, g1_w2, g1_b2, g2_w1, g2_b1, g2_w2, g2_b2, l0_w, l0_b, l1_w, l1_b, out_w, out_b):
    src = edge_index[0]
    dst = edge_index[1]
    # GIN stack: ReLU between convs, no activation after the last conv (dropout is identity in eval)
    h = _gin_conv(x, src, dst, g0_w1, g0_b1, g0_w2, g0_b2)
    h = jnp.maximum(h, 0.0)
    h = _gin_conv(h, src, dst, g1_w1, g1_b1, g1_w2, g1_b2)
    h = jnp.maximum(h, 0.0)
    h = _gin_conv(h, src, dst, g2_w1, g2_b1, g2_w2, g2_b2)
    # global mean pool over graphs
    sums = jax.ops.segment_sum(h, batch, num_segments=G)
    counts = jax.ops.segment_sum(jnp.ones((N, 1), dtype=h.dtype), batch, num_segments=G)
    pooled = sums / jnp.maximum(counts, 1.0)
    z = jnp.maximum(pooled, 0.0)
    z = jnp.maximum(z @ l0_w + l0_b, 0.0)
    z = jnp.maximum(z @ l1_w + l1_b, 0.0)
    z = z @ out_w + out_b
    return z.reshape(-1)

if __name__ == "__main__":
    import jax
    _d = setup_inputs()
    print(jax.jit(kernel)(*tuple(_d.values())))

</pallas_src>

<mosaic_0001>
#map = affine_map<(d0, d1) -> (0, 0)>
#map1 = affine_map<(d0, d1) -> (0)>
#map2 = affine_map<(d0, d1) -> (0, 0, 0)>
module attributes {stable_mosaic.version = 14 : i64} {
  func.func @agg(%arg0: i32, %arg1: i32, %arg2: memref<10000x64xf32, #tpu.memory_space<hbm>>, %arg3: memref<323584xi32, #tpu.memory_space<hbm>>, %arg4: memref<323584xi32, #tpu.memory_space<hbm>>, %arg5: memref<128x64xf32, #tpu.memory_space<hbm>>, %arg6: memref<2x10240x64xf32, #tpu.memory_space<hbm>>, %arg7: memref<128xi32, #tpu.memory_space<vmem>>, %arg8: memref<128xi32, #tpu.memory_space<vmem>>, %arg9: memref<128x64xf32, #tpu.memory_space<vmem>>, %arg10: memref<10240x64xf32, #tpu.memory_space<vmem_shared>>, %arg11: memref<!tpu.dma_semaphore, #tpu.memory_space<semaphore_mem>>) attributes {dimension_semantics = [#tpu.dimension_semantics<core_parallel>, #tpu.dimension_semantics<subcore_parallel>], iteration_bounds = array<i64: 2, 16>, scalar_prefetch = 0 : i64, scratch_operands = 5 : i64, tpu.core_type = #tpu.core_type<sc_vector_subcore>, window_params = [{transform_indices = #map}, {transform_indices = #map1}, {transform_indices = #map1}, {transform_indices = #map}, {transform_indices = #map2}]} {
    %mul3A = arith.constant 16 : i32
    %mul3A_0 = arith.muli %arg0, %mul3A : i32
    %add3A = arith.addi %mul3A_0, %arg1 : i32
    %mul3A_1 = arith.constant 640 : i32
    %mul3A_2 = arith.muli %arg1, %mul3A_1 : i32
    "tpu.region"() ({
      %run_scoped3A = tpu.sem_alloc : memref<!tpu.dma_semaphore, #tpu.memory_space<semaphore_mem>>
      tpu.enqueue_dma source(%arg5 : memref<128x64xf32, #tpu.memory_space<hbm>>) target(%arg9 : memref<128x64xf32, #tpu.memory_space<vmem>>) target_semaphore(%run_scoped3A : memref<!tpu.dma_semaphore, #tpu.memory_space<semaphore_mem>>)
      tpu.wait_dma2 semaphore(%run_scoped3A : memref<!tpu.dma_semaphore, #tpu.memory_space<semaphore_mem>>) src(%arg5 : memref<128x64xf32, #tpu.memory_space<hbm>>) dst(%arg9 : memref<128x64xf32, #tpu.memory_space<vmem>>)
      tpu.yield
    }) : () -> ()
    %add3A_3 = arith.constant 0 : i32
    %add3A_4 = arith.addi %mul3A_2, %add3A_3 : i32
    "tpu.region"() ({
      %run_scoped3A = tpu.sem_alloc : memref<!tpu.dma_semaphore, #tpu.memory_space<semaphore_mem>>
      %dma_start3A = arith.constant 0 : i32
      %dma_start3A_39 = tpu.memref_slice %arg10[%add3A_4, %dma_start3A] : memref<10240x64xf32, #tpu.memory_space<vmem_shared>> -> memref<128x64xf32, #tpu.memory_space<vmem_shared>>
      %dma_start3A_40 = arith.constant 0 : i32
      %dma_start3A_41 = tpu.memref_slice %arg10[%add3A_4, %dma_start3A_40] : memref<10240x64xf32, #tpu.memory_space<vmem_shared>> -> memref<128x64xf32, #tpu.memory_space<vmem_shared>>
      tpu.enqueue_dma source(%arg9 : memref<128x64xf32, #tpu.memory_space<vmem>>) target(%dma_start3A_41 : memref<128x64xf32, #tpu.memory_space<vmem_shared>>) target_semaphore(%run_scoped3A : memref<!tpu.dma_semaphore, #tpu.memory_space<semaphore_mem>>)
      %dma_wait3A = arith.constant 0 : i32
      %dma_wait3A_42 = tpu.memref_slice %arg10[%add3A_4, %dma_wait3A] : memref<10240x64xf32, #tpu.memory_space<vmem_shared>> -> memref<128x64xf32, #tpu.memory_space<vmem_shared>>
      %dma_wait3A_43 = arith.constant 0 : i32
      %dma_wait3A_44 = tpu.memref_slice %arg10[%add3A_4, %dma_wait3A_43] : memref<10240x64xf32, #tpu.memory_space<vmem_shared>> -> memref<128x64xf32, #tpu.memory_space<vmem_shared>>
      tpu.wait_dma2 semaphore(%run_scoped3A : memref<!tpu.dma_semaphore, #tpu.memory_space<semaphore_mem>>) src(%arg9 : memref<128x64xf32, #tpu.memory_space<vmem>>) dst(%dma_wait3A_44 : memref<128x64xf32, #tpu.memory_space<vmem_shared>>)
      tpu.yield
    }) : () -> ()
    %add3A_5 = arith.constant 128 : i32
    %add3A_6 = arith.addi %mul3A_2, %add3A_5 : i32
    "tpu.region"() ({
      %run_scoped3A = tpu.sem_alloc : memref<!tpu.dma_semaphore, #tpu.memory_space<semaphore_mem>>
      %dma_start3A = arith.constant 0 : i32
      %dma_start3A_39 = tpu.memref_slice %arg10[%add3A_6, %dma_start3A] : memref<10240x64xf32, #tpu.memory_space<vmem_shared>> -> memref<128x64xf32, #tpu.memory_space<vmem_shared>>
      %dma_start3A_40 = arith.constant 0 : i32
      %dma_start3A_41 = tpu.memref_slice %arg10[%add3A_6, %dma_start3A_40] : memref<10240x64xf32, #tpu.memory_space<vmem_shared>> -> memref<128x64xf32, #tpu.memory_space<vmem_shared>>
      tpu.enqueue_dma source(%arg9 : memref<128x64xf32, #tpu.memory_space<vmem>>) target(%dma_start3A_41 : memref<128x64xf32, #tpu.memory_space<vmem_shared>>) target_semaphore(%run_scoped3A : memref<!tpu.dma_semaphore, #tpu.memory_space<semaphore_mem>>)
      %dma_wait3A = arith.constant 0 : i32
      %dma_wait3A_42 = tpu.memref_slice %arg10[%add3A_6, %dma_wait3A] : memref<10240x64xf32, #tpu.memory_space<vmem_shared>> -> memref<128x64xf32, #tpu.memory_space<vmem_shared>>
      %dma_wait3A_43 = arith.constant 0 : i32
      %dma_wait3A_44 = tpu.memref_slice %arg10[%add3A_6, %dma_wait3A_43] : memref<10240x64xf32, #tpu.memory_space<vmem_shared>> -> memref<128x64xf32, #tpu.memory_space<vmem_shared>>
      tpu.wait_dma2 semaphore(%run_scoped3A : memref<!tpu.dma_semaphore, #tpu.memory_space<semaphore_mem>>) src(%arg9 : memref<128x64xf32, #tpu.memory_space<vmem>>) dst(%dma_wait3A_44 : memref<128x64xf32, #tpu.memory_space<vmem_shared>>)
      tpu.yield
    }) : () -> ()
    %add3A_7 = arith.constant 256 : i32
    %add3A_8 = arith.addi %mul3A_2, %add3A_7 : i32
    "tpu.region"() ({
      %run_scoped3A = tpu.sem_alloc : memref<!tpu.dma_semaphore, #tpu.memory_space<semaphore_mem>>
      %dma_start3A = arith.constant 0 : i32
      %dma_start3A_39 = tpu.memref_slice %arg10[%add3A_8, %dma_start3A] : memref<10240x64xf32, #tpu.memory_space<vmem_shared>> -> memref<128x64xf32, #tpu.memory_space<vmem_shared>>
      %dma_start3A_40 = arith.constant 0 : i32
      %dma_start3A_41 = tpu.memref_slice %arg10[%add3A_8, %dma_start3A_40] : memref<10240x64xf32, #tpu.memory_space<vmem_shared>> -> memref<128x64xf32, #tpu.memory_space<vmem_shared>>
      tpu.enqueue_dma source(%arg9 : memref<128x64xf32, #tpu.memory_space<vmem>>) target(%dma_start3A_41 : memref<128x64xf32, #tpu.memory_space<vmem_shared>>) target_semaphore(%run_scoped3A : memref<!tpu.dma_semaphore, #tpu.memory_space<semaphore_mem>>)
      %dma_wait3A = arith.constant 0 : i32
      %dma_wait3A_42 = tpu.memref_slice %arg10[%add3A_8, %dma_wait3A] : memref<10240x64xf32, #tpu.memory_space<vmem_shared>> -> memref<128x64xf32, #tpu.memory_space<vmem_shared>>
      %dma_wait3A_43 = arith.constant 0 : i32
      %dma_wait3A_44 = tpu.memref_slice %arg10[%add3A_8, %dma_wait3A_43] : memref<10240x64xf32, #tpu.memory_space<vmem_shared>> -> memref<128x64xf32, #tpu.memory_space<vmem_shared>>
      tpu.wait_dma2 semaphore(%run_scoped3A : memref<!tpu.dma_semaphore, #tpu.memory_space<semaphore_mem>>) src(%arg9 : memref<128x64xf32, #tpu.memory_space<vmem>>) dst(%dma_wait3A_44 : memref<128x64xf32, #tpu.memory_space<vmem_shared>>)
      tpu.yield
    }) : () -> ()
    %add3A_9 = arith.constant 384 : i32
    %add3A_10 = arith.addi %mul3A_2, %add3A_9 : i32
    "tpu.region"() ({
      %run_scoped3A = tpu.sem_alloc : memref<!tpu.dma_semaphore, #tpu.memory_space<semaphore_mem>>
      %dma_start3A = arith.constant 0 : i32
      %dma_start3A_39 = tpu.memref_slice %arg10[%add3A_10, %dma_start3A] : memref<10240x64xf32, #tpu.memory_space<vmem_shared>> -> memref<128x64xf32, #tpu.memory_space<vmem_shared>>
      %dma_start3A_40 = arith.constant 0 : i32
      %dma_start3A_41 = tpu.memref_slice %arg10[%add3A_10, %dma_start3A_40] : memref<10240x64xf32, #tpu.memory_space<vmem_shared>> -> memref<128x64xf32, #tpu.memory_space<vmem_shared>>
      tpu.enqueue_dma source(%arg9 : memref<128x64xf32, #tpu.memory_space<vmem>>) target(%dma_start3A_41 : memref<128x64xf32, #tpu.memory_space<vmem_shared>>) target_semaphore(%run_scoped3A : memref<!tpu.dma_semaphore, #tpu.memory_space<semaphore_mem>>)
      %dma_wait3A = arith.constant 0 : i32
      %dma_wait3A_42 = tpu.memref_slice %arg10[%add3A_10, %dma_wait3A] : memref<10240x64xf32, #tpu.memory_space<vmem_shared>> -> memref<128x64xf32, #tpu.memory_space<vmem_shared>>
      %dma_wait3A_43 = arith.constant 0 : i32
      %dma_wait3A_44 = tpu.memref_slice %arg10[%add3A_10, %dma_wait3A_43] : memref<10240x64xf32, #tpu.memory_space<vmem_shared>> -> memref<128x64xf32, #tpu.memory_space<vmem_shared>>
      tpu.wait_dma2 semaphore(%run_scoped3A : memref<!tpu.dma_semaphore, #tpu.memory_space<semaphore_mem>>) src(%arg9 : memref<128x64xf32, #tpu.memory_space<vmem>>) dst(%dma_wait3A_44 : memref<128x64xf32, #tpu.memory_space<vmem_shared>>)
      tpu.yield
    }) : () -> ()
    %add3A_11 = arith.constant 512 : i32
    %add3A_12 = arith.addi %mul3A_2, %add3A_11 : i32
    "tpu.region"() ({
      %run_scoped3A = tpu.sem_alloc : memref<!tpu.dma_semaphore, #tpu.memory_space<semaphore_mem>>
      %dma_start3A = arith.constant 0 : i32
      %dma_start3A_39 = tpu.memref_slice %arg10[%add3A_12, %dma_start3A] : memref<10240x64xf32, #tpu.memory_space<vmem_shared>> -> memref<128x64xf32, #tpu.memory_space<vmem_shared>>
      %dma_start3A_40 = arith.constant 0 : i32
      %dma_start3A_41 = tpu.memref_slice %arg10[%add3A_12, %dma_start3A_40] : memref<10240x64xf32, #tpu.memory_space<vmem_shared>> -> memref<128x64xf32, #tpu.memory_space<vmem_shared>>
      tpu.enqueue_dma source(%arg9 : memref<128x64xf32, #tpu.memory_space<vmem>>) target(%dma_start3A_41 : memref<128x64xf32, #tpu.memory_space<vmem_shared>>) target_semaphore(%run_scoped3A : memref<!tpu.dma_semaphore, #tpu.memory_space<semaphore_mem>>)
      %dma_wait3A = arith.constant 0 : i32
      %dma_wait3A_42 = tpu.memref_slice %arg10[%add3A_12, %dma_wait3A] : memref<10240x64xf32, #tpu.memory_space<vmem_shared>> -> memref<128x64xf32, #tpu.memory_space<vmem_shared>>
      %dma_wait3A_43 = arith.constant 0 : i32
      %dma_wait3A_44 = tpu.memref_slice %arg10[%add3A_12, %dma_wait3A_43] : memref<10240x64xf32, #tpu.memory_space<vmem_shared>> -> memref<128x64xf32, #tpu.memory_space<vmem_shared>>
      tpu.wait_dma2 semaphore(%run_scoped3A : memref<!tpu.dma_semaphore, #tpu.memory_space<semaphore_mem>>) src(%arg9 : memref<128x64xf32, #tpu.memory_space<vmem>>) dst(%dma_wait3A_44 : memref<128x64xf32, #tpu.memory_space<vmem_shared>>)
      tpu.yield
    }) : () -> ()
    %barrier3A = arith.constant 0 : index
    tpu.barrier barrier_id(%barrier3A)
    %scan3A = arith.constant 0 : i32
    %scan3A_13 = arith.constant 0 : i32
    %scan3A_14 = arith.constant 79 : i32
    %scan3A_15 = arith.addi %scan3A_13, %scan3A_14 : i32
    %scan3A_16 = arith.constant 1 : i32
    scf.for %scan3A_39 = %scan3A_13 to %scan3A_15 step %scan3A_16  : i32 {
      %mul3A_40 = arith.constant 79 : i32
      %mul3A_41 = arith.muli %add3A, %mul3A_40 : i32
      %add3A_42 = arith.addi %mul3A_41, %scan3A_39 : i32
      %mul3A_43 = arith.constant 128 : i32
      %mul3A_44 = arith.muli %add3A_42, %mul3A_43 : i32
      %multiple_of3A = tpu.assume_multiple %mul3A_44, 128 : i32
      "tpu.region"() ({
        %run_scoped3A = tpu.sem_alloc : memref<!tpu.dma_semaphore, #tpu.memory_space<semaphore_mem>>
        %dma_start3A_49 = tpu.memref_slice %arg3[%multiple_of3A] : memref<323584xi32, #tpu.memory_space<hbm>> -> memref<128xi32, #tpu.memory_space<hbm>>
        %dma_start3A_50 = tpu.memref_slice %arg3[%multiple_of3A] : memref<323584xi32, #tpu.memory_space<hbm>> -> memref<128xi32, #tpu.memory_space<hbm>>
        tpu.enqueue_dma source(%dma_start3A_50 : memref<128xi32, #tpu.memory_space<hbm>>) target(%arg7 : memref<128xi32, #tpu.memory_space<vmem>>) target_semaphore(%run_scoped3A : memref<!tpu.dma_semaphore, #tpu.memory_space<semaphore_mem>>)
        %dma_wait3A_51 = tpu.memref_slice %arg3[%multiple_of3A] : memref<323584xi32, #tpu.memory_space<hbm>> -> memref<128xi32, #tpu.memory_space<hbm>>
        %dma_wait3A_52 = tpu.memref_slice %arg3[%multiple_of3A] : memref<323584xi32, #tpu.memory_space<hbm>> -> memref<128xi32, #tpu.memory_space<hbm>>
        tpu.wait_dma2 semaphore(%run_scoped3A : memref<!tpu.dma_semaphore, #tpu.memory_space<semaphore_mem>>) src(%dma_wait3A_52 : memref<128xi32, #tpu.memory_space<hbm>>) dst(%arg7 : memref<128xi32, #tpu.memory_space<vmem>>)
        tpu.yield
      }) : () -> ()
      "tpu.region"() ({
        %run_scoped3A = tpu.sem_alloc : memref<!tpu.dma_semaphore, #tpu.memory_space<semaphore_mem>>
        %dma_start3A_49 = tpu.memref_slice %arg4[%multiple_of3A] : memref<323584xi32, #tpu.memory_space<hbm>> -> memref<128xi32, #tpu.memory_space<hbm>>
        %dma_start3A_50 = tpu.memref_slice %arg4[%multiple_of3A] : memref<323584xi32, #tpu.memory_space<hbm>> -> memref<128xi32, #tpu.memory_space<hbm>>
        tpu.enqueue_dma source(%dma_start3A_50 : memref<128xi32, #tpu.memory_space<hbm>>) target(%arg8 : memref<128xi32, #tpu.memory_space<vmem>>) target_semaphore(%run_scoped3A : memref<!tpu.dma_semaphore, #tpu.memory_space<semaphore_mem>>)
        %dma_wait3A_51 = tpu.memref_slice %arg4[%multiple_of3A] : memref<323584xi32, #tpu.memory_space<hbm>> -> memref<128xi32, #tpu.memory_space<hbm>>
        %dma_wait3A_52 = tpu.memref_slice %arg4[%multiple_of3A] : memref<323584xi32, #tpu.memory_space<hbm>> -> memref<128xi32, #tpu.memory_space<hbm>>
        tpu.wait_dma2 semaphore(%run_scoped3A : memref<!tpu.dma_semaphore, #tpu.memory_space<semaphore_mem>>) src(%dma_wait3A_52 : memref<128xi32, #tpu.memory_space<hbm>>) dst(%arg8 : memref<128xi32, #tpu.memory_space<vmem>>)
        tpu.yield
      }) : () -> ()
      %dma_start3A = arith.constant 0 : i32
      %dma_start3A_45 = arith.constant 0 : i32
      %dma_start3A_46 = tpu.memref_slice %arg2[%dma_start3A, %dma_start3A_45] : memref<10000x64xf32, #tpu.memory_space<hbm>> -> memref<10000x64xf32, #tpu.memory_space<hbm>>
      tpu.enqueue_indirect_dma source(%dma_start3A_46 : memref<10000x64xf32, #tpu.memory_space<hbm>>) target(%arg9 : memref<128x64xf32, #tpu.memory_space<vmem>>) offsets(%arg7 : memref<128xi32, #tpu.memory_space<vmem>>) semaphore(%arg11 : memref<!tpu.dma_semaphore, #tpu.memory_space<semaphore_mem>>)
      %dma_wait3A = arith.constant 0 : i32
      %dma_wait3A_47 = arith.constant 0 : i32
      %dma_wait3A_48 = tpu.memref_slice %arg2[%dma_wait3A, %dma_wait3A_47] : memref<10000x64xf32, #tpu.memory_space<hbm>> -> memref<10000x64xf32, #tpu.memory_space<hbm>>
      tpu.wait_indirect_dma semaphore(%arg11 : memref<!tpu.dma_semaphore, #tpu.memory_space<semaphore_mem>>) src(%dma_wait3A_48 : memref<10000x64xf32, #tpu.memory_space<hbm>>) dst(%arg9 : memref<128x64xf32, #tpu.memory_space<vmem>>)
      "tpu.region"() ({
        %run_scoped3A = tpu.sem_alloc : memref<!tpu.dma_semaphore, #tpu.memory_space<semaphore_mem>>
        %dma_start3A_49 = arith.constant 0 : i32
        %dma_start3A_50 = arith.constant 0 : i32
        %dma_start3A_51 = tpu.memref_slice %arg10[%dma_start3A_49, %dma_start3A_50] : memref<10240x64xf32, #tpu.memory_space<vmem_shared>> -> memref<10240x64xf32, #tpu.memory_space<vmem_shared>>
        tpu.enqueue_indirect_dma source(%arg9 : memref<128x64xf32, #tpu.memory_space<vmem>>) target(%dma_start3A_51 : memref<10240x64xf32, #tpu.memory_space<vmem_shared>>) offsets(%arg8 : memref<128xi32, #tpu.memory_space<vmem>>) semaphore(%run_scoped3A : memref<!tpu.dma_semaphore, #tpu.memory_space<semaphore_mem>>) {add = true}
        %dma_wait3A_52 = arith.constant 0 : i32
        %dma_wait3A_53 = arith.constant 0 : i32
        %dma_wait3A_54 = tpu.memref_slice %arg10[%dma_wait3A_52, %dma_wait3A_53] : memref<10240x64xf32, #tpu.memory_space<vmem_shared>> -> memref<10240x64xf32, #tpu.memory_space<vmem_shared>>
        tpu.wait_indirect_dma semaphore(%run_scoped3A : memref<!tpu.dma_semaphore, #tpu.memory_space<semaphore_mem>>) src(%arg9 : memref<128x64xf32, #tpu.memory_space<vmem>>) dst(%dma_wait3A_54 : memref<10240x64xf32, #tpu.memory_space<vmem_shared>>)
        tpu.yield
      }) : () -> ()
    }
    %scan3A_17 = arith.constant 79 : i32
    %barrier3A_18 = arith.constant 0 : index
    tpu.barrier barrier_id(%barrier3A_18)
    %add3A_19 = arith.constant 0 : i32
    %add3A_20 = arith.addi %mul3A_2, %add3A_19 : i32
    "tpu.region"() ({
      %run_scoped3A = tpu.sem_alloc : memref<!tpu.dma_semaphore, #tpu.memory_space<semaphore_mem>>
      %dma_start3A = arith.constant 0 : i32
      %dma_start3A_39 = tpu.memref_slice %arg10[%add3A_20, %dma_start3A] : memref<10240x64xf32, #tpu.memory_space<vmem_shared>> -> memref<128x64xf32, #tpu.memory_space<vmem_shared>>
      %dma_start3A_40 = arith.constant 0 : i32
      %dma_start3A_41 = tpu.memref_slice %arg10[%add3A_20, %dma_start3A_40] : memref<10240x64xf32, #tpu.memory_space<vmem_shared>> -> memref<128x64xf32, #tpu.memory_space<vmem_shared>>
      tpu.enqueue_dma source(%dma_start3A_41 : memref<128x64xf32, #tpu.memory_space<vmem_shared>>) target(%arg9 : memref<128x64xf32, #tpu.memory_space<vmem>>) target_semaphore(%run_scoped3A : memref<!tpu.dma_semaphore, #tpu.memory_space<semaphore_mem>>)
      %dma_wait3A = arith.constant 0 : i32
      %dma_wait3A_42 = tpu.memref_slice %arg10[%add3A_20, %dma_wait3A] : memref<10240x64xf32, #tpu.memory_space<vmem_shared>> -> memref<128x64xf32, #tpu.memory_space<vmem_shared>>
      %dma_wait3A_43 = arith.constant 0 : i32
      %dma_wait3A_44 = tpu.memref_slice %arg10[%add3A_20, %dma_wait3A_43] : memref<10240x64xf32, #tpu.memory_space<vmem_shared>> -> memref<128x64xf32, #tpu.memory_space<vmem_shared>>
      tpu.wait_dma2 semaphore(%run_scoped3A : memref<!tpu.dma_semaphore, #tpu.memory_space<semaphore_mem>>) src(%dma_wait3A_44 : memref<128x64xf32, #tpu.memory_space<vmem_shared>>) dst(%arg9 : memref<128x64xf32, #tpu.memory_space<vmem>>)
      tpu.yield
    }) : () -> ()
    %add3A_21 = arith.constant 0 : i32
    %add3A_22 = arith.addi %mul3A_2, %add3A_21 : i32
    "tpu.region"() ({
      %run_scoped3A = tpu.sem_alloc : memref<!tpu.dma_semaphore, #tpu.memory_space<semaphore_mem>>
      %dma_start3A = arith.constant 0 : i32
      %dma_start3A_39 = tpu.memref_slice %arg6[%arg0, %add3A_22, %dma_start3A] : memref<2x10240x64xf32, #tpu.memory_space<hbm>> -> memref<1x128x64xf32, #tpu.memory_space<hbm>>
      %dma_start3A_40 = tpu.memref_squeeze %dma_start3A_39 : memref<1x128x64xf32, #tpu.memory_space<hbm>> -> memref<128x64xf32, #tpu.memory_space<hbm>>
      %dma_start3A_41 = arith.constant 0 : i32
      %dma_start3A_42 = tpu.memref_slice %arg6[%arg0, %add3A_22, %dma_start3A_41] : memref<2x10240x64xf32, #tpu.memory_space<hbm>> -> memref<1x128x64xf32, #tpu.memory_space<hbm>>
      %dma_start3A_43 = tpu.memref_squeeze %dma_start3A_42 : memref<1x128x64xf32, #tpu.memory_space<hbm>> -> memref<128x64xf32, #tpu.memory_space<hbm>>
      tpu.enqueue_dma source(%arg9 : memref<128x64xf32, #tpu.memory_space<vmem>>) target(%dma_start3A_43 : memref<128x64xf32, #tpu.memory_space<hbm>>) target_semaphore(%run_scoped3A : memref<!tpu.dma_semaphore, #tpu.memory_space<semaphore_mem>>)
      %dma_wait3A = arith.constant 0 : i32
      %dma_wait3A_44 = tpu.memref_slice %arg6[%arg0, %add3A_22, %dma_wait3A] : memref<2x10240x64xf32, #tpu.memory_space<hbm>> -> memref<1x128x64xf32, #tpu.memory_space<hbm>>
      %dma_wait3A_45 = tpu.memref_squeeze %dma_wait3A_44 : memref<1x128x64xf32, #tpu.memory_space<hbm>> -> memref<128x64xf32, #tpu.memory_space<hbm>>
      %dma_wait3A_46 = arith.constant 0 : i32
      %dma_wait3A_47 = tpu.memref_slice %arg6[%arg0, %add3A_22, %dma_wait3A_46] : memref<2x10240x64xf32, #tpu.memory_space<hbm>> -> memref<1x128x64xf32, #tpu.memory_space<hbm>>
      %dma_wait3A_48 = tpu.memref_squeeze %dma_wait3A_47 : memref<1x128x64xf32, #tpu.memory_space<hbm>> -> memref<128x64xf32, #tpu.memory_space<hbm>>
      tpu.wait_dma2 semaphore(%run_scoped3A : memref<!tpu.dma_semaphore, #tpu.memory_space<semaphore_mem>>) src(%arg9 : memref<128x64xf32, #tpu.memory_space<vmem>>) dst(%dma_wait3A_48 : memref<128x64xf32, #tpu.memory_space<hbm>>)
      tpu.yield
    }) : () -> ()
    %add3A_23 = arith.constant 128 : i32
    %add3A_24 = arith.addi %mul3A_2, %add3A_23 : i32
    "tpu.region"() ({
      %run_scoped3A = tpu.sem_alloc : memref<!tpu.dma_semaphore, #tpu.memory_space<semaphore_mem>>
      %dma_start3A = arith.constant 0 : i32
      %dma_start3A_39 = tpu.memref_slice %arg10[%add3A_24, %dma_start3A] : memref<10240x64xf32, #tpu.memory_space<vmem_shared>> -> memref<128x64xf32, #tpu.memory_space<vmem_shared>>
      %dma_start3A_40 = arith.constant 0 : i32
      %dma_start3A_41 = tpu.memref_slice %arg10[%add3A_24, %dma_start3A_40] : memref<10240x64xf32, #tpu.memory_space<vmem_shared>> -> memref<128x64xf32, #tpu.memory_space<vmem_shared>>
      tpu.enqueue_dma source(%dma_start3A_41 : memref<128x64xf32, #tpu.memory_space<vmem_shared>>) target(%arg9 : memref<128x64xf32, #tpu.memory_space<vmem>>) target_semaphore(%run_scoped3A : memref<!tpu.dma_semaphore, #tpu.memory_space<semaphore_mem>>)
      %dma_wait3A = arith.constant 0 : i32
      %dma_wait3A_42 = tpu.memref_slice %arg10[%add3A_24, %dma_wait3A] : memref<10240x64xf32, #tpu.memory_space<vmem_shared>> -> memref<128x64xf32, #tpu.memory_space<vmem_shared>>
      %dma_wait3A_43 = arith.constant 0 : i32
      %dma_wait3A_44 = tpu.memref_slice %arg10[%add3A_24, %dma_wait3A_43] : memref<10240x64xf32, #tpu.memory_space<vmem_shared>> -> memref<128x64xf32, #tpu.memory_space<vmem_shared>>
      tpu.wait_dma2 semaphore(%run_scoped3A : memref<!tpu.dma_semaphore, #tpu.memory_space<semaphore_mem>>) src(%dma_wait3A_44 : memref<128x64xf32, #tpu.memory_space<vmem_shared>>) dst(%arg9 : memref<128x64xf32, #tpu.memory_space<vmem>>)
      tpu.yield
    }) : () -> ()
    %add3A_25 = arith.constant 128 : i32
    %add3A_26 = arith.addi %mul3A_2, %add3A_25 : i32
    "tpu.region"() ({
      %run_scoped3A = tpu.sem_alloc : memref<!tpu.dma_semaphore, #tpu.memory_space<semaphore_mem>>
      %dma_start3A = arith.constant 0 : i32
      %dma_start3A_39 = tpu.memref_slice %arg6[%arg0, %add3A_26, %dma_start3A] : memref<2x10240x64xf32, #tpu.memory_space<hbm>> -> memref<1x128x64xf32, #tpu.memory_space<hbm>>
      %dma_start3A_40 = tpu.memref_squeeze %dma_start3A_39 : memref<1x128x64xf32, #tpu.memory_space<hbm>> -> memref<128x64xf32, #tpu.memory_space<hbm>>
      %dma_start3A_41 = arith.constant 0 : i32
      %dma_start3A_42 = tpu.memref_slice %arg6[%arg0, %add3A_26, %dma_start3A_41] : memref<2x10240x64xf32, #tpu.memory_space<hbm>> -> memref<1x128x64xf32, #tpu.memory_space<hbm>>
      %dma_start3A_43 = tpu.memref_squeeze %dma_start3A_42 : memref<1x128x64xf32, #tpu.memory_space<hbm>> -> memref<128x64xf32, #tpu.memory_space<hbm>>
      tpu.enqueue_dma source(%arg9 : memref<128x64xf32, #tpu.memory_space<vmem>>) target(%dma_start3A_43 : memref<128x64xf32, #tpu.memory_space<hbm>>) target_semaphore(%run_scoped3A : memref<!tpu.dma_semaphore, #tpu.memory_space<semaphore_mem>>)
      %dma_wait3A = arith.constant 0 : i32
      %dma_wait3A_44 = tpu.memref_slice %arg6[%arg0, %add3A_26, %dma_wait3A] : memref<2x10240x64xf32, #tpu.memory_space<hbm>> -> memref<1x128x64xf32, #tpu.memory_space<hbm>>
      %dma_wait3A_45 = tpu.memref_squeeze %dma_wait3A_44 : memref<1x128x64xf32, #tpu.memory_space<hbm>> -> memref<128x64xf32, #tpu.memory_space<hbm>>
      %dma_wait3A_46 = arith.constant 0 : i32
      %dma_wait3A_47 = tpu.memref_slice %arg6[%arg0, %add3A_26, %dma_wait3A_46] : memref<2x10240x64xf32, #tpu.memory_space<hbm>> -> memref<1x128x64xf32, #tpu.memory_space<hbm>>
      %dma_wait3A_48 = tpu.memref_squeeze %dma_wait3A_47 : memref<1x128x64xf32, #tpu.memory_space<hbm>> -> memref<128x64xf32, #tpu.memory_space<hbm>>
      tpu.wait_dma2 semaphore(%run_scoped3A : memref<!tpu.dma_semaphore, #tpu.memory_space<semaphore_mem>>) src(%arg9 : memref<128x64xf32, #tpu.memory_space<vmem>>) dst(%dma_wait3A_48 : memref<128x64xf32, #tpu.memory_space<hbm>>)
      tpu.yield
    }) : () -> ()
    %add3A_27 = arith.constant 256 : i32
    %add3A_28 = arith.addi %mul3A_2, %add3A_27 : i32
    "tpu.region"() ({
      %run_scoped3A = tpu.sem_alloc : memref<!tpu.dma_semaphore, #tpu.memory_space<semaphore_mem>>
      %dma_start3A = arith.constant 0 : i32
      %dma_start3A_39 = tpu.memref_slice %arg10[%add3A_28, %dma_start3A] : memref<10240x64xf32, #tpu.memory_space<vmem_shared>> -> memref<128x64xf32, #tpu.memory_space<vmem_shared>>
      %dma_start3A_40 = arith.constant 0 : i32
      %dma_start3A_41 = tpu.memref_slice %arg10[%add3A_28, %dma_start3A_40] : memref<10240x64xf32, #tpu.memory_space<vmem_shared>> -> memref<128x64xf32, #tpu.memory_space<vmem_shared>>
      tpu.enqueue_dma source(%dma_start3A_41 : memref<128x64xf32, #tpu.memory_space<vmem_shared>>) target(%arg9 : memref<128x64xf32, #tpu.memory_space<vmem>>) target_semaphore(%run_scoped3A : memref<!tpu.dma_semaphore, #tpu.memory_space<semaphore_mem>>)
      %dma_wait3A = arith.constant 0 : i32
      %dma_wait3A_42 = tpu.memref_slice %arg10[%add3A_28, %dma_wait3A] : memref<10240x64xf32, #tpu.memory_space<vmem_shared>> -> memref<128x64xf32, #tpu.memory_space<vmem_shared>>
      %dma_wait3A_43 = arith.constant 0 : i32
      %dma_wait3A_44 = tpu.memref_slice %arg10[%add3A_28, %dma_wait3A_43] : memref<10240x64xf32, #tpu.memory_space<vmem_shared>> -> memref<128x64xf32, #tpu.memory_space<vmem_shared>>
      tpu.wait_dma2 semaphore(%run_scoped3A : memref<!tpu.dma_semaphore, #tpu.memory_space<semaphore_mem>>) src(%dma_wait3A_44 : memref<128x64xf32, #tpu.memory_space<vmem_shared>>) dst(%arg9 : memref<128x64xf32, #tpu.memory_space<vmem>>)
      tpu.yield
    }) : () -> ()
    %add3A_29 = arith.constant 256 : i32
    %add3A_30 = arith.addi %mul3A_2, %add3A_29 : i32
    "tpu.region"() ({
      %run_scoped3A = tpu.sem_alloc : memref<!tpu.dma_semaphore, #tpu.memory_space<semaphore_mem>>
      %dma_start3A = arith.constant 0 : i32
      %dma_start3A_39 = tpu.memref_slice %arg6[%arg0, %add3A_30, %dma_start3A] : memref<2x10240x64xf32, #tpu.memory_space<hbm>> -> memref<1x128x64xf32, #tpu.memory_space<hbm>>
      %dma_start3A_40 = tpu.memref_squeeze %dma_start3A_39 : memref<1x128x64xf32, #tpu.memory_space<hbm>> -> memref<128x64xf32, #tpu.memory_space<hbm>>
      %dma_start3A_41 = arith.constant 0 : i32
      %dma_start3A_42 = tpu.memref_slice %arg6[%arg0, %add3A_30, %dma_start3A_41] : memref<2x10240x64xf32, #tpu.memory_space<hbm>> -> memref<1x128x64xf32, #tpu.memory_space<hbm>>
      %dma_start3A_43 = tpu.memref_squeeze %dma_start3A_42 : memref<1x128x64xf32, #tpu.memory_space<hbm>> -> memref<128x64xf32, #tpu.memory_space<hbm>>
      tpu.enqueue_dma source(%arg9 : memref<128x64xf32, #tpu.memory_space<vmem>>) target(%dma_start3A_43 : memref<128x64xf32, #tpu.memory_space<hbm>>) target_semaphore(%run_scoped3A : memref<!tpu.dma_semaphore, #tpu.memory_space<semaphore_mem>>)
      %dma_wait3A = arith.constant 0 : i32
      %dma_wait3A_44 = tpu.memref_slice %arg6[%arg0, %add3A_30, %dma_wait3A] : memref<2x10240x64xf32, #tpu.memory_space<hbm>> -> memref<1x128x64xf32, #tpu.memory_space<hbm>>
      %dma_wait3A_45 = tpu.memref_squeeze %dma_wait3A_44 : memref<1x128x64xf32, #tpu.memory_space<hbm>> -> memref<128x64xf32, #tpu.memory_space<hbm>>
      %dma_wait3A_46 = arith.constant 0 : i32
      %dma_wait3A_47 = tpu.memref_slice %arg6[%arg0, %add3A_30, %dma_wait3A_46] : memref<2x10240x64xf32, #tpu.memory_space<hbm>> -> memref<1x128x64xf32, #tpu.memory_space<hbm>>
      %dma_wait3A_48 = tpu.memref_squeeze %dma_wait3A_47 : memref<1x128x64xf32, #tpu.memory_space<hbm>> -> memref<128x64xf32, #tpu.memory_space<hbm>>
      tpu.wait_dma2 semaphore(%run_scoped3A : memref<!tpu.dma_semaphore, #tpu.memory_space<semaphore_mem>>) src(%arg9 : memref<128x64xf32, #tpu.memory_space<vmem>>) dst(%dma_wait3A_48 : memref<128x64xf32, #tpu.memory_space<hbm>>)
      tpu.yield
    }) : () -> ()
    %add3A_31 = arith.constant 384 : i32
    %add3A_32 = arith.addi %mul3A_2, %add3A_31 : i32
    "tpu.region"() ({
      %run_scoped3A = tpu.sem_alloc : memref<!tpu.dma_semaphore, #tpu.memory_space<semaphore_mem>>
      %dma_start3A = arith.constant 0 : i32
      %dma_start3A_39 = tpu.memref_slice %arg10[%add3A_32, %dma_start3A] : memref<10240x64xf32, #tpu.memory_space<vmem_shared>> -> memref<128x64xf32, #tpu.memory_space<vmem_shared>>
      %dma_start3A_40 = arith.constant 0 : i32
      %dma_start3A_41 = tpu.memref_slice %arg10[%add3A_32, %dma_start3A_40] : memref<10240x64xf32, #tpu.memory_space<vmem_shared>> -> memref<128x64xf32, #tpu.memory_space<vmem_shared>>
      tpu.enqueue_dma source(%dma_start3A_41 : memref<128x64xf32, #tpu.memory_space<vmem_shared>>) target(%arg9 : memref<128x64xf32, #tpu.memory_space<vmem>>) target_semaphore(%run_scoped3A : memref<!tpu.dma_semaphore, #tpu.memory_space<semaphore_mem>>)
      %dma_wait3A = arith.constant 0 : i32
      %dma_wait3A_42 = tpu.memref_slice %arg10[%add3A_32, %dma_wait3A] : memref<10240x64xf32, #tpu.memory_space<vmem_shared>> -> memref<128x64xf32, #tpu.memory_space<vmem_shared>>
      %dma_wait3A_43 = arith.constant 0 : i32
      %dma_wait3A_44 = tpu.memref_slice %arg10[%add3A_32, %dma_wait3A_43] : memref<10240x64xf32, #tpu.memory_space<vmem_shared>> -> memref<128x64xf32, #tpu.memory_space<vmem_shared>>
      tpu.wait_dma2 semaphore(%run_scoped3A : memref<!tpu.dma_semaphore, #tpu.memory_space<semaphore_mem>>) src(%dma_wait3A_44 : memref<128x64xf32, #tpu.memory_space<vmem_shared>>) dst(%arg9 : memref<128x64xf32, #tpu.memory_space<vmem>>)
      tpu.yield
    }) : () -> ()
    %add3A_33 = arith.constant 384 : i32
    %add3A_34 = arith.addi %mul3A_2, %add3A_33 : i32
    "tpu.region"() ({
      %run_scoped3A = tpu.sem_alloc : memref<!tpu.dma_semaphore, #tpu.memory_space<semaphore_mem>>
      %dma_start3A = arith.constant 0 : i32
      %dma_start3A_39 = tpu.memref_slice %arg6[%arg0, %add3A_34, %dma_start3A] : memref<2x10240x64xf32, #tpu.memory_space<hbm>> -> memref<1x128x64xf32, #tpu.memory_space<hbm>>
      %dma_start3A_40 = tpu.memref_squeeze %dma_start3A_39 : memref<1x128x64xf32, #tpu.memory_space<hbm>> -> memref<128x64xf32, #tpu.memory_space<hbm>>
      %dma_start3A_41 = arith.constant 0 : i32
      %dma_start3A_42 = tpu.memref_slice %arg6[%arg0, %add3A_34, %dma_start3A_41] : memref<2x10240x64xf32, #tpu.memory_space<hbm>> -> memref<1x128x64xf32, #tpu.memory_space<hbm>>
      %dma_start3A_43 = tpu.memref_squeeze %dma_start3A_42 : memref<1x128x64xf32, #tpu.memory_space<hbm>> -> memref<128x64xf32, #tpu.memory_space<hbm>>
      tpu.enqueue_dma source(%arg9 : memref<128x64xf32, #tpu.memory_space<vmem>>) target(%dma_start3A_43 : memref<128x64xf32, #tpu.memory_space<hbm>>) target_semaphore(%run_scoped3A : memref<!tpu.dma_semaphore, #tpu.memory_space<semaphore_mem>>)
      %dma_wait3A = arith.constant 0 : i32
      %dma_wait3A_44 = tpu.memref_slice %arg6[%arg0, %add3A_34, %dma_wait3A] : memref<2x10240x64xf32, #tpu.memory_space<hbm>> -> memref<1x128x64xf32, #tpu.memory_space<hbm>>
      %dma_wait3A_45 = tpu.memref_squeeze %dma_wait3A_44 : memref<1x128x64xf32, #tpu.memory_space<hbm>> -> memref<128x64xf32, #tpu.memory_space<hbm>>
      %dma_wait3A_46 = arith.constant 0 : i32
      %dma_wait3A_47 = tpu.memref_slice %arg6[%arg0, %add3A_34, %dma_wait3A_46] : memref<2x10240x64xf32, #tpu.memory_space<hbm>> -> memref<1x128x64xf32, #tpu.memory_space<hbm>>
      %dma_wait3A_48 = tpu.memref_squeeze %dma_wait3A_47 : memref<1x128x64xf32, #tpu.memory_space<hbm>> -> memref<128x64xf32, #tpu.memory_space<hbm>>
      tpu.wait_dma2 semaphore(%run_scoped3A : memref<!tpu.dma_semaphore, #tpu.memory_space<semaphore_mem>>) src(%arg9 : memref<128x64xf32, #tpu.memory_space<vmem>>) dst(%dma_wait3A_48 : memref<128x64xf32, #tpu.memory_space<hbm>>)
      tpu.yield
    }) : () -> ()
    %add3A_35 = arith.constant 512 : i32
    %add3A_36 = arith.addi %mul3A_2, %add3A_35 : i32
    "tpu.region"() ({
      %run_scoped3A = tpu.sem_alloc : memref<!tpu.dma_semaphore, #tpu.memory_space<semaphore_mem>>
      %dma_start3A = arith.constant 0 : i32
      %dma_start3A_39 = tpu.memref_slice %arg10[%add3A_36, %dma_start3A] : memref<10240x64xf32, #tpu.memory_space<vmem_shared>> -> memref<128x64xf32, #tpu.memory_space<vmem_shared>>
      %dma_start3A_40 = arith.constant 0 : i32
      %dma_start3A_41 = tpu.memref_slice %arg10[%add3A_36, %dma_start3A_40] : memref<10240x64xf32, #tpu.memory_space<vmem_shared>> -> memref<128x64xf32, #tpu.memory_space<vmem_shared>>
      tpu.enqueue_dma source(%dma_start3A_41 : memref<128x64xf32, #tpu.memory_space<vmem_shared>>) target(%arg9 : memref<128x64xf32, #tpu.memory_space<vmem>>) target_semaphore(%run_scoped3A : memref<!tpu.dma_semaphore, #tpu.memory_space<semaphore_mem>>)
      %dma_wait3A = arith.constant 0 : i32
      %dma_wait3A_42 = tpu.memref_slice %arg10[%add3A_36, %dma_wait3A] : memref<10240x64xf32, #tpu.memory_space<vmem_shared>> -> memref<128x64xf32, #tpu.memory_space<vmem_shared>>
      %dma_wait3A_43 = arith.constant 0 : i32
      %dma_wait3A_44 = tpu.memref_slice %arg10[%add3A_36, %dma_wait3A_43] : memref<10240x64xf32, #tpu.memory_space<vmem_shared>> -> memref<128x64xf32, #tpu.memory_space<vmem_shared>>
      tpu.wait_dma2 semaphore(%run_scoped3A : memref<!tpu.dma_semaphore, #tpu.memory_space<semaphore_mem>>) src(%dma_wait3A_44 : memref<128x64xf32, #tpu.memory_space<vmem_shared>>) dst(%arg9 : memref<128x64xf32, #tpu.memory_space<vmem>>)
      tpu.yield
    }) : () -> ()
    %add3A_37 = arith.constant 512 : i32
    %add3A_38 = arith.addi %mul3A_2, %add3A_37 : i32
    "tpu.region"() ({
      %run_scoped3A = tpu.sem_alloc : memref<!tpu.dma_semaphore, #tpu.memory_space<semaphore_mem>>
      %dma_start3A = arith.constant 0 : i32
      %dma_start3A_39 = tpu.memref_slice %arg6[%arg0, %add3A_38, %dma_start3A] : memref<2x10240x64xf32, #tpu.memory_space<hbm>> -> memref<1x128x64xf32, #tpu.memory_space<hbm>>
      %dma_start3A_40 = tpu.memref_squeeze %dma_start3A_39 : memref<1x128x64xf32, #tpu.memory_space<hbm>> -> memref<128x64xf32, #tpu.memory_space<hbm>>
      %dma_start3A_41 = arith.constant 0 : i32
      %dma_start3A_42 = tpu.memref_slice %arg6[%arg0, %add3A_38, %dma_start3A_41] : memref<2x10240x64xf32, #tpu.memory_space<hbm>> -> memref<1x128x64xf32, #tpu.memory_space<hbm>>
      %dma_start3A_43 = tpu.memref_squeeze %dma_start3A_42 : memref<1x128x64xf32, #tpu.memory_space<hbm>> -> memref<128x64xf32, #tpu.memory_space<hbm>>
      tpu.enqueue_dma source(%arg9 : memref<128x64xf32, #tpu.memory_space<vmem>>) target(%dma_start3A_43 : memref<128x64xf32, #tpu.memory_space<hbm>>) target_semaphore(%run_scoped3A : memref<!tpu.dma_semaphore, #tpu.memory_space<semaphore_mem>>)
      %dma_wait3A = arith.constant 0 : i32
      %dma_wait3A_44 = tpu.memref_slice %arg6[%arg0, %add3A_38, %dma_wait3A] : memref<2x10240x64xf32, #tpu.memory_space<hbm>> -> memref<1x128x64xf32, #tpu.memory_space<hbm>>
      %dma_wait3A_45 = tpu.memref_squeeze %dma_wait3A_44 : memref<1x128x64xf32, #tpu.memory_space<hbm>> -> memref<128x64xf32, #tpu.memory_space<hbm>>
      %dma_wait3A_46 = arith.constant 0 : i32
      %dma_wait3A_47 = tpu.memref_slice %arg6[%arg0, %add3A_38, %dma_wait3A_46] : memref<2x10240x64xf32, #tpu.memory_space<hbm>> -> memref<1x128x64xf32, #tpu.memory_space<hbm>>
      %dma_wait3A_48 = tpu.memref_squeeze %dma_wait3A_47 : memref<1x128x64xf32, #tpu.memory_space<hbm>> -> memref<128x64xf32, #tpu.memory_space<hbm>>
      tpu.wait_dma2 semaphore(%run_scoped3A : memref<!tpu.dma_semaphore, #tpu.memory_space<semaphore_mem>>) src(%arg9 : memref<128x64xf32, #tpu.memory_space<vmem>>) dst(%dma_wait3A_48 : memref<128x64xf32, #tpu.memory_space<hbm>>)
      tpu.yield
    }) : () -> ()
    return
  }
}

#map = affine_map<(d0, d1) -> (0, 0)>
#map1 = affine_map<(d0, d1) -> (0)>
#map2 = affine_map<(d0, d1) -> (0, 0, 0)>
module attributes {stable_mosaic.version = 14 : i64} {
  func.func @agg(%arg0: i32, %arg1: i32, %arg2: memref<10000x64xf32, #tpu.memory_space<hbm>>, %arg3: memref<323584xi32, #tpu.memory_space<hbm>>, %arg4: memref<323584xi32, #tpu.memory_space<hbm>>, %arg5: memref<128x64xf32, #tpu.memory_space<hbm>>, %arg6: memref<2x10240x64xf32, #tpu.memory_space<hbm>>, %arg7: memref<128xi32, #tpu.memory_space<vmem>>, %arg8: memref<128xi32, #tpu.memory_space<vmem>>, %arg9: memref<128x64xf32, #tpu.memory_space<vmem>>, %arg10: memref<10240x64xf32, #tpu.memory_space<vmem_shared>>, %arg11: memref<!tpu.dma_semaphore, #tpu.memory_space<semaphore_mem>>) attributes {dimension_semantics = [#tpu.dimension_semantics<core_parallel>, #tpu.dimension_semantics<subcore_parallel>], iteration_bounds = array<i64: 2, 16>, scalar_prefetch = 0 : i64, scratch_operands = 5 : i64, tpu.core_type = #tpu.core_type<sc_vector_subcore>, window_params = [{transform_indices = #map}, {transform_indices = #map1}, {transform_indices = #map1}, {transform_indices = #map}, {transform_indices = #map2}]} {
    %mul3A = arith.constant 16 : i32
    %mul3A_0 = arith.muli %arg0, %mul3A : i32
    %add3A = arith.addi %mul3A_0, %arg1 : i32
    %mul3A_1 = arith.constant 640 : i32
    %mul3A_2 = arith.muli %arg1, %mul3A_1 : i32
    "tpu.region"() ({
      %run_scoped3A = tpu.sem_alloc : memref<!tpu.dma_semaphore, #tpu.memory_space<semaphore_mem>>
      tpu.enqueue_dma source(%arg5 : memref<128x64xf32, #tpu.memory_space<hbm>>) target(%arg9 : memref<128x64xf32, #tpu.memory_space<vmem>>) target_semaphore(%run_scoped3A : memref<!tpu.dma_semaphore, #tpu.memory_space<semaphore_mem>>)
      tpu.wait_dma2 semaphore(%run_scoped3A : memref<!tpu.dma_semaphore, #tpu.memory_space<semaphore_mem>>) src(%arg5 : memref<128x64xf32, #tpu.memory_space<hbm>>) dst(%arg9 : memref<128x64xf32, #tpu.memory_space<vmem>>)
      tpu.yield
    }) : () -> ()
    %add3A_3 = arith.constant 0 : i32
    %add3A_4 = arith.addi %mul3A_2, %add3A_3 : i32
    "tpu.region"() ({
      %run_scoped3A = tpu.sem_alloc : memref<!tpu.dma_semaphore, #tpu.memory_space<semaphore_mem>>
      %dma_start3A = arith.constant 0 : i32
      %dma_start3A_39 = tpu.memref_slice %arg10[%add3A_4, %dma_start3A] : memref<10240x64xf32, #tpu.memory_space<vmem_shared>> -> memref<128x64xf32, #tpu.memory_space<vmem_shared>>
      %dma_start3A_40 = arith.constant 0 : i32
      %dma_start3A_41 = tpu.memref_slice %arg10[%add3A_4, %dma_start3A_40] : memref<10240x64xf32, #tpu.memory_space<vmem_shared>> -> memref<128x64xf32, #tpu.memory_space<vmem_shared>>
      tpu.enqueue_dma source(%arg9 : memref<128x64xf32, #tpu.memory_space<vmem>>) target(%dma_start3A_41 : memref<128x64xf32, #tpu.memory_space<vmem_shared>>) target_semaphore(%run_scoped3A : memref<!tpu.dma_semaphore, #tpu.memory_space<semaphore_mem>>)
      %dma_wait3A = arith.constant 0 : i32
      %dma_wait3A_42 = tpu.memref_slice %arg10[%add3A_4, %dma_wait3A] : memref<10240x64xf32, #tpu.memory_space<vmem_shared>> -> memref<128x64xf32, #tpu.memory_space<vmem_shared>>
      %dma_wait3A_43 = arith.constant 0 : i32
      %dma_wait3A_44 = tpu.memref_slice %arg10[%add3A_4, %dma_wait3A_43] : memref<10240x64xf32, #tpu.memory_space<vmem_shared>> -> memref<128x64xf32, #tpu.memory_space<vmem_shared>>
      tpu.wait_dma2 semaphore(%run_scoped3A : memref<!tpu.dma_semaphore, #tpu.memory_space<semaphore_mem>>) src(%arg9 : memref<128x64xf32, #tpu.memory_space<vmem>>) dst(%dma_wait3A_44 : memref<128x64xf32, #tpu.memory_space<vmem_shared>>)
      tpu.yield
    }) : () -> ()
    %add3A_5 = arith.constant 128 : i32
    %add3A_6 = arith.addi %mul3A_2, %add3A_5 : i32
    "tpu.region"() ({
      %run_scoped3A = tpu.sem_alloc : memref<!tpu.dma_semaphore, #tpu.memory_space<semaphore_mem>>
      %dma_start3A = arith.constant 0 : i32
      %dma_start3A_39 = tpu.memref_slice %arg10[%add3A_6, %dma_start3A] : memref<10240x64xf32, #tpu.memory_space<vmem_shared>> -> memref<128x64xf32, #tpu.memory_space<vmem_shared>>
      %dma_start3A_40 = arith.constant 0 : i32
      %dma_start3A_41 = tpu.memref_slice %arg10[%add3A_6, %dma_start3A_40] : memref<10240x64xf32, #tpu.memory_space<vmem_shared>> -> memref<128x64xf32, #tpu.memory_space<vmem_shared>>
      tpu.enqueue_dma source(%arg9 : memref<128x64xf32, #tpu.memory_space<vmem>>) target(%dma_start3A_41 : memref<128x64xf32, #tpu.memory_space<vmem_shared>>) target_semaphore(%run_scoped3A : memref<!tpu.dma_semaphore, #tpu.memory_space<semaphore_mem>>)
      %dma_wait3A = arith.constant 0 : i32
      %dma_wait3A_42 = tpu.memref_slice %arg10[%add3A_6, %dma_wait3A] : memref<10240x64xf32, #tpu.memory_space<vmem_shared>> -> memref<128x64xf32, #tpu.memory_space<vmem_shared>>
      %dma_wait3A_43 = arith.constant 0 : i32
      %dma_wait3A_44 = tpu.memref_slice %arg10[%add3A_6, %dma_wait3A_43] : memref<10240x64xf32, #tpu.memory_space<vmem_shared>> -> memref<128x64xf32, #tpu.memory_space<vmem_shared>>
      tpu.wait_dma2 semaphore(%run_scoped3A : memref<!tpu.dma_semaphore, #tpu.memory_space<semaphore_mem>>) src(%arg9 : memref<128x64xf32, #tpu.memory_space<vmem>>) dst(%dma_wait3A_44 : memref<128x64xf32, #tpu.memory_space<vmem_shared>>)
      tpu.yield
    }) : () -> ()
    %add3A_7 = arith.constant 256 : i32
    %add3A_8 = arith.addi %mul3A_2, %add3A_7 : i32
    "tpu.region"() ({
      %run_scoped3A = tpu.sem_alloc : memref<!tpu.dma_semaphore, #tpu.memory_space<semaphore_mem>>
      %dma_start3A = arith.constant 0 : i32
      %dma_start3A_39 = tpu.memref_slice %arg10[%add3A_8, %dma_start3A] : memref<10240x64xf32, #tpu.memory_space<vmem_shared>> -> memref<128x64xf32, #tpu.memory_space<vmem_shared>>
      %dma_start3A_40 = arith.constant 0 : i32
      %dma_start3A_41 = tpu.memref_slice %arg10[%add3A_8, %dma_start3A_40] : memref<10240x64xf32, #tpu.memory_space<vmem_shared>> -> memref<128x64xf32, #tpu.memory_space<vmem_shared>>
      tpu.enqueue_dma source(%arg9 : memref<128x64xf32, #tpu.memory_space<vmem>>) target(%dma_start3A_41 : memref<128x64xf32, #tpu.memory_space<vmem_shared>>) target_semaphore(%run_scoped3A : memref<!tpu.dma_semaphore, #tpu.memory_space<semaphore_mem>>)
      %dma_wait3A = arith.constant 0 : i32
      %dma_wait3A_42 = tpu.memref_slice %arg10[%add3A_8, %dma_wait3A] : memref<10240x64xf32, #tpu.memory_space<vmem_shared>> -> memref<128x64xf32, #tpu.memory_space<vmem_shared>>
      %dma_wait3A_43 = arith.constant 0 : i32
      %dma_wait3A_44 = tpu.memref_slice %arg10[%add3A_8, %dma_wait3A_43] : memref<10240x64xf32, #tpu.memory_space<vmem_shared>> -> memref<128x64xf32, #tpu.memory_space<vmem_shared>>
      tpu.wait_dma2 semaphore(%run_scoped3A : memref<!tpu.dma_semaphore, #tpu.memory_space<semaphore_mem>>) src(%arg9 : memref<128x64xf32, #tpu.memory_space<vmem>>) dst(%dma_wait3A_44 : memref<128x64xf32, #tpu.memory_space<vmem_shared>>)
      tpu.yield
    }) : () -> ()
    %add3A_9 = arith.constant 384 : i32
    %add3A_10 = arith.addi %mul3A_2, %add3A_9 : i32
    "tpu.region"() ({
      %run_scoped3A = tpu.sem_alloc : memref<!tpu.dma_semaphore, #tpu.memory_space<semaphore_mem>>
      %dma_start3A = arith.constant 0 : i32
      %dma_start3A_39 = tpu.memref_slice %arg10[%add3A_10, %dma_start3A] : memref<10240x64xf32, #tpu.memory_space<vmem_shared>> -> memref<128x64xf32, #tpu.memory_space<vmem_shared>>
      %dma_start3A_40 = arith.constant 0 : i32
      %dma_start3A_41 = tpu.memref_slice %arg10[%add3A_10, %dma_start3A_40] : memref<10240x64xf32, #tpu.memory_space<vmem_shared>> -> memref<128x64xf32, #tpu.memory_space<vmem_shared>>
      tpu.enqueue_dma source(%arg9 : memref<128x64xf32, #tpu.memory_space<vmem>>) target(%dma_start3A_41 : memref<128x64xf32, #tpu.memory_space<vmem_shared>>) target_semaphore(%run_scoped3A : memref<!tpu.dma_semaphore, #tpu.memory_space<semaphore_mem>>)
      %dma_wait3A = arith.constant 0 : i32
      %dma_wait3A_42 = tpu.memref_slice %arg10[%add3A_10, %dma_wait3A] : memref<10240x64xf32, #tpu.memory_space<vmem_shared>> -> memref<128x64xf32, #tpu.memory_space<vmem_shared>>
      %dma_wait3A_43 = arith.constant 0 : i32
      %dma_wait3A_44 = tpu.memref_slice %arg10[%add3A_10, %dma_wait3A_43] : memref<10240x64xf32, #tpu.memory_space<vmem_shared>> -> memref<128x64xf32, #tpu.memory_space<vmem_shared>>
      tpu.wait_dma2 semaphore(%run_scoped3A : memref<!tpu.dma_semaphore, #tpu.memory_space<semaphore_mem>>) src(%arg9 : memref<128x64xf32, #tpu.memory_space<vmem>>) dst(%dma_wait3A_44 : memref<128x64xf32, #tpu.memory_space<vmem_shared>>)
      tpu.yield
    }) : () -> ()
    %add3A_11 = arith.constant 512 : i32
    %add3A_12 = arith.addi %mul3A_2, %add3A_11 : i32
    "tpu.region"() ({
      %run_scoped3A = tpu.sem_alloc : memref<!tpu.dma_semaphore, #tpu.memory_space<semaphore_mem>>
      %dma_start3A = arith.constant 0 : i32
      %dma_start3A_39 = tpu.memref_slice %arg10[%add3A_12, %dma_start3A] : memref<10240x64xf32, #tpu.memory_space<vmem_shared>> -> memref<128x64xf32, #tpu.memory_space<vmem_shared>>
      %dma_start3A_40 = arith.constant 0 : i32
      %dma_start3A_41 = tpu.memref_slice %arg10[%add3A_12, %dma_start3A_40] : memref<10240x64xf32, #tpu.memory_space<vmem_shared>> -> memref<128x64xf32, #tpu.memory_space<vmem_shared>>
      tpu.enqueue_dma source(%arg9 : memref<128x64xf32, #tpu.memory_space<vmem>>) target(%dma_start3A_41 : memref<128x64xf32, #tpu.memory_space<vmem_shared>>) target_semaphore(%run_scoped3A : memref<!tpu.dma_semaphore, #tpu.memory_space<semaphore_mem>>)
      %dma_wait3A = arith.constant 0 : i32
      %dma_wait3A_42 = tpu.memref_slice %arg10[%add3A_12, %dma_wait3A] : memref<10240x64xf32, #tpu.memory_space<vmem_shared>> -> memref<128x64xf32, #tpu.memory_space<vmem_shared>>
      %dma_wait3A_43 = arith.constant 0 : i32
      %dma_wait3A_44 = tpu.memref_slice %arg10[%add3A_12, %dma_wait3A_43] : memref<10240x64xf32, #tpu.memory_space<vmem_shared>> -> memref<128x64xf32, #tpu.memory_space<vmem_shared>>
      tpu.wait_dma2 semaphore(%run_scoped3A : memref<!tpu.dma_semaphore, #tpu.memory_space<semaphore_mem>>) src(%arg9 : memref<128x64xf32, #tpu.memory_space<vmem>>) dst(%dma_wait3A_44 : memref<128x64xf32, #tpu.memory_space<vmem_shared>>)
      tpu.yield
    }) : () -> ()
    %barrier3A = arith.constant 0 : index
    tpu.barrier barrier_id(%barrier3A)
    %scan3A = arith.constant 0 : i32
    %scan3A_13 = arith.constant 0 : i32
    %scan3A_14 = arith.constant 79 : i32
    %scan3A_15 = arith.addi %scan3A_13, %scan3A_14 : i32
    %scan3A_16 = arith.constant 1 : i32
    scf.for %scan3A_39 = %scan3A_13 to %scan3A_15 step %scan3A_16  : i32 {
      %mul3A_40 = arith.constant 79 : i32
      %mul3A_41 = arith.muli %add3A, %mul3A_40 : i32
      %add3A_42 = arith.addi %mul3A_41, %scan3A_39 : i32
      %mul3A_43 = arith.constant 128 : i32
      %mul3A_44 = arith.muli %add3A_42, %mul3A_43 : i32
      %multiple_of3A = tpu.assume_multiple %mul3A_44, 128 : i32
      "tpu.region"() ({
        %run_scoped3A = tpu.sem_alloc : memref<!tpu.dma_semaphore, #tpu.memory_space<semaphore_mem>>
        %dma_start3A_49 = tpu.memref_slice %arg3[%multiple_of3A] : memref<323584xi32, #tpu.memory_space<hbm>> -> memref<128xi32, #tpu.memory_space<hbm>>
        %dma_start3A_50 = tpu.memref_slice %arg3[%multiple_of3A] : memref<323584xi32, #tpu.memory_space<hbm>> -> memref<128xi32, #tpu.memory_space<hbm>>
        tpu.enqueue_dma source(%dma_start3A_50 : memref<128xi32, #tpu.memory_space<hbm>>) target(%arg7 : memref<128xi32, #tpu.memory_space<vmem>>) target_semaphore(%run_scoped3A : memref<!tpu.dma_semaphore, #tpu.memory_space<semaphore_mem>>)
        %dma_wait3A_51 = tpu.memref_slice %arg3[%multiple_of3A] : memref<323584xi32, #tpu.memory_space<hbm>> -> memref<128xi32, #tpu.memory_space<hbm>>
        %dma_wait3A_52 = tpu.memref_slice %arg3[%multiple_of3A] : memref<323584xi32, #tpu.memory_space<hbm>> -> memref<128xi32, #tpu.memory_space<hbm>>
        tpu.wait_dma2 semaphore(%run_scoped3A : memref<!tpu.dma_semaphore, #tpu.memory_space<semaphore_mem>>) src(%dma_wait3A_52 : memref<128xi32, #tpu.memory_space<hbm>>) dst(%arg7 : memref<128xi32, #tpu.memory_space<vmem>>)
        tpu.yield
      }) : () -> ()
      "tpu.region"() ({
        %run_scoped3A = tpu.sem_alloc : memref<!tpu.dma_semaphore, #tpu.memory_space<semaphore_mem>>
        %dma_start3A_49 = tpu.memref_slice %arg4[%multiple_of3A] : memref<323584xi32, #tpu.memory_space<hbm>> -> memref<128xi32, #tpu.memory_space<hbm>>
        %dma_start3A_50 = tpu.memref_slice %arg4[%multiple_of3A] : memref<323584xi32, #tpu.memory_space<hbm>> -> memref<128xi32, #tpu.memory_space<hbm>>
        tpu.enqueue_dma source(%dma_start3A_50 : memref<128xi32, #tpu.memory_space<hbm>>) target(%arg8 : memref<128xi32, #tpu.memory_space<vmem>>) target_semaphore(%run_scoped3A : memref<!tpu.dma_semaphore, #tpu.memory_space<semaphore_mem>>)
        %dma_wait3A_51 = tpu.memref_slice %arg4[%multiple_of3A] : memref<323584xi32, #tpu.memory_space<hbm>> -> memref<128xi32, #tpu.memory_space<hbm>>
        %dma_wait3A_52 = tpu.memref_slice %arg4[%multiple_of3A] : memref<323584xi32, #tpu.memory_space<hbm>> -> memref<128xi32, #tpu.memory_space<hbm>>
        tpu.wait_dma2 semaphore(%run_scoped3A : memref<!tpu.dma_semaphore, #tpu.memory_space<semaphore_mem>>) src(%dma_wait3A_52 : memref<128xi32, #tpu.memory_space<hbm>>) dst(%arg8 : memref<128xi32, #tpu.memory_space<vmem>>)
        tpu.yield
      }) : () -> ()
      %dma_start3A = arith.constant 0 : i32
      %dma_start3A_45 = arith.constant 0 : i32
      %dma_start3A_46 = tpu.memref_slice %arg2[%dma_start3A, %dma_start3A_45] : memref<10000x64xf32, #tpu.memory_space<hbm>> -> memref<10000x64xf32, #tpu.memory_space<hbm>>
      tpu.enqueue_indirect_dma source(%dma_start3A_46 : memref<10000x64xf32, #tpu.memory_space<hbm>>) target(%arg9 : memref<128x64xf32, #tpu.memory_space<vmem>>) offsets(%arg7 : memref<128xi32, #tpu.memory_space<vmem>>) semaphore(%arg11 : memref<!tpu.dma_semaphore, #tpu.memory_space<semaphore_mem>>)
      %dma_wait3A = arith.constant 0 : i32
      %dma_wait3A_47 = arith.constant 0 : i32
      %dma_wait3A_48 = tpu.memref_slice %arg2[%dma_wait3A, %dma_wait3A_47] : memref<10000x64xf32, #tpu.memory_space<hbm>> -> memref<10000x64xf32, #tpu.memory_space<hbm>>
      tpu.wait_indirect_dma semaphore(%arg11 : memref<!tpu.dma_semaphore, #tpu.memory_space<semaphore_mem>>) src(%dma_wait3A_48 : memref<10000x64xf32, #tpu.memory_space<hbm>>) dst(%arg9 : memref<128x64xf32, #tpu.memory_space<vmem>>)
      "tpu.region"() ({
        %run_scoped3A = tpu.sem_alloc : memref<!tpu.dma_semaphore, #tpu.memory_space<semaphore_mem>>
        %dma_start3A_49 = arith.constant 0 : i32
        %dma_start3A_50 = arith.constant 0 : i32
        %dma_start3A_51 = tpu.memref_slice %arg10[%dma_start3A_49, %dma_start3A_50] : memref<10240x64xf32, #tpu.memory_space<vmem_shared>> -> memref<10240x64xf32, #tpu.memory_space<vmem_shared>>
        tpu.enqueue_indirect_dma source(%arg9 : memref<128x64xf32, #tpu.memory_space<vmem>>) target(%dma_start3A_51 : memref<10240x64xf32, #tpu.memory_space<vmem_shared>>) offsets(%arg8 : memref<128xi32, #tpu.memory_space<vmem>>) semaphore(%run_scoped3A : memref<!tpu.dma_semaphore, #tpu.memory_space<semaphore_mem>>) {add = true}
        %dma_wait3A_52 = arith.constant 0 : i32
        %dma_wait3A_53 = arith.constant 0 : i32
        %dma_wait3A_54 = tpu.memref_slice %arg10[%dma_wait3A_52, %dma_wait3A_53] : memref<10240x64xf32, #tpu.memory_space<vmem_shared>> -> memref<10240x64xf32, #tpu.memory_space<vmem_shared>>
        tpu.wait_indirect_dma semaphore(%run_scoped3A : memref<!tpu.dma_semaphore, #tpu.memory_space<semaphore_mem>>) src(%arg9 : memref<128x64xf32, #tpu.memory_space<vmem>>) dst(%dma_wait3A_54 : memref<10240x64xf32, #tpu.memory_space<vmem_shared>>)
        tpu.yield
      }) : () -> ()
    }
    %scan3A_17 = arith.constant 79 : i32
    %barrier3A_18 = arith.constant 0 : index
    tpu.barrier barrier_id(%barrier3A_18)
    %add3A_19 = arith.constant 0 : i32
    %add3A_20 = arith.addi %mul3A_2, %add3A_19 : i32
    "tpu.region"() ({
      %run_scoped3A = tpu.sem_alloc : memref<!tpu.dma_semaphore, #tpu.memory_space<semaphore_mem>>
      %dma_start3A = arith.constant 0 : i32
      %dma_start3A_39 = tpu.memref_slice %arg10[%add3A_20, %dma_start3A] : memref<10240x64xf32, #tpu.memory_space<vmem_shared>> -> memref<128x64xf32, #tpu.memory_space<vmem_shared>>
      %dma_start3A_40 = arith.constant 0 : i32
      %dma_start3A_41 = tpu.memref_slice %arg10[%add3A_20, %dma_start3A_40] : memref<10240x64xf32, #tpu.memory_space<vmem_shared>> -> memref<128x64xf32, #tpu.memory_space<vmem_shared>>
      tpu.enqueue_dma source(%dma_start3A_41 : memref<128x64xf32, #tpu.memory_space<vmem_shared>>) target(%arg9 : memref<128x64xf32, #tpu.memory_space<vmem>>) target_semaphore(%run_scoped3A : memref<!tpu.dma_semaphore, #tpu.memory_space<semaphore_mem>>)
      %dma_wait3A = arith.constant 0 : i32
      %dma_wait3A_42 = tpu.memref_slice %arg10[%add3A_20, %dma_wait3A] : memref<10240x64xf32, #tpu.memory_space<vmem_shared>> -> memref<128x64xf32, #tpu.memory_space<vmem_shared>>
      %dma_wait3A_43 = arith.constant 0 : i32
      %dma_wait3A_44 = tpu.memref_slice %arg10[%add3A_20, %dma_wait3A_43] : memref<10240x64xf32, #tpu.memory_space<vmem_shared>> -> memref<128x64xf32, #tpu.memory_space<vmem_shared>>
      tpu.wait_dma2 semaphore(%run_scoped3A : memref<!tpu.dma_semaphore, #tpu.memory_space<semaphore_mem>>) src(%dma_wait3A_44 : memref<128x64xf32, #tpu.memory_space<vmem_shared>>) dst(%arg9 : memref<128x64xf32, #tpu.memory_space<vmem>>)
      tpu.yield
    }) : () -> ()
    %add3A_21 = arith.constant 0 : i32
    %add3A_22 = arith.addi %mul3A_2, %add3A_21 : i32
    "tpu.region"() ({
      %run_scoped3A = tpu.sem_alloc : memref<!tpu.dma_semaphore, #tpu.memory_space<semaphore_mem>>
      %dma_start3A = arith.constant 0 : i32
      %dma_start3A_39 = tpu.memref_slice %arg6[%arg0, %add3A_22, %dma_start3A] : memref<2x10240x64xf32, #tpu.memory_space<hbm>> -> memref<1x128x64xf32, #tpu.memory_space<hbm>>
      %dma_start3A_40 = tpu.memref_squeeze %dma_start3A_39 : memref<1x128x64xf32, #tpu.memory_space<hbm>> -> memref<128x64xf32, #tpu.memory_space<hbm>>
      %dma_start3A_41 = arith.constant 0 : i32
      %dma_start3A_42 = tpu.memref_slice %arg6[%arg0, %add3A_22, %dma_start3A_41] : memref<2x10240x64xf32, #tpu.memory_space<hbm>> -> memref<1x128x64xf32, #tpu.memory_space<hbm>>
      %dma_start3A_43 = tpu.memref_squeeze %dma_start3A_42 : memref<1x128x64xf32, #tpu.memory_space<hbm>> -> memref<128x64xf32, #tpu.memory_space<hbm>>
      tpu.enqueue_dma source(%arg9 : memref<128x64xf32, #tpu.memory_space<vmem>>) target(%dma_start3A_43 : memref<128x64xf32, #tpu.memory_space<hbm>>) target_semaphore(%run_scoped3A : memref<!tpu.dma_semaphore, #tpu.memory_space<semaphore_mem>>)
      %dma_wait3A = arith.constant 0 : i32
      %dma_wait3A_44 = tpu.memref_slice %arg6[%arg0, %add3A_22, %dma_wait3A] : memref<2x10240x64xf32, #tpu.memory_space<hbm>> -> memref<1x128x64xf32, #tpu.memory_space<hbm>>
      %dma_wait3A_45 = tpu.memref_squeeze %dma_wait3A_44 : memref<1x128x64xf32, #tpu.memory_space<hbm>> -> memref<128x64xf32, #tpu.memory_space<hbm>>
      %dma_wait3A_46 = arith.constant 0 : i32
      %dma_wait3A_47 = tpu.memref_slice %arg6[%arg0, %add3A_22, %dma_wait3A_46] : memref<2x10240x64xf32, #tpu.memory_space<hbm>> -> memref<1x128x64xf32, #tpu.memory_space<hbm>>
      %dma_wait3A_48 = tpu.memref_squeeze %dma_wait3A_47 : memref<1x128x64xf32, #tpu.memory_space<hbm>> -> memref<128x64xf32, #tpu.memory_space<hbm>>
      tpu.wait_dma2 semaphore(%run_scoped3A : memref<!tpu.dma_semaphore, #tpu.memory_space<semaphore_mem>>) src(%arg9 : memref<128x64xf32, #tpu.memory_space<vmem>>) dst(%dma_wait3A_48 : memref<128x64xf32, #tpu.memory_space<hbm>>)
      tpu.yield
    }) : () -> ()
    %add3A_23 = arith.constant 128 : i32
    %add3A_24 = arith.addi %mul3A_2, %add3A_23 : i32
    "tpu.region"() ({
      %run_scoped3A = tpu.sem_alloc : memref<!tpu.dma_semaphore, #tpu.memory_space<semaphore_mem>>
      %dma_start3A = arith.constant 0 : i32
      %dma_start3A_39 = tpu.memref_slice %arg10[%add3A_24, %dma_start3A] : memref<10240x64xf32, #tpu.memory_space<vmem_shared>> -> memref<128x64xf32, #tpu.memory_space<vmem_shared>>
      %dma_start3A_40 = arith.constant 0 : i32
      %dma_start3A_41 = tpu.memref_slice %arg10[%add3A_24, %dma_start3A_40] : memref<10240x64xf32, #tpu.memory_space<vmem_shared>> -> memref<128x64xf32, #tpu.memory_space<vmem_shared>>
      tpu.enqueue_dma source(%dma_start3A_41 : memref<128x64xf32, #tpu.memory_space<vmem_shared>>) target(%arg9 : memref<128x64xf32, #tpu.memory_space<vmem>>) target_semaphore(%run_scoped3A : memref<!tpu.dma_semaphore, #tpu.memory_space<semaphore_mem>>)
      %dma_wait3A = arith.constant 0 : i32
      %dma_wait3A_42 = tpu.memref_slice %arg10[%add3A_24, %dma_wait3A] : memref<10240x64xf32, #tpu.memory_space<vmem_shared>> -> memref<128x64xf32, #tpu.memory_space<vmem_shared>>
      %dma_wait3A_43 = arith.constant 0 : i32
      %dma_wait3A_44 = tpu.memref_slice %arg10[%add3A_24, %dma_wait3A_43] : memref<10240x64xf32, #tpu.memory_space<vmem_shared>> -> memref<128x64xf32, #tpu.memory_space<vmem_shared>>
      tpu.wait_dma2 semaphore(%run_scoped3A : memref<!tpu.dma_semaphore, #tpu.memory_space<semaphore_mem>>) src(%dma_wait3A_44 : memref<128x64xf32, #tpu.memory_space<vmem_shared>>) dst(%arg9 : memref<128x64xf32, #tpu.memory_space<vmem>>)
      tpu.yield
    }) : () -> ()
    %add3A_25 = arith.constant 128 : i32
    %add3A_26 = arith.addi %mul3A_2, %add3A_25 : i32
    "tpu.region"() ({
      %run_scoped3A = tpu.sem_alloc : memref<!tpu.dma_semaphore, #tpu.memory_space<semaphore_mem>>
      %dma_start3A = arith.constant 0 : i32
      %dma_start3A_39 = tpu.memref_slice %arg6[%arg0, %add3A_26, %dma_start3A] : memref<2x10240x64xf32, #tpu.memory_space<hbm>> -> memref<1x128x64xf32, #tpu.memory_space<hbm>>
      %dma_start3A_40 = tpu.memref_squeeze %dma_start3A_39 : memref<1x128x64xf32, #tpu.memory_space<hbm>> -> memref<128x64xf32, #tpu.memory_space<hbm>>
      %dma_start3A_41 = arith.constant 0 : i32
      %dma_start3A_42 = tpu.memref_slice %arg6[%arg0, %add3A_26, %dma_start3A_41] : memref<2x10240x64xf32, #tpu.memory_space<hbm>> -> memref<1x128x64xf32, #tpu.memory_space<hbm>>
      %dma_start3A_43 = tpu.memref_squeeze %dma_start3A_42 : memref<1x128x64xf32, #tpu.memory_space<hbm>> -> memref<128x64xf32, #tpu.memory_space<hbm>>
      tpu.enqueue_dma source(%arg9 : memref<128x64xf32, #tpu.memory_space<vmem>>) target(%dma_start3A_43 : memref<128x64xf32, #tpu.memory_space<hbm>>) target_semaphore(%run_scoped3A : memref<!tpu.dma_semaphore, #tpu.memory_space<semaphore_mem>>)
      %dma_wait3A = arith.constant 0 : i32
      %dma_wait3A_44 = tpu.memref_slice %arg6[%arg0, %add3A_26, %dma_wait3A] : memref<2x10240x64xf32, #tpu.memory_space<hbm>> -> memref<1x128x64xf32, #tpu.memory_space<hbm>>
      %dma_wait3A_45 = tpu.memref_squeeze %dma_wait3A_44 : memref<1x128x64xf32, #tpu.memory_space<hbm>> -> memref<128x64xf32, #tpu.memory_space<hbm>>
      %dma_wait3A_46 = arith.constant 0 : i32
      %dma_wait3A_47 = tpu.memref_slice %arg6[%arg0, %add3A_26, %dma_wait3A_46] : memref<2x10240x64xf32, #tpu.memory_space<hbm>> -> memref<1x128x64xf32, #tpu.memory_space<hbm>>
      %dma_wait3A_48 = tpu.memref_squeeze %dma_wait3A_47 : memref<1x128x64xf32, #tpu.memory_space<hbm>> -> memref<128x64xf32, #tpu.memory_space<hbm>>
      tpu.wait_dma2 semaphore(%run_scoped3A : memref<!tpu.dma_semaphore, #tpu.memory_space<semaphore_mem>>) src(%arg9 : memref<128x64xf32, #tpu.memory_space<vmem>>) dst(%dma_wait3A_48 : memref<128x64xf32, #tpu.memory_space<hbm>>)
      tpu.yield
    }) : () -> ()
    %add3A_27 = arith.constant 256 : i32
    %add3A_28 = arith.addi %mul3A_2, %add3A_27 : i32
    "tpu.region"() ({
      %run_scoped3A = tpu.sem_alloc : memref<!tpu.dma_semaphore, #tpu.memory_space<semaphore_mem>>
      %dma_start3A = arith.constant 0 : i32
      %dma_start3A_39 = tpu.memref_slice %arg10[%add3A_28, %dma_start3A] : memref<10240x64xf32, #tpu.memory_space<vmem_shared>> -> memref<128x64xf32, #tpu.memory_space<vmem_shared>>
      %dma_start3A_40 = arith.constant 0 : i32
      %dma_start3A_41 = tpu.memref_slice %arg10[%add3A_28, %dma_start3A_40] : memref<10240x64xf32, #tpu.memory_space<vmem_shared>> -> memref<128x64xf32, #tpu.memory_space<vmem_shared>>
      tpu.enqueue_dma source(%dma_start3A_41 : memref<128x64xf32, #tpu.memory_space<vmem_shared>>) target(%arg9 : memref<128x64xf32, #tpu.memory_space<vmem>>) target_semaphore(%run_scoped3A : memref<!tpu.dma_semaphore, #tpu.memory_space<semaphore_mem>>)
      %dma_wait3A = arith.constant 0 : i32
      %dma_wait3A_42 = tpu.memref_slice %arg10[%add3A_28, %dma_wait3A] : memref<10240x64xf32, #tpu.memory_space<vmem_shared>> -> memref<128x64xf32, #tpu.memory_space<vmem_shared>>
      %dma_wait3A_43 = arith.constant 0 : i32
      %dma_wait3A_44 = tpu.memref_slice %arg10[%add3A_28, %dma_wait3A_43] : memref<10240x64xf32, #tpu.memory_space<vmem_shared>> -> memref<128x64xf32, #tpu.memory_space<vmem_shared>>
      tpu.wait_dma2 semaphore(%run_scoped3A : memref<!tpu.dma_semaphore, #tpu.memory_space<semaphore_mem>>) src(%dma_wait3A_44 : memref<128x64xf32, #tpu.memory_space<vmem_shared>>) dst(%arg9 : memref<128x64xf32, #tpu.memory_space<vmem>>)
      tpu.yield
    }) : () -> ()
    %add3A_29 = arith.constant 256 : i32
    %add3A_30 = arith.addi %mul3A_2, %add3A_29 : i32
    "tpu.region"() ({
      %run_scoped3A = tpu.sem_alloc : memref<!tpu.dma_semaphore, #tpu.memory_space<semaphore_mem>>
      %dma_start3A = arith.constant 0 : i32
      %dma_start3A_39 = tpu.memref_slice %arg6[%arg0, %add3A_30, %dma_start3A] : memref<2x10240x64xf32, #tpu.memory_space<hbm>> -> memref<1x128x64xf32, #tpu.memory_space<hbm>>
      %dma_start3A_40 = tpu.memref_squeeze %dma_start3A_39 : memref<1x128x64xf32, #tpu.memory_space<hbm>> -> memref<128x64xf32, #tpu.memory_space<hbm>>
      %dma_start3A_41 = arith.constant 0 : i32
      %dma_start3A_42 = tpu.memref_slice %arg6[%arg0, %add3A_30, %dma_start3A_41] : memref<2x10240x64xf32, #tpu.memory_space<hbm>> -> memref<1x128x64xf32, #tpu.memory_space<hbm>>
      %dma_start3A_43 = tpu.memref_squeeze %dma_start3A_42 : memref<1x128x64xf32, #tpu.memory_space<hbm>> -> memref<128x64xf32, #tpu.memory_space<hbm>>
      tpu.enqueue_dma source(%arg9 : memref<128x64xf32, #tpu.memory_space<vmem>>) target(%dma_start3A_43 : memref<128x64xf32, #tpu.memory_space<hbm>>) target_semaphore(%run_scoped3A : memref<!tpu.dma_semaphore, #tpu.memory_space<semaphore_mem>>)
      %dma_wait3A = arith.constant 0 : i32
      %dma_wait3A_44 = tpu.memref_slice %arg6[%arg0, %add3A_30, %dma_wait3A] : memref<2x10240x64xf32, #tpu.memory_space<hbm>> -> memref<1x128x64xf32, #tpu.memory_space<hbm>>
      %dma_wait3A_45 = tpu.memref_squeeze %dma_wait3A_44 : memref<1x128x64xf32, #tpu.memory_space<hbm>> -> memref<128x64xf32, #tpu.memory_space<hbm>>
      %dma_wait3A_46 = arith.constant 0 : i32
      %dma_wait3A_47 = tpu.memref_slice %arg6[%arg0, %add3A_30, %dma_wait3A_46] : memref<2x10240x64xf32, #tpu.memory_space<hbm>> -> memref<1x128x64xf32, #tpu.memory_space<hbm>>
      %dma_wait3A_48 = tpu.memref_squeeze %dma_wait3A_47 : memref<1x128x64xf32, #tpu.memory_space<hbm>> -> memref<128x64xf32, #tpu.memory_space<hbm>>
      tpu.wait_dma2 semaphore(%run_scoped3A : memref<!tpu.dma_semaphore, #tpu.memory_space<semaphore_mem>>) src(%arg9 : memref<128x64xf32, #tpu.memory_space<vmem>>) dst(%dma_wait3A_48 : memref<128x64xf32, #tpu.memory_space<hbm>>)
      tpu.yield
    }) : () -> ()
    %add3A_31 = arith.constant 384 : i32
    %add3A_32 = arith.addi %mul3A_2, %add3A_31 : i32
    "tpu.region"() ({
      %run_scoped3A = tpu.sem_alloc : memref<!tpu.dma_semaphore, #tpu.memory_space<semaphore_mem>>
      %dma_start3A = arith.constant 0 : i32
      %dma_start3A_39 = tpu.memref_slice %arg10[%add3A_32, %dma_start3A] : memref<10240x64xf32, #tpu.memory_space<vmem_shared>> -> memref<128x64xf32, #tpu.memory_space<vmem_shared>>
      %dma_start3A_40 = arith.constant 0 : i32
      %dma_start3A_41 = tpu.memref_slice %arg10[%add3A_32, %dma_start3A_40] : memref<10240x64xf32, #tpu.memory_space<vmem_shared>> -> memref<128x64xf32, #tpu.memory_space<vmem_shared>>
      tpu.enqueue_dma source(%dma_start3A_41 : memref<128x64xf32, #tpu.memory_space<vmem_shared>>) target(%arg9 : memref<128x64xf32, #tpu.memory_space<vmem>>) target_semaphore(%run_scoped3A : memref<!tpu.dma_semaphore, #tpu.memory_space<semaphore_mem>>)
      %dma_wait3A = arith.constant 0 : i32
      %dma_wait3A_42 = tpu.memref_slice %arg10[%add3A_32, %dma_wait3A] : memref<10240x64xf32, #tpu.memory_space<vmem_shared>> -> memref<128x64xf32, #tpu.memory_space<vmem_shared>>
      %dma_wait3A_43 = arith.constant 0 : i32
      %dma_wait3A_44 = tpu.memref_slice %arg10[%add3A_32, %dma_wait3A_43] : memref<10240x64xf32, #tpu.memory_space<vmem_shared>> -> memref<128x64xf32, #tpu.memory_space<vmem_shared>>
      tpu.wait_dma2 semaphore(%run_scoped3A : memref<!tpu.dma_semaphore, #tpu.memory_space<semaphore_mem>>) src(%dma_wait3A_44 : memref<128x64xf32, #tpu.memory_space<vmem_shared>>) dst(%arg9 : memref<128x64xf32, #tpu.memory_space<vmem>>)
      tpu.yield
    }) : () -> ()
    %add3A_33 = arith.constant 384 : i32
    %add3A_34 = arith.addi %mul3A_2, %add3A_33 : i32
    "tpu.region"() ({
      %run_scoped3A = tpu.sem_alloc : memref<!tpu.dma_semaphore, #tpu.memory_space<semaphore_mem>>
      %dma_start3A = arith.constant 0 : i32
      %dma_start3A_39 = tpu.memref_slice %arg6[%arg0, %add3A_34, %dma_start3A] : memref<2x10240x64xf32, #tpu.memory_space<hbm>> -> memref<1x128x64xf32, #tpu.memory_space<hbm>>
      %dma_start3A_40 = tpu.memref_squeeze %dma_start3A_39 : memref<1x128x64xf32, #tpu.memory_space<hbm>> -> memref<128x64xf32, #tpu.memory_space<hbm>>
      %dma_start3A_41 = arith.constant 0 : i32
      %dma_start3A_42 = tpu.memref_slice %arg6[%arg0, %add3A_34, %dma_start3A_41] : memref<2x10240x64xf32, #tpu.memory_space<hbm>> -> memref<1x128x64xf32, #tpu.memory_space<hbm>>
      %dma_start3A_43 = tpu.memref_squeeze %dma_start3A_42 : memref<1x128x64xf32, #tpu.memory_space<hbm>> -> memref<128x64xf32, #tpu.memory_space<hbm>>
      tpu.enqueue_dma source(%arg9 : memref<128x64xf32, #tpu.memory_space<vmem>>) target(%dma_start3A_43 : memref<128x64xf32, #tpu.memory_space<hbm>>) target_semaphore(%run_scoped3A : memref<!tpu.dma_semaphore, #tpu.memory_space<semaphore_mem>>)
      %dma_wait3A = arith.constant 0 : i32
      %dma_wait3A_44 = tpu.memref_slice %arg6[%arg0, %add3A_34, %dma_wait3A] : memref<2x10240x64xf32, #tpu.memory_space<hbm>> -> memref<1x128x64xf32, #tpu.memory_space<hbm>>
      %dma_wait3A_45 = tpu.memref_squeeze %dma_wait3A_44 : memref<1x128x64xf32, #tpu.memory_space<hbm>> -> memref<128x64xf32, #tpu.memory_space<hbm>>
      %dma_wait3A_46 = arith.constant 0 : i32
      %dma_wait3A_47 = tpu.memref_slice %arg6[%arg0, %add3A_34, %dma_wait3A_46] : memref<2x10240x64xf32, #tpu.memory_space<hbm>> -> memref<1x128x64xf32, #tpu.memory_space<hbm>>
      %dma_wait3A_48 = tpu.memref_squeeze %dma_wait3A_47 : memref<1x128x64xf32, #tpu.memory_space<hbm>> -> memref<128x64xf32, #tpu.memory_space<hbm>>
      tpu.wait_dma2 semaphore(%run_scoped3A : memref<!tpu.dma_semaphore, #tpu.memory_space<semaphore_mem>>) src(%arg9 : memref<128x64xf32, #tpu.memory_space<vmem>>) dst(%dma_wait3A_48 : memref<128x64xf32, #tpu.memory_space<hbm>>)
      tpu.yield
    }) : () -> ()
    %add3A_35 = arith.constant 512 : i32
    %add3A_36 = arith.addi %mul3A_2, %add3A_35 : i32
    "tpu.region"() ({
      %run_scoped3A = tpu.sem_alloc : memref<!tpu.dma_semaphore, #tpu.memory_space<semaphore_mem>>
      %dma_start3A = arith.constant 0 : i32
      %dma_start3A_39 = tpu.memref_slice %arg10[%add3A_36, %dma_start3A] : memref<10240x64xf32, #tpu.memory_space<vmem_shared>> -> memref<128x64xf32, #tpu.memory_space<vmem_shared>>
      %dma_start3A_40 = arith.constant 0 : i32
      %dma_start3A_41 = tpu.memref_slice %arg10[%add3A_36, %dma_start3A_40] : memref<10240x64xf32, #tpu.memory_space<vmem_shared>> -> memref<128x64xf32, #tpu.memory_space<vmem_shared>>
      tpu.enqueue_dma source(%dma_start3A_41 : memref<128x64xf32, #tpu.memory_space<vmem_shared>>) target(%arg9 : memref<128x64xf32, #tpu.memory_space<vmem>>) target_semaphore(%run_scoped3A : memref<!tpu.dma_semaphore, #tpu.memory_space<semaphore_mem>>)
      %dma_wait3A = arith.constant 0 : i32
      %dma_wait3A_42 = tpu.memref_slice %arg10[%add3A_36, %dma_wait3A] : memref<10240x64xf32, #tpu.memory_space<vmem_shared>> -> memref<128x64xf32, #tpu.memory_space<vmem_shared>>
      %dma_wait3A_43 = arith.constant 0 : i32
      %dma_wait3A_44 = tpu.memref_slice %arg10[%add3A_36, %dma_wait3A_43] : memref<10240x64xf32, #tpu.memory_space<vmem_shared>> -> memref<128x64xf32, #tpu.memory_space<vmem_shared>>
      tpu.wait_dma2 semaphore(%run_scoped3A : memref<!tpu.dma_semaphore, #tpu.memory_space<semaphore_mem>>) src(%dma_wait3A_44 : memref<128x64xf32, #tpu.memory_space<vmem_shared>>) dst(%arg9 : memref<128x64xf32, #tpu.memory_space<vmem>>)
      tpu.yield
    }) : () -> ()
    %add3A_37 = arith.constant 512 : i32
    %add3A_38 = arith.addi %mul3A_2, %add3A_37 : i32
    "tpu.region"() ({
      %run_scoped3A = tpu.sem_alloc : memref<!tpu.dma_semaphore, #tpu.memory_space<semaphore_mem>>
      %dma_start3A = arith.constant 0 : i32
      %dma_start3A_39 = tpu.memref_slice %arg6[%arg0, %add3A_38, %dma_start3A] : memref<2x10240x64xf32, #tpu.memory_space<hbm>> -> memref<1x128x64xf32, #tpu.memory_space<hbm>>
      %dma_start3A_40 = tpu.memref_squeeze %dma_start3A_39 : memref<1x128x64xf32, #tpu.memory_space<hbm>> -> memref<128x64xf32, #tpu.memory_space<hbm>>
      %dma_start3A_41 = arith.constant 0 : i32
      %dma_start3A_42 = tpu.memref_slice %arg6[%arg0, %add3A_38, %dma_start3A_41] : memref<2x10240x64xf32, #tpu.memory_space<hbm>> -> memref<1x128x64xf32, #tpu.memory_space<hbm>>
      %dma_start3A_43 = tpu.memref_squeeze %dma_start3A_42 : memref<1x128x64xf32, #tpu.memory_space<hbm>> -> memref<128x64xf32, #tpu.memory_space<hbm>>
      tpu.enqueue_dma source(%arg9 : memref<128x64xf32, #tpu.memory_space<vmem>>) target(%dma_start3A_43 : memref<128x64xf32, #tpu.memory_space<hbm>>) target_semaphore(%run_scoped3A : memref<!tpu.dma_semaphore, #tpu.memory_space<semaphore_mem>>)
      %dma_wait3A = arith.constant 0 : i32
      %dma_wait3A_44 = tpu.memref_slice %arg6[%arg0, %add3A_38, %dma_wait3A] : memref<2x10240x64xf32, #tpu.memory_space<hbm>> -> memref<1x128x64xf32, #tpu.memory_space<hbm>>
      %dma_wait3A_45 = tpu.memref_squeeze %dma_wait3A_44 : memref<1x128x64xf32, #tpu.memory_space<hbm>> -> memref<128x64xf32, #tpu.memory_space<hbm>>
      %dma_wait3A_46 = arith.constant 0 : i32
      %dma_wait3A_47 = tpu.memref_slice %arg6[%arg0, %add3A_38, %dma_wait3A_46] : memref<2x10240x64xf32, #tpu.memory_space<hbm>> -> memref<1x128x64xf32, #tpu.memory_space<hbm>>
      %dma_wait3A_48 = tpu.memref_squeeze %dma_wait3A_47 : memref<1x128x64xf32, #tpu.memory_space<hbm>> -> memref<128x64xf32, #tpu.memory_space<hbm>>
      tpu.wait_dma2 semaphore(%run_scoped3A : memref<!tpu.dma_semaphore, #tpu.memory_space<semaphore_mem>>) src(%arg9 : memref<128x64xf32, #tpu.memory_space<vmem>>) dst(%dma_wait3A_48 : memref<128x64xf32, #tpu.memory_space<hbm>>)
      tpu.yield
    }) : () -> ()
    return
  }
}

#map = affine_map<(d0, d1) -> (0, 0)>
#map1 = affine_map<(d0, d1) -> (0)>
#map2 = affine_map<(d0, d1) -> (0, 0, 0)>
module attributes {stable_mosaic.version = 14 : i64} {
  func.func @agg(%arg0: i32, %arg1: i32, %arg2: memref<10000x64xf32, #tpu.memory_space<hbm>>, %arg3: memref<323584xi32, #tpu.memory_space<hbm>>, %arg4: memref<323584xi32, #tpu.memory_space<hbm>>, %arg5: memref<128x64xf32, #tpu.memory_space<hbm>>, %arg6: memref<2x10240x64xf32, #tpu.memory_space<hbm>>, %arg7: memref<128xi32, #tpu.memory_space<vmem>>, %arg8: memref<128xi32, #tpu.memory_space<vmem>>, %arg9: memref<128x64xf32, #tpu.memory_space<vmem>>, %arg10: memref<10240x64xf32, #tpu.memory_space<vmem_shared>>, %arg11: memref<!tpu.dma_semaphore, #tpu.memory_space<semaphore_mem>>) attributes {dimension_semantics = [#tpu.dimension_semantics<core_parallel>, #tpu.dimension_semantics<subcore_parallel>], iteration_bounds = array<i64: 2, 16>, scalar_prefetch = 0 : i64, scratch_operands = 5 : i64, tpu.core_type = #tpu.core_type<sc_vector_subcore>, window_params = [{transform_indices = #map}, {transform_indices = #map1}, {transform_indices = #map1}, {transform_indices = #map}, {transform_indices = #map2}]} {
    %mul3A = arith.constant 16 : i32
    %mul3A_0 = arith.muli %arg0, %mul3A : i32
    %add3A = arith.addi %mul3A_0, %arg1 : i32
    %mul3A_1 = arith.constant 640 : i32
    %mul3A_2 = arith.muli %arg1, %mul3A_1 : i32
    "tpu.region"() ({
      %run_scoped3A = tpu.sem_alloc : memref<!tpu.dma_semaphore, #tpu.memory_space<semaphore_mem>>
      tpu.enqueue_dma source(%arg5 : memref<128x64xf32, #tpu.memory_space<hbm>>) target(%arg9 : memref<128x64xf32, #tpu.memory_space<vmem>>) target_semaphore(%run_scoped3A : memref<!tpu.dma_semaphore, #tpu.memory_space<semaphore_mem>>)
      tpu.wait_dma2 semaphore(%run_scoped3A : memref<!tpu.dma_semaphore, #tpu.memory_space<semaphore_mem>>) src(%arg5 : memref<128x64xf32, #tpu.memory_space<hbm>>) dst(%arg9 : memref<128x64xf32, #tpu.memory_space<vmem>>)
      tpu.yield
    }) : () -> ()
    %add3A_3 = arith.constant 0 : i32
    %add3A_4 = arith.addi %mul3A_2, %add3A_3 : i32
    "tpu.region"() ({
      %run_scoped3A = tpu.sem_alloc : memref<!tpu.dma_semaphore, #tpu.memory_space<semaphore_mem>>
      %dma_start3A = arith.constant 0 : i32
      %dma_start3A_39 = tpu.memref_slice %arg10[%add3A_4, %dma_start3A] : memref<10240x64xf32, #tpu.memory_space<vmem_shared>> -> memref<128x64xf32, #tpu.memory_space<vmem_shared>>
      %dma_start3A_40 = arith.constant 0 : i32
      %dma_start3A_41 = tpu.memref_slice %arg10[%add3A_4, %dma_start3A_40] : memref<10240x64xf32, #tpu.memory_space<vmem_shared>> -> memref<128x64xf32, #tpu.memory_space<vmem_shared>>
      tpu.enqueue_dma source(%arg9 : memref<128x64xf32, #tpu.memory_space<vmem>>) target(%dma_start3A_41 : memref<128x64xf32, #tpu.memory_space<vmem_shared>>) target_semaphore(%run_scoped3A : memref<!tpu.dma_semaphore, #tpu.memory_space<semaphore_mem>>)
      %dma_wait3A = arith.constant 0 : i32
      %dma_wait3A_42 = tpu.memref_slice %arg10[%add3A_4, %dma_wait3A] : memref<10240x64xf32, #tpu.memory_space<vmem_shared>> -> memref<128x64xf32, #tpu.memory_space<vmem_shared>>
      %dma_wait3A_43 = arith.constant 0 : i32
      %dma_wait3A_44 = tpu.memref_slice %arg10[%add3A_4, %dma_wait3A_43] : memref<10240x64xf32, #tpu.memory_space<vmem_shared>> -> memref<128x64xf32, #tpu.memory_space<vmem_shared>>
      tpu.wait_dma2 semaphore(%run_scoped3A : memref<!tpu.dma_semaphore, #tpu.memory_space<semaphore_mem>>) src(%arg9 : memref<128x64xf32, #tpu.memory_space<vmem>>) dst(%dma_wait3A_44 : memref<128x64xf32, #tpu.memory_space<vmem_shared>>)
      tpu.yield
    }) : () -> ()
    %add3A_5 = arith.constant 128 : i32
    %add3A_6 = arith.addi %mul3A_2, %add3A_5 : i32
    "tpu.region"() ({
      %run_scoped3A = tpu.sem_alloc : memref<!tpu.dma_semaphore, #tpu.memory_space<semaphore_mem>>
      %dma_start3A = arith.constant 0 : i32
      %dma_start3A_39 = tpu.memref_slice %arg10[%add3A_6, %dma_start3A] : memref<10240x64xf32, #tpu.memory_space<vmem_shared>> -> memref<128x64xf32, #tpu.memory_space<vmem_shared>>
      %dma_start3A_40 = arith.constant 0 : i32
      %dma_start3A_41 = tpu.memref_slice %arg10[%add3A_6, %dma_start3A_40] : memref<10240x64xf32, #tpu.memory_space<vmem_shared>> -> memref<128x64xf32, #tpu.memory_space<vmem_shared>>
      tpu.enqueue_dma source(%arg9 : memref<128x64xf32, #tpu.memory_space<vmem>>) target(%dma_start3A_41 : memref<128x64xf32, #tpu.memory_space<vmem_shared>>) target_semaphore(%run_scoped3A : memref<!tpu.dma_semaphore, #tpu.memory_space<semaphore_mem>>)
      %dma_wait3A = arith.constant 0 : i32
      %dma_wait3A_42 = tpu.memref_slice %arg10[%add3A_6, %dma_wait3A] : memref<10240x64xf32, #tpu.memory_space<vmem_shared>> -> memref<128x64xf32, #tpu.memory_space<vmem_shared>>
      %dma_wait3A_43 = arith.constant 0 : i32
      %dma_wait3A_44 = tpu.memref_slice %arg10[%add3A_6, %dma_wait3A_43] : memref<10240x64xf32, #tpu.memory_space<vmem_shared>> -> memref<128x64xf32, #tpu.memory_space<vmem_shared>>
      tpu.wait_dma2 semaphore(%run_scoped3A : memref<!tpu.dma_semaphore, #tpu.memory_space<semaphore_mem>>) src(%arg9 : memref<128x64xf32, #tpu.memory_space<vmem>>) dst(%dma_wait3A_44 : memref<128x64xf32, #tpu.memory_space<vmem_shared>>)
      tpu.yield
    }) : () -> ()
    %add3A_7 = arith.constant 256 : i32
    %add3A_8 = arith.addi %mul3A_2, %add3A_7 : i32
    "tpu.region"() ({
      %run_scoped3A = tpu.sem_alloc : memref<!tpu.dma_semaphore, #tpu.memory_space<semaphore_mem>>
      %dma_start3A = arith.constant 0 : i32
      %dma_start3A_39 = tpu.memref_slice %arg10[%add3A_8, %dma_start3A] : memref<10240x64xf32, #tpu.memory_space<vmem_shared>> -> memref<128x64xf32, #tpu.memory_space<vmem_shared>>
      %dma_start3A_40 = arith.constant 0 : i32
      %dma_start3A_41 = tpu.memref_slice %arg10[%add3A_8, %dma_start3A_40] : memref<10240x64xf32, #tpu.memory_space<vmem_shared>> -> memref<128x64xf32, #tpu.memory_space<vmem_shared>>
      tpu.enqueue_dma source(%arg9 : memref<128x64xf32, #tpu.memory_space<vmem>>) target(%dma_start3A_41 : memref<128x64xf32, #tpu.memory_space<vmem_shared>>) target_semaphore(%run_scoped3A : memref<!tpu.dma_semaphore, #tpu.memory_space<semaphore_mem>>)
      %dma_wait3A = arith.constant 0 : i32
      %dma_wait3A_42 = tpu.memref_slice %arg10[%add3A_8, %dma_wait3A] : memref<10240x64xf32, #tpu.memory_space<vmem_shared>> -> memref<128x64xf32, #tpu.memory_space<vmem_shared>>
      %dma_wait3A_43 = arith.constant 0 : i32
      %dma_wait3A_44 = tpu.memref_slice %arg10[%add3A_8, %dma_wait3A_43] : memref<10240x64xf32, #tpu.memory_space<vmem_shared>> -> memref<128x64xf32, #tpu.memory_space<vmem_shared>>
      tpu.wait_dma2 semaphore(%run_scoped3A : memref<!tpu.dma_semaphore, #tpu.memory_space<semaphore_mem>>) src(%arg9 : memref<128x64xf32, #tpu.memory_space<vmem>>) dst(%dma_wait3A_44 : memref<128x64xf32, #tpu.memory_space<vmem_shared>>)
      tpu.yield
    }) : () -> ()
    %add3A_9 = arith.constant 384 : i32
    %add3A_10 = arith.addi %mul3A_2, %add3A_9 : i32
    "tpu.region"() ({
      %run_scoped3A = tpu.sem_alloc : memref<!tpu.dma_semaphore, #tpu.memory_space<semaphore_mem>>
      %dma_start3A = arith.constant 0 : i32
      %dma_start3A_39 = tpu.memref_slice %arg10[%add3A_10, %dma_start3A] : memref<10240x64xf32, #tpu.memory_space<vmem_shared>> -> memref<128x64xf32, #tpu.memory_space<vmem_shared>>
      %dma_start3A_40 = arith.constant 0 : i32
      %dma_start3A_41 = tpu.memref_slice %arg10[%add3A_10, %dma_start3A_40] : memref<10240x64xf32, #tpu.memory_space<vmem_shared>> -> memref<128x64xf32, #tpu.memory_space<vmem_shared>>
      tpu.enqueue_dma source(%arg9 : memref<128x64xf32, #tpu.memory_space<vmem>>) target(%dma_start3A_41 : memref<128x64xf32, #tpu.memory_space<vmem_shared>>) target_semaphore(%run_scoped3A : memref<!tpu.dma_semaphore, #tpu.memory_space<semaphore_mem>>)
      %dma_wait3A = arith.constant 0 : i32
      %dma_wait3A_42 = tpu.memref_slice %arg10[%add3A_10, %dma_wait3A] : memref<10240x64xf32, #tpu.memory_space<vmem_shared>> -> memref<128x64xf32, #tpu.memory_space<vmem_shared>>
      %dma_wait3A_43 = arith.constant 0 : i32
      %dma_wait3A_44 = tpu.memref_slice %arg10[%add3A_10, %dma_wait3A_43] : memref<10240x64xf32, #tpu.memory_space<vmem_shared>> -> memref<128x64xf32, #tpu.memory_space<vmem_shared>>
      tpu.wait_dma2 semaphore(%run_scoped3A : memref<!tpu.dma_semaphore, #tpu.memory_space<semaphore_mem>>) src(%arg9 : memref<128x64xf32, #tpu.memory_space<vmem>>) dst(%dma_wait3A_44 : memref<128x64xf32, #tpu.memory_space<vmem_shared>>)
      tpu.yield
    }) : () -> ()
    %add3A_11 = arith.constant 512 : i32
    %add3A_12 = arith.addi %mul3A_2, %add3A_11 : i32
    "tpu.region"() ({
      %run_scoped3A = tpu.sem_alloc : memref<!tpu.dma_semaphore, #tpu.memory_space<semaphore_mem>>
      %dma_start3A = arith.constant 0 : i32
      %dma_start3A_39 = tpu.memref_slice %arg10[%add3A_12, %dma_start3A] : memref<10240x64xf32, #tpu.memory_space<vmem_shared>> -> memref<128x64xf32, #tpu.memory_space<vmem_shared>>
      %dma_start3A_40 = arith.constant 0 : i32
      %dma_start3A_41 = tpu.memref_slice %arg10[%add3A_12, %dma_start3A_40] : memref<10240x64xf32, #tpu.memory_space<vmem_shared>> -> memref<128x64xf32, #tpu.memory_space<vmem_shared>>
      tpu.enqueue_dma source(%arg9 : memref<128x64xf32, #tpu.memory_space<vmem>>) target(%dma_start3A_41 : memref<128x64xf32, #tpu.memory_space<vmem_shared>>) target_semaphore(%run_scoped3A : memref<!tpu.dma_semaphore, #tpu.memory_space<semaphore_mem>>)
      %dma_wait3A = arith.constant 0 : i32
      %dma_wait3A_42 = tpu.memref_slice %arg10[%add3A_12, %dma_wait3A] : memref<10240x64xf32, #tpu.memory_space<vmem_shared>> -> memref<128x64xf32, #tpu.memory_space<vmem_shared>>
      %dma_wait3A_43 = arith.constant 0 : i32
      %dma_wait3A_44 = tpu.memref_slice %arg10[%add3A_12, %dma_wait3A_43] : memref<10240x64xf32, #tpu.memory_space<vmem_shared>> -> memref<128x64xf32, #tpu.memory_space<vmem_shared>>
      tpu.wait_dma2 semaphore(%run_scoped3A : memref<!tpu.dma_semaphore, #tpu.memory_space<semaphore_mem>>) src(%arg9 : memref<128x64xf32, #tpu.memory_space<vmem>>) dst(%dma_wait3A_44 : memref<128x64xf32, #tpu.memory_space<vmem_shared>>)
      tpu.yield
    }) : () -> ()
    %barrier3A = arith.constant 0 : index
    tpu.barrier barrier_id(%barrier3A)
    %scan3A = arith.constant 0 : i32
    %scan3A_13 = arith.constant 0 : i32
    %scan3A_14 = arith.constant 79 : i32
    %scan3A_15 = arith.addi %scan3A_13, %scan3A_14 : i32
    %scan3A_16 = arith.constant 1 : i32
    scf.for %scan3A_39 = %scan3A_13 to %scan3A_15 step %scan3A_16  : i32 {
      %mul3A_40 = arith.constant 79 : i32
      %mul3A_41 = arith.muli %add3A, %mul3A_40 : i32
      %add3A_42 = arith.addi %mul3A_41, %scan3A_39 : i32
      %mul3A_43 = arith.constant 128 : i32
      %mul3A_44 = arith.muli %add3A_42, %mul3A_43 : i32
      %multiple_of3A = tpu.assume_multiple %mul3A_44, 128 : i32
      "tpu.region"() ({
        %run_scoped3A = tpu.sem_alloc : memref<!tpu.dma_semaphore, #tpu.memory_space<semaphore_mem>>
        %dma_start3A_49 = tpu.memref_slice %arg3[%multiple_of3A] : memref<323584xi32, #tpu.memory_space<hbm>> -> memref<128xi32, #tpu.memory_space<hbm>>
        %dma_start3A_50 = tpu.memref_slice %arg3[%multiple_of3A] : memref<323584xi32, #tpu.memory_space<hbm>> -> memref<128xi32, #tpu.memory_space<hbm>>
        tpu.enqueue_dma source(%dma_start3A_50 : memref<128xi32, #tpu.memory_space<hbm>>) target(%arg7 : memref<128xi32, #tpu.memory_space<vmem>>) target_semaphore(%run_scoped3A : memref<!tpu.dma_semaphore, #tpu.memory_space<semaphore_mem>>)
        %dma_wait3A_51 = tpu.memref_slice %arg3[%multiple_of3A] : memref<323584xi32, #tpu.memory_space<hbm>> -> memref<128xi32, #tpu.memory_space<hbm>>
        %dma_wait3A_52 = tpu.memref_slice %arg3[%multiple_of3A] : memref<323584xi32, #tpu.memory_space<hbm>> -> memref<128xi32, #tpu.memory_space<hbm>>
        tpu.wait_dma2 semaphore(%run_scoped3A : memref<!tpu.dma_semaphore, #tpu.memory_space<semaphore_mem>>) src(%dma_wait3A_52 : memref<128xi32, #tpu.memory_space<hbm>>) dst(%arg7 : memref<128xi32, #tpu.memory_space<vmem>>)
        tpu.yield
      }) : () -> ()
      "tpu.region"() ({
        %run_scoped3A = tpu.sem_alloc : memref<!tpu.dma_semaphore, #tpu.memory_space<semaphore_mem>>
        %dma_start3A_49 = tpu.memref_slice %arg4[%multiple_of3A] : memref<323584xi32, #tpu.memory_space<hbm>> -> memref<128xi32, #tpu.memory_space<hbm>>
        %dma_start3A_50 = tpu.memref_slice %arg4[%multiple_of3A] : memref<323584xi32, #tpu.memory_space<hbm>> -> memref<128xi32, #tpu.memory_space<hbm>>
        tpu.enqueue_dma source(%dma_start3A_50 : memref<128xi32, #tpu.memory_space<hbm>>) target(%arg8 : memref<128xi32, #tpu.memory_space<vmem>>) target_semaphore(%run_scoped3A : memref<!tpu.dma_semaphore, #tpu.memory_space<semaphore_mem>>)
        %dma_wait3A_51 = tpu.memref_slice %arg4[%multiple_of3A] : memref<323584xi32, #tpu.memory_space<hbm>> -> memref<128xi32, #tpu.memory_space<hbm>>
        %dma_wait3A_52 = tpu.memref_slice %arg4[%multiple_of3A] : memref<323584xi32, #tpu.memory_space<hbm>> -> memref<128xi32, #tpu.memory_space<hbm>>
        tpu.wait_dma2 semaphore(%run_scoped3A : memref<!tpu.dma_semaphore, #tpu.memory_space<semaphore_mem>>) src(%dma_wait3A_52 : memref<128xi32, #tpu.memory_space<hbm>>) dst(%arg8 : memref<128xi32, #tpu.memory_space<vmem>>)
        tpu.yield
      }) : () -> ()
      %dma_start3A = arith.constant 0 : i32
      %dma_start3A_45 = arith.constant 0 : i32
      %dma_start3A_46 = tpu.memref_slice %arg2[%dma_start3A, %dma_start3A_45] : memref<10000x64xf32, #tpu.memory_space<hbm>> -> memref<10000x64xf32, #tpu.memory_space<hbm>>
      tpu.enqueue_indirect_dma source(%dma_start3A_46 : memref<10000x64xf32, #tpu.memory_space<hbm>>) target(%arg9 : memref<128x64xf32, #tpu.memory_space<vmem>>) offsets(%arg7 : memref<128xi32, #tpu.memory_space<vmem>>) semaphore(%arg11 : memref<!tpu.dma_semaphore, #tpu.memory_space<semaphore_mem>>)
      %dma_wait3A = arith.constant 0 : i32
      %dma_wait3A_47 = arith.constant 0 : i32
      %dma_wait3A_48 = tpu.memref_slice %arg2[%dma_wait3A, %dma_wait3A_47] : memref<10000x64xf32, #tpu.memory_space<hbm>> -> memref<10000x64xf32, #tpu.memory_space<hbm>>
      tpu.wait_indirect_dma semaphore(%arg11 : memref<!tpu.dma_semaphore, #tpu.memory_space<semaphore_mem>>) src(%dma_wait3A_48 : memref<10000x64xf32, #tpu.memory_space<hbm>>) dst(%arg9 : memref<128x64xf32, #tpu.memory_space<vmem>>)
      "tpu.region"() ({
        %run_scoped3A = tpu.sem_alloc : memref<!tpu.dma_semaphore, #tpu.memory_space<semaphore_mem>>
        %dma_start3A_49 = arith.constant 0 : i32
        %dma_start3A_50 = arith.constant 0 : i32
        %dma_start3A_51 = tpu.memref_slice %arg10[%dma_start3A_49, %dma_start3A_50] : memref<10240x64xf32, #tpu.memory_space<vmem_shared>> -> memref<10240x64xf32, #tpu.memory_space<vmem_shared>>
        tpu.enqueue_indirect_dma source(%arg9 : memref<128x64xf32, #tpu.memory_space<vmem>>) target(%dma_start3A_51 : memref<10240x64xf32, #tpu.memory_space<vmem_shared>>) offsets(%arg8 : memref<128xi32, #tpu.memory_space<vmem>>) semaphore(%run_scoped3A : memref<!tpu.dma_semaphore, #tpu.memory_space<semaphore_mem>>) {add = true}
        %dma_wait3A_52 = arith.constant 0 : i32
        %dma_wait3A_53 = arith.constant 0 : i32
        %dma_wait3A_54 = tpu.memref_slice %arg10[%dma_wait3A_52, %dma_wait3A_53] : memref<10240x64xf32, #tpu.memory_space<vmem_shared>> -> memref<10240x64xf32, #tpu.memory_space<vmem_shared>>
        tpu.wait_indirect_dma semaphore(%run_scoped3A : memref<!tpu.dma_semaphore, #tpu.memory_space<semaphore_mem>>) src(%arg9 : memref<128x64xf32, #tpu.memory_space<vmem>>) dst(%dma_wait3A_54 : memref<10240x64xf32, #tpu.memory_space<vmem_shared>>)
        tpu.yield
      }) : () -> ()
    }
    %scan3A_17 = arith.constant 79 : i32
    %barrier3A_18 = arith.constant 0 : index
    tpu.barrier barrier_id(%barrier3A_18)
    %add3A_19 = arith.constant 0 : i32
    %add3A_20 = arith.addi %mul3A_2, %add3A_19 : i32
    "tpu.region"() ({
      %run_scoped3A = tpu.sem_alloc : memref<!tpu.dma_semaphore, #tpu.memory_space<semaphore_mem>>
      %dma_start3A = arith.constant 0 : i32
      %dma_start3A_39 = tpu.memref_slice %arg10[%add3A_20, %dma_start3A] : memref<10240x64xf32, #tpu.memory_space<vmem_shared>> -> memref<128x64xf32, #tpu.memory_space<vmem_shared>>
      %dma_start3A_40 = arith.constant 0 : i32
      %dma_start3A_41 = tpu.memref_slice %arg10[%add3A_20, %dma_start3A_40] : memref<10240x64xf32, #tpu.memory_space<vmem_shared>> -> memref<128x64xf32, #tpu.memory_space<vmem_shared>>
      tpu.enqueue_dma source(%dma_start3A_41 : memref<128x64xf32, #tpu.memory_space<vmem_shared>>) target(%arg9 : memref<128x64xf32, #tpu.memory_space<vmem>>) target_semaphore(%run_scoped3A : memref<!tpu.dma_semaphore, #tpu.memory_space<semaphore_mem>>)
      %dma_wait3A = arith.constant 0 : i32
      %dma_wait3A_42 = tpu.memref_slice %arg10[%add3A_20, %dma_wait3A] : memref<10240x64xf32, #tpu.memory_space<vmem_shared>> -> memref<128x64xf32, #tpu.memory_space<vmem_shared>>
      %dma_wait3A_43 = arith.constant 0 : i32
      %dma_wait3A_44 = tpu.memref_slice %arg10[%add3A_20, %dma_wait3A_43] : memref<10240x64xf32, #tpu.memory_space<vmem_shared>> -> memref<128x64xf32, #tpu.memory_space<vmem_shared>>
      tpu.wait_dma2 semaphore(%run_scoped3A : memref<!tpu.dma_semaphore, #tpu.memory_space<semaphore_mem>>) src(%dma_wait3A_44 : memref<128x64xf32, #tpu.memory_space<vmem_shared>>) dst(%arg9 : memref<128x64xf32, #tpu.memory_space<vmem>>)
      tpu.yield
    }) : () -> ()
    %add3A_21 = arith.constant 0 : i32
    %add3A_22 = arith.addi %mul3A_2, %add3A_21 : i32
    "tpu.region"() ({
      %run_scoped3A = tpu.sem_alloc : memref<!tpu.dma_semaphore, #tpu.memory_space<semaphore_mem>>
      %dma_start3A = arith.constant 0 : i32
      %dma_start3A_39 = tpu.memref_slice %arg6[%arg0, %add3A_22, %dma_start3A] : memref<2x10240x64xf32, #tpu.memory_space<hbm>> -> memref<1x128x64xf32, #tpu.memory_space<hbm>>
      %dma_start3A_40 = tpu.memref_squeeze %dma_start3A_39 : memref<1x128x64xf32, #tpu.memory_space<hbm>> -> memref<128x64xf32, #tpu.memory_space<hbm>>
      %dma_start3A_41 = arith.constant 0 : i32
      %dma_start3A_42 = tpu.memref_slice %arg6[%arg0, %add3A_22, %dma_start3A_41] : memref<2x10240x64xf32, #tpu.memory_space<hbm>> -> memref<1x128x64xf32, #tpu.memory_space<hbm>>
      %dma_start3A_43 = tpu.memref_squeeze %dma_start3A_42 : memref<1x128x64xf32, #tpu.memory_space<hbm>> -> memref<128x64xf32, #tpu.memory_space<hbm>>
      tpu.enqueue_dma source(%arg9 : memref<128x64xf32, #tpu.memory_space<vmem>>) target(%dma_start3A_43 : memref<128x64xf32, #tpu.memory_space<hbm>>) target_semaphore(%run_scoped3A : memref<!tpu.dma_semaphore, #tpu.memory_space<semaphore_mem>>)
      %dma_wait3A = arith.constant 0 : i32
      %dma_wait3A_44 = tpu.memref_slice %arg6[%arg0, %add3A_22, %dma_wait3A] : memref<2x10240x64xf32, #tpu.memory_space<hbm>> -> memref<1x128x64xf32, #tpu.memory_space<hbm>>
      %dma_wait3A_45 = tpu.memref_squeeze %dma_wait3A_44 : memref<1x128x64xf32, #tpu.memory_space<hbm>> -> memref<128x64xf32, #tpu.memory_space<hbm>>
      %dma_wait3A_46 = arith.constant 0 : i32
      %dma_wait3A_47 = tpu.memref_slice %arg6[%arg0, %add3A_22, %dma_wait3A_46] : memref<2x10240x64xf32, #tpu.memory_space<hbm>> -> memref<1x128x64xf32, #tpu.memory_space<hbm>>
      %dma_wait3A_48 = tpu.memref_squeeze %dma_wait3A_47 : memref<1x128x64xf32, #tpu.memory_space<hbm>> -> memref<128x64xf32, #tpu.memory_space<hbm>>
      tpu.wait_dma2 semaphore(%run_scoped3A : memref<!tpu.dma_semaphore, #tpu.memory_space<semaphore_mem>>) src(%arg9 : memref<128x64xf32, #tpu.memory_space<vmem>>) dst(%dma_wait3A_48 : memref<128x64xf32, #tpu.memory_space<hbm>>)
      tpu.yield
    }) : () -> ()
    %add3A_23 = arith.constant 128 : i32
    %add3A_24 = arith.addi %mul3A_2, %add3A_23 : i32
    "tpu.region"() ({
      %run_scoped3A = tpu.sem_alloc : memref<!tpu.dma_semaphore, #tpu.memory_space<semaphore_mem>>
      %dma_start3A = arith.constant 0 : i32
      %dma_start3A_39 = tpu.memref_slice %arg10[%add3A_24, %dma_start3A] : memref<10240x64xf32, #tpu.memory_space<vmem_shared>> -> memref<128x64xf32, #tpu.memory_space<vmem_shared>>
      %dma_start3A_40 = arith.constant 0 : i32
      %dma_start3A_41 = tpu.memref_slice %arg10[%add3A_24, %dma_start3A_40] : memref<10240x64xf32, #tpu.memory_space<vmem_shared>> -> memref<128x64xf32, #tpu.memory_space<vmem_shared>>
      tpu.enqueue_dma source(%dma_start3A_41 : memref<128x64xf32, #tpu.memory_space<vmem_shared>>) target(%arg9 : memref<128x64xf32, #tpu.memory_space<vmem>>) target_semaphore(%run_scoped3A : memref<!tpu.dma_semaphore, #tpu.memory_space<semaphore_mem>>)
      %dma_wait3A = arith.constant 0 : i32
      %dma_wait3A_42 = tpu.memref_slice %arg10[%add3A_24, %dma_wait3A] : memref<10240x64xf32, #tpu.memory_space<vmem_shared>> -> memref<128x64xf32, #tpu.memory_space<vmem_shared>>
      %dma_wait3A_43 = arith.constant 0 : i32
      %dma_wait3A_44 = tpu.memref_slice %arg10[%add3A_24, %dma_wait3A_43] : memref<10240x64xf32, #tpu.memory_space<vmem_shared>> -> memref<128x64xf32, #tpu.memory_space<vmem_shared>>
      tpu.wait_dma2 semaphore(%run_scoped3A : memref<!tpu.dma_semaphore, #tpu.memory_space<semaphore_mem>>) src(%dma_wait3A_44 : memref<128x64xf32, #tpu.memory_space<vmem_shared>>) dst(%arg9 : memref<128x64xf32, #tpu.memory_space<vmem>>)
      tpu.yield
    }) : () -> ()
    %add3A_25 = arith.constant 128 : i32
    %add3A_26 = arith.addi %mul3A_2, %add3A_25 : i32
    "tpu.region"() ({
      %run_scoped3A = tpu.sem_alloc : memref<!tpu.dma_semaphore, #tpu.memory_space<semaphore_mem>>
      %dma_start3A = arith.constant 0 : i32
      %dma_start3A_39 = tpu.memref_slice %arg6[%arg0, %add3A_26, %dma_start3A] : memref<2x10240x64xf32, #tpu.memory_space<hbm>> -> memref<1x128x64xf32, #tpu.memory_space<hbm>>
      %dma_start3A_40 = tpu.memref_squeeze %dma_start3A_39 : memref<1x128x64xf32, #tpu.memory_space<hbm>> -> memref<128x64xf32, #tpu.memory_space<hbm>>
      %dma_start3A_41 = arith.constant 0 : i32
      %dma_start3A_42 = tpu.memref_slice %arg6[%arg0, %add3A_26, %dma_start3A_41] : memref<2x10240x64xf32, #tpu.memory_space<hbm>> -> memref<1x128x64xf32, #tpu.memory_space<hbm>>
      %dma_start3A_43 = tpu.memref_squeeze %dma_start3A_42 : memref<1x128x64xf32, #tpu.memory_space<hbm>> -> memref<128x64xf32, #tpu.memory_space<hbm>>
      tpu.enqueue_dma source(%arg9 : memref<128x64xf32, #tpu.memory_space<vmem>>) target(%dma_start3A_43 : memref<128x64xf32, #tpu.memory_space<hbm>>) target_semaphore(%run_scoped3A : memref<!tpu.dma_semaphore, #tpu.memory_space<semaphore_mem>>)
      %dma_wait3A = arith.constant 0 : i32
      %dma_wait3A_44 = tpu.memref_slice %arg6[%arg0, %add3A_26, %dma_wait3A] : memref<2x10240x64xf32, #tpu.memory_space<hbm>> -> memref<1x128x64xf32, #tpu.memory_space<hbm>>
      %dma_wait3A_45 = tpu.memref_squeeze %dma_wait3A_44 : memref<1x128x64xf32, #tpu.memory_space<hbm>> -> memref<128x64xf32, #tpu.memory_space<hbm>>
      %dma_wait3A_46 = arith.constant 0 : i32
      %dma_wait3A_47 = tpu.memref_slice %arg6[%arg0, %add3A_26, %dma_wait3A_46] : memref<2x10240x64xf32, #tpu.memory_space<hbm>> -> memref<1x128x64xf32, #tpu.memory_space<hbm>>
      %dma_wait3A_48 = tpu.memref_squeeze %dma_wait3A_47 : memref<1x128x64xf32, #tpu.memory_space<hbm>> -> memref<128x64xf32, #tpu.memory_space<hbm>>
      tpu.wait_dma2 semaphore(%run_scoped3A : memref<!tpu.dma_semaphore, #tpu.memory_space<semaphore_mem>>) src(%arg9 : memref<128x64xf32, #tpu.memory_space<vmem>>) dst(%dma_wait3A_48 : memref<128x64xf32, #tpu.memory_space<hbm>>)
      tpu.yield
    }) : () -> ()
    %add3A_27 = arith.constant 256 : i32
    %add3A_28 = arith.addi %mul3A_2, %add3A_27 : i32
    "tpu.region"() ({
      %run_scoped3A = tpu.sem_alloc : memref<!tpu.dma_semaphore, #tpu.memory_space<semaphore_mem>>
      %dma_start3A = arith.constant 0 : i32
      %dma_start3A_39 = tpu.memref_slice %arg10[%add3A_28, %dma_start3A] : memref<10240x64xf32, #tpu.memory_space<vmem_shared>> -> memref<128x64xf32, #tpu.memory_space<vmem_shared>>
      %dma_start3A_40 = arith.constant 0 : i32
      %dma_start3A_41 = tpu.memref_slice %arg10[%add3A_28, %dma_start3A_40] : memref<10240x64xf32, #tpu.memory_space<vmem_shared>> -> memref<128x64xf32, #tpu.memory_space<vmem_shared>>
      tpu.enqueue_dma source(%dma_start3A_41 : memref<128x64xf32, #tpu.memory_space<vmem_shared>>) target(%arg9 : memref<128x64xf32, #tpu.memory_space<vmem>>) target_semaphore(%run_scoped3A : memref<!tpu.dma_semaphore, #tpu.memory_space<semaphore_mem>>)
      %dma_wait3A = arith.constant 0 : i32
      %dma_wait3A_42 = tpu.memref_slice %arg10[%add3A_28, %dma_wait3A] : memref<10240x64xf32, #tpu.memory_space<vmem_shared>> -> memref<128x64xf32, #tpu.memory_space<vmem_shared>>
      %dma_wait3A_43 = arith.constant 0 : i32
      %dma_wait3A_44 = tpu.memref_slice %arg10[%add3A_28, %dma_wait3A_43] : memref<10240x64xf32, #tpu.memory_space<vmem_shared>> -> memref<128x64xf32, #tpu.memory_space<vmem_shared>>
      tpu.wait_dma2 semaphore(%run_scoped3A : memref<!tpu.dma_semaphore, #tpu.memory_space<semaphore_mem>>) src(%dma_wait3A_44 : memref<128x64xf32, #tpu.memory_space<vmem_shared>>) dst(%arg9 : memref<128x64xf32, #tpu.memory_space<vmem>>)
      tpu.yield
    }) : () -> ()
    %add3A_29 = arith.constant 256 : i32
    %add3A_30 = arith.addi %mul3A_2, %add3A_29 : i32
    "tpu.region"() ({
      %run_scoped3A = tpu.sem_alloc : memref<!tpu.dma_semaphore, #tpu.memory_space<semaphore_mem>>
      %dma_start3A = arith.constant 0 : i32
      %dma_start3A_39 = tpu.memref_slice %arg6[%arg0, %add3A_30, %dma_start3A] : memref<2x10240x64xf32, #tpu.memory_space<hbm>> -> memref<1x128x64xf32, #tpu.memory_space<hbm>>
      %dma_start3A_40 = tpu.memref_squeeze %dma_start3A_39 : memref<1x128x64xf32, #tpu.memory_space<hbm>> -> memref<128x64xf32, #tpu.memory_space<hbm>>
      %dma_start3A_41 = arith.constant 0 : i32
      %dma_start3A_42 = tpu.memref_slice %arg6[%arg0, %add3A_30, %dma_start3A_41] : memref<2x10240x64xf32, #tpu.memory_space<hbm>> -> memref<1x128x64xf32, #tpu.memory_space<hbm>>
      %dma_start3A_43 = tpu.memref_squeeze %dma_start3A_42 : memref<1x128x64xf32, #tpu.memory_space<hbm>> -> memref<128x64xf32, #tpu.memory_space<hbm>>
      tpu.enqueue_dma source(%arg9 : memref<128x64xf32, #tpu.memory_space<vmem>>) target(%dma_start3A_43 : memref<128x64xf32, #tpu.memory_space<hbm>>) target_semaphore(%run_scoped3A : memref<!tpu.dma_semaphore, #tpu.memory_space<semaphore_mem>>)
      %dma_wait3A = arith.constant 0 : i32
      %dma_wait3A_44 = tpu.memref_slice %arg6[%arg0, %add3A_30, %dma_wait3A] : memref<2x10240x64xf32, #tpu.memory_space<hbm>> -> memref<1x128x64xf32, #tpu.memory_space<hbm>>
      %dma_wait3A_45 = tpu.memref_squeeze %dma_wait3A_44 : memref<1x128x64xf32, #tpu.memory_space<hbm>> -> memref<128x64xf32, #tpu.memory_space<hbm>>
      %dma_wait3A_46 = arith.constant 0 : i32
      %dma_wait3A_47 = tpu.memref_slice %arg6[%arg0, %add3A_30, %dma_wait3A_46] : memref<2x10240x64xf32, #tpu.memory_space<hbm>> -> memref<1x128x64xf32, #tpu.memory_space<hbm>>
      %dma_wait3A_48 = tpu.memref_squeeze %dma_wait3A_47 : memref<1x128x64xf32, #tpu.memory_space<hbm>> -> memref<128x64xf32, #tpu.memory_space<hbm>>
      tpu.wait_dma2 semaphore(%run_scoped3A : memref<!tpu.dma_semaphore, #tpu.memory_space<semaphore_mem>>) src(%arg9 : memref<128x64xf32, #tpu.memory_space<vmem>>) dst(%dma_wait3A_48 : memref<128x64xf32, #tpu.memory_space<hbm>>)
      tpu.yield
    }) : () -> ()
    %add3A_31 = arith.constant 384 : i32
    %add3A_32 = arith.addi %mul3A_2, %add3A_31 : i32
    "tpu.region"() ({
      %run_scoped3A = tpu.sem_alloc : memref<!tpu.dma_semaphore, #tpu.memory_space<semaphore_mem>>
      %dma_start3A = arith.constant 0 : i32
      %dma_start3A_39 = tpu.memref_slice %arg10[%add3A_32, %dma_start3A] : memref<10240x64xf32, #tpu.memory_space<vmem_shared>> -> memref<128x64xf32, #tpu.memory_space<vmem_shared>>
      %dma_start3A_40 = arith.constant 0 : i32
      %dma_start3A_41 = tpu.memref_slice %arg10[%add3A_32, %dma_start3A_40] : memref<10240x64xf32, #tpu.memory_space<vmem_shared>> -> memref<128x64xf32, #tpu.memory_space<vmem_shared>>
      tpu.enqueue_dma source(%dma_start3A_41 : memref<128x64xf32, #tpu.memory_space<vmem_shared>>) target(%arg9 : memref<128x64xf32, #tpu.memory_space<vmem>>) target_semaphore(%run_scoped3A : memref<!tpu.dma_semaphore, #tpu.memory_space<semaphore_mem>>)
      %dma_wait3A = arith.constant 0 : i32
      %dma_wait3A_42 = tpu.memref_slice %arg10[%add3A_32, %dma_wait3A] : memref<10240x64xf32, #tpu.memory_space<vmem_shared>> -> memref<128x64xf32, #tpu.memory_space<vmem_shared>>
      %dma_wait3A_43 = arith.constant 0 : i32
      %dma_wait3A_44 = tpu.memref_slice %arg10[%add3A_32, %dma_wait3A_43] : memref<10240x64xf32, #tpu.memory_space<vmem_shared>> -> memref<128x64xf32, #tpu.memory_space<vmem_shared>>
      tpu.wait_dma2 semaphore(%run_scoped3A : memref<!tpu.dma_semaphore, #tpu.memory_space<semaphore_mem>>) src(%dma_wait3A_44 : memref<128x64xf32, #tpu.memory_space<vmem_shared>>) dst(%arg9 : memref<128x64xf32, #tpu.memory_space<vmem>>)
      tpu.yield
    }) : () -> ()
    %add3A_33 = arith.constant 384 : i32
    %add3A_34 = arith.addi %mul3A_2, %add3A_33 : i32
    "tpu.region"() ({
      %run_scoped3A = tpu.sem_alloc : memref<!tpu.dma_semaphore, #tpu.memory_space<semaphore_mem>>
      %dma_start3A = arith.constant 0 : i32
      %dma_start3A_39 = tpu.memref_slice %arg6[%arg0, %add3A_34, %dma_start3A] : memref<2x10240x64xf32, #tpu.memory_space<hbm>> -> memref<1x128x64xf32, #tpu.memory_space<hbm>>
      %dma_start3A_40 = tpu.memref_squeeze %dma_start3A_39 : memref<1x128x64xf32, #tpu.memory_space<hbm>> -> memref<128x64xf32, #tpu.memory_space<hbm>>
      %dma_start3A_41 = arith.constant 0 : i32
      %dma_start3A_42 = tpu.memref_slice %arg6[%arg0, %add3A_34, %dma_start3A_41] : memref<2x10240x64xf32, #tpu.memory_space<hbm>> -> memref<1x128x64xf32, #tpu.memory_space<hbm>>
      %dma_start3A_43 = tpu.memref_squeeze %dma_start3A_42 : memref<1x128x64xf32, #tpu.memory_space<hbm>> -> memref<128x64xf32, #tpu.memory_space<hbm>>
      tpu.enqueue_dma source(%arg9 : memref<128x64xf32, #tpu.memory_space<vmem>>) target(%dma_start3A_43 : memref<128x64xf32, #tpu.memory_space<hbm>>) target_semaphore(%run_scoped3A : memref<!tpu.dma_semaphore, #tpu.memory_space<semaphore_mem>>)
      %dma_wait3A = arith.constant 0 : i32
      %dma_wait3A_44 = tpu.memref_slice %arg6[%arg0, %add3A_34, %dma_wait3A] : memref<2x10240x64xf32, #tpu.memory_space<hbm>> -> memref<1x128x64xf32, #tpu.memory_space<hbm>>
      %dma_wait3A_45 = tpu.memref_squeeze %dma_wait3A_44 : memref<1x128x64xf32, #tpu.memory_space<hbm>> -> memref<128x64xf32, #tpu.memory_space<hbm>>
      %dma_wait3A_46 = arith.constant 0 : i32
      %dma_wait3A_47 = tpu.memref_slice %arg6[%arg0, %add3A_34, %dma_wait3A_46] : memref<2x10240x64xf32, #tpu.memory_space<hbm>> -> memref<1x128x64xf32, #tpu.memory_space<hbm>>
      %dma_wait3A_48 = tpu.memref_squeeze %dma_wait3A_47 : memref<1x128x64xf32, #tpu.memory_space<hbm>> -> memref<128x64xf32, #tpu.memory_space<hbm>>
      tpu.wait_dma2 semaphore(%run_scoped3A : memref<!tpu.dma_semaphore, #tpu.memory_space<semaphore_mem>>) src(%arg9 : memref<128x64xf32, #tpu.memory_space<vmem>>) dst(%dma_wait3A_48 : memref<128x64xf32, #tpu.memory_space<hbm>>)
      tpu.yield
    }) : () -> ()
    %add3A_35 = arith.constant 512 : i32
    %add3A_36 = arith.addi %mul3A_2, %add3A_35 : i32
    "tpu.region"() ({
      %run_scoped3A = tpu.sem_alloc : memref<!tpu.dma_semaphore, #tpu.memory_space<semaphore_mem>>
      %dma_start3A = arith.constant 0 : i32
      %dma_start3A_39 = tpu.memref_slice %arg10[%add3A_36, %dma_start3A] : memref<10240x64xf32, #tpu.memory_space<vmem_shared>> -> memref<128x64xf32, #tpu.memory_space<vmem_shared>>
      %dma_start3A_40 = arith.constant 0 : i32
      %dma_start3A_41 = tpu.memref_slice %arg10[%add3A_36, %dma_start3A_40] : memref<10240x64xf32, #tpu.memory_space<vmem_shared>> -> memref<128x64xf32, #tpu.memory_space<vmem_shared>>
      tpu.enqueue_dma source(%dma_start3A_41 : memref<128x64xf32, #tpu.memory_space<vmem_shared>>) target(%arg9 : memref<128x64xf32, #tpu.memory_space<vmem>>) target_semaphore(%run_scoped3A : memref<!tpu.dma_semaphore, #tpu.memory_space<semaphore_mem>>)
      %dma_wait3A = arith.constant 0 : i32
      %dma_wait3A_42 = tpu.memref_slice %arg10[%add3A_36, %dma_wait3A] : memref<10240x64xf32, #tpu.memory_space<vmem_shared>> -> memref<128x64xf32, #tpu.memory_space<vmem_shared>>
      %dma_wait3A_43 = arith.constant 0 : i32
      %dma_wait3A_44 = tpu.memref_slice %arg10[%add3A_36, %dma_wait3A_43] : memref<10240x64xf32, #tpu.memory_space<vmem_shared>> -> memref<128x64xf32, #tpu.memory_space<vmem_shared>>
      tpu.wait_dma2 semaphore(%run_scoped3A : memref<!tpu.dma_semaphore, #tpu.memory_space<semaphore_mem>>) src(%dma_wait3A_44 : memref<128x64xf32, #tpu.memory_space<vmem_shared>>) dst(%arg9 : memref<128x64xf32, #tpu.memory_space<vmem>>)
      tpu.yield
    }) : () -> ()
    %add3A_37 = arith.constant 512 : i32
    %add3A_38 = arith.addi %mul3A_2, %add3A_37 : i32
    "tpu.region"() ({
      %run_scoped3A = tpu.sem_alloc : memref<!tpu.dma_semaphore, #tpu.memory_space<semaphore_mem>>
      %dma_start3A = arith.constant 0 : i32
      %dma_start3A_39 = tpu.memref_slice %arg6[%arg0, %add3A_38, %dma_start3A] : memref<2x10240x64xf32, #tpu.memory_space<hbm>> -> memref<1x128x64xf32, #tpu.memory_space<hbm>>
      %dma_start3A_40 = tpu.memref_squeeze %dma_start3A_39 : memref<1x128x64xf32, #tpu.memory_space<hbm>> -> memref<128x64xf32, #tpu.memory_space<hbm>>
      %dma_start3A_41 = arith.constant 0 : i32
      %dma_start3A_42 = tpu.memref_slice %arg6[%arg0, %add3A_38, %dma_start3A_41] : memref<2x10240x64xf32, #tpu.memory_space<hbm>> -> memref<1x128x64xf32, #tpu.memory_space<hbm>>
      %dma_start3A_43 = tpu.memref_squeeze %dma_start3A_42 : memref<1x128x64xf32, #tpu.memory_space<hbm>> -> memref<128x64xf32, #tpu.memory_space<hbm>>
      tpu.enqueue_dma source(%arg9 : memref<128x64xf32, #tpu.memory_space<vmem>>) target(%dma_start3A_43 : memref<128x64xf32, #tpu.memory_space<hbm>>) target_semaphore(%run_scoped3A : memref<!tpu.dma_semaphore, #tpu.memory_space<semaphore_mem>>)
      %dma_wait3A = arith.constant 0 : i32
      %dma_wait3A_44 = tpu.memref_slice %arg6[%arg0, %add3A_38, %dma_wait3A] : memref<2x10240x64xf32, #tpu.memory_space<hbm>> -> memref<1x128x64xf32, #tpu.memory_space<hbm>>
      %dma_wait3A_45 = tpu.memref_squeeze %dma_wait3A_44 : memref<1x128x64xf32, #tpu.memory_space<hbm>> -> memref<128x64xf32, #tpu.memory_space<hbm>>
      %dma_wait3A_46 = arith.constant 0 : i32
      %dma_wait3A_47 = tpu.memref_slice %arg6[%arg0, %add3A_38, %dma_wait3A_46] : memref<2x10240x64xf32, #tpu.memory_space<hbm>> -> memref<1x128x64xf32, #tpu.memory_space<hbm>>
      %dma_wait3A_48 = tpu.memref_squeeze %dma_wait3A_47 : memref<1x128x64xf32, #tpu.memory_space<hbm>> -> memref<128x64xf32, #tpu.memory_space<hbm>>
      tpu.wait_dma2 semaphore(%run_scoped3A : memref<!tpu.dma_semaphore, #tpu.memory_space<semaphore_mem>>) src(%arg9 : memref<128x64xf32, #tpu.memory_space<vmem>>) dst(%dma_wait3A_48 : memref<128x64xf32, #tpu.memory_space<hbm>>)
      tpu.yield
    }) : () -> ()
    return
  }
}

module attributes {stable_mosaic.version = 14 : i64} {
  func.func @body(%arg0: i32, %arg1: memref<2000x128xf32, #tpu.memory_space<vmem>>, %arg2: memref<128x64xf32, #tpu.memory_space<vmem>>, %arg3: memref<2000x64xf32, #tpu.memory_space<vmem>>) attributes {dimension_semantics = [#tpu.dimension_semantics<arbitrary>], iteration_bounds = array<i64: 5>, scalar_prefetch = 0 : i64, scratch_operands = 0 : i64, tpu.core_type = #tpu.core_type<tc>, window_params = [{transform_indices = @transform_0, window_bounds = array<i64: 2000, 128>}, {pipeline_mode = #tpu.pipeline_mode<synchronous>, transform_indices = @transform_1, window_bounds = array<i64: 128, 64>}, {transform_indices = @transform_2, window_bounds = array<i64: 2000, 64>}]} {
    %get3A = arith.constant 0 : index
    %get3A_0 = arith.constant 0 : index
    %get3A_1 = vector.load %arg1[%get3A, %get3A_0] : memref<2000x128xf32, #tpu.memory_space<vmem>>, vector<2000x128xf32>
    %get3A_2 = arith.constant 0 : index
    %get3A_3 = arith.constant 0 : index
    %get3A_4 = vector.load %arg2[%get3A_2, %get3A_3] : memref<128x64xf32, #tpu.memory_space<vmem>>, vector<128x64xf32>
    %dot_general3A = arith.constant dense<0.000000e+00> : vector<2000x64xf32>
    %dot_general3A_5 = tpu.matmul %get3A_1, %get3A_4, %dot_general3A {dimension_numbers = #tpu.dot_dimension_numbers<[1], [0], [0], [1], [0, 0, 1, 1], [], []>, transpose_lhs_hint = false} : vector<2000x128xf32>, vector<128x64xf32>, vector<2000x64xf32> -> vector<2000x64xf32>
    %swap3A = arith.constant 0 : index
    %swap3A_6 = arith.constant 0 : index
    %swap3A_7 = vector.load %arg3[%swap3A, %swap3A_6] : memref<2000x64xf32, #tpu.memory_space<vmem>>, vector<2000x64xf32>
    tpu.vector_store %arg3[%swap3A, %swap3A_6], %dot_general3A_5 {strides = array<i32>} : memref<2000x64xf32, #tpu.memory_space<vmem>>, vector<2000x64xf32>,
    return
  }
  func.func @transform_0(%arg0: i32) -> (i32, i32) {
    %c0_i32 = arith.constant 0 : i32
    %c0_i32_0 = arith.constant 0 : i32
    return %arg0, %c0_i32 : i32, i32
  }
  func.func @transform_1(%arg0: i32) -> (i32, i32) {
    %c0_i32 = arith.constant 0 : i32
    %c0_i32_0 = arith.constant 0 : i32
    %c0_i32_1 = arith.constant 0 : i32
    return %c0_i32, %c0_i32_0 : i32, i32
  }
  func.func @transform_2(%arg0: i32) -> (i32, i32) {
    %c0_i32 = arith.constant 0 : i32
    %c0_i32_0 = arith.constant 0 : i32
    return %arg0, %c0_i32 : i32, i32
  }
}

module attributes {stable_mosaic.version = 14 : i64} {
  func.func @body(%arg0: i32, %arg1: memref<2000x64xf32, #tpu.memory_space<vmem>>, %arg2: memref<2x2000x64xf32, #tpu.memory_space<vmem>>, %arg3: memref<1x64xf32, #tpu.memory_space<vmem>>, %arg4: memref<64x64xf32, #tpu.memory_space<vmem>>, %arg5: memref<1x64xf32, #tpu.memory_space<vmem>>, %arg6: memref<64x64xf32, #tpu.memory_space<vmem>>, %arg7: memref<2000x64xf32, #tpu.memory_space<vmem>>) attributes {dimension_semantics = [#tpu.dimension_semantics<arbitrary>], iteration_bounds = array<i64: 5>, scalar_prefetch = 0 : i64, scratch_operands = 0 : i64, tpu.core_type = #tpu.core_type<tc>, window_params = [{transform_indices = @transform_0, window_bounds = array<i64: 2000, 64>}, {transform_indices = @transform_1, window_bounds = array<i64: 2, 2000, 64>}, {pipeline_mode = #tpu.pipeline_mode<synchronous>, transform_indices = @transform_2, window_bounds = array<i64: 1, 64>}, {pipeline_mode = #tpu.pipeline_mode<synchronous>, transform_indices = @transform_3, window_bounds = array<i64: 64, 64>}, {pipeline_mode = #tpu.pipeline_mode<synchronous>, transform_indices = @transform_4, window_bounds = array<i64: 1, 64>}, {pipeline_mode = #tpu.pipeline_mode<synchronous>, transform_indices = @transform_5, window_bounds = array<i64: 64, 64>}, {transform_indices = @transform_6, window_bounds = array<i64: 2000, 64>}]} {
    %get3A = arith.constant 0 : index
    %get3A_0 = arith.constant 0 : index
    %get3A_1 = vector.load %arg1[%get3A, %get3A_0] : memref<2000x64xf32, #tpu.memory_space<vmem>>, vector<2000x64xf32>
    %get3A_2 = arith.constant 0 : index
    %get3A_3 = arith.constant 0 : index
    %get3A_4 = arith.constant 0 : index
    %get3A_5 = vector.load %arg2[%get3A_2, %get3A_3, %get3A_4] : memref<2x2000x64xf32, #tpu.memory_space<vmem>>, vector<1x2000x64xf32>
    %get3A_6 = vector.shape_cast %get3A_5 : vector<1x2000x64xf32> to vector<2000x64xf32>
    %add3A = arith.addf %get3A_1, %get3A_6 : vector<2000x64xf32>
    %get3A_7 = arith.constant 1 : index
    %get3A_8 = arith.constant 0 : index
    %get3A_9 = arith.constant 0 : index
    %get3A_10 = vector.load %arg2[%get3A_7, %get3A_8, %get3A_9] : memref<2x2000x64xf32, #tpu.memory_space<vmem>>, vector<1x2000x64xf32>
    %get3A_11 = vector.shape_cast %get3A_10 : vector<1x2000x64xf32> to vector<2000x64xf32>
    %add3A_12 = arith.addf %add3A, %get3A_11 : vector<2000x64xf32>
    %get3A_13 = arith.constant 0 : index
    %get3A_14 = arith.constant 0 : index
    %get3A_15 = vector.load %arg3[%get3A_13, %get3A_14] : memref<1x64xf32, #tpu.memory_space<vmem>>, vector<1x64xf32>
    %add3A_16 = vector.broadcast %get3A_15 : vector<1x64xf32> to vector<2000x64xf32>
    %add3A_17 = arith.addf %add3A_12, %add3A_16 : vector<2000x64xf32>
    %max3A = arith.constant 0.000000e+00 : f32
    %max3A_18 = vector.broadcast %max3A : f32 to vector<2000x64xf32>
    %max3A_19 = arith.maximumf %add3A_17, %max3A_18 : vector<2000x64xf32>
    %get3A_20 = arith.constant 0 : index
    %get3A_21 = arith.constant 0 : index
    %get3A_22 = vector.load %arg4[%get3A_20, %get3A_21] : memref<64x64xf32, #tpu.memory_space<vmem>>, vector<64x64xf32>
    %dot_general3A = arith.constant dense<0.000000e+00> : vector<2000x64xf32>
    %dot_general3A_23 = tpu.matmul %max3A_19, %get3A_22, %dot_general3A {dimension_numbers = #tpu.dot_dimension_numbers<[1], [0], [0], [1], [0, 0, 1, 1], [], []>, transpose_lhs_hint = false} : vector<2000x64xf32>, vector<64x64xf32>, vector<2000x64xf32> -> vector<2000x64xf32>
    %get3A_24 = arith.constant 0 : index
    %get3A_25 = arith.constant 0 : index
    %get3A_26 = vector.load %arg5[%get3A_24, %get3A_25] : memref<1x64xf32, #tpu.memory_space<vmem>>, vector<1x64xf32>
    %add3A_27 = vector.broadcast %get3A_26 : vector<1x64xf32> to vector<2000x64xf32>
    %add3A_28 = arith.addf %dot_general3A_23, %add3A_27 : vector<2000x64xf32>
    %max3A_29 = arith.constant 0.000000e+00 : f32
    %max3A_30 = vector.broadcast %max3A_29 : f32 to vector<2000x64xf32>
    %max3A_31 = arith.maximumf %add3A_28, %max3A_30 : vector<2000x64xf32>
    %get3A_32 = arith.constant 0 : index
    %get3A_33 = arith.constant 0 : index
    %get3A_34 = vector.load %arg6[%get3A_32, %get3A_33] : memref<64x64xf32, #tpu.memory_space<vmem>>, vector<64x64xf32>
    %dot_general3A_35 = arith.constant dense<0.000000e+00> : vector<2000x64xf32>
    %dot_general3A_36 = tpu.matmul %max3A_31, %get3A_34, %dot_general3A_35 {dimension_numbers = #tpu.dot_dimension_numbers<[1], [0], [0], [1], [0, 0, 1, 1], [], []>, transpose_lhs_hint = false} : vector<2000x64xf32>, vector<64x64xf32>, vector<2000x64xf32> -> vector<2000x64xf32>
    %swap3A = arith.constant 0 : index
    %swap3A_37 = arith.constant 0 : index
    %swap3A_38 = vector.load %arg7[%swap3A, %swap3A_37] : memref<2000x64xf32, #tpu.memory_space<vmem>>, vector<2000x64xf32>
    tpu.vector_store %arg7[%swap3A, %swap3A_37], %dot_general3A_36 {strides = array<i32>} : memref<2000x64xf32, #tpu.memory_space<vmem>>, vector<2000x64xf32>,
    return
  }
  func.func @transform_0(%arg0: i32) -> (i32, i32) {
    %c0_i32 = arith.constant 0 : i32
    %c0_i32_0 = arith.constant 0 : i32
    return %arg0, %c0_i32 : i32, i32
  }
  func.func @transform_1(%arg0: i32) -> (i32, i32, i32) {
    %c0_i32 = arith.constant 0 : i32
    %c0_i32_0 = arith.constant 0 : i32
    %c0_i32_1 = arith.constant 0 : i32
    return %c0_i32, %arg0, %c0_i32_0 : i32, i32, i32
  }
  func.func @transform_2(%arg0: i32) -> (i32, i32) {
    %c0_i32 = arith.constant 0 : i32
    %c0_i32_0 = arith.constant 0 : i32
    %c0_i32_1 = arith.constant 0 : i32
    return %c0_i32, %c0_i32_0 : i32, i32
  }
  func.func @transform_3(%arg0: i32) -> (i32, i32) {
    %c0_i32 = arith.constant 0 : i32
    %c0_i32_0 = arith.constant 0 : i32
    %c0_i32_1 = arith.constant 0 : i32
    return %c0_i32, %c0_i32_0 : i32, i32
  }
  func.func @transform_4(%arg0: i32) -> (i32, i32) {
    %c0_i32 = arith.constant 0 : i32
    %c0_i32_0 = arith.constant 0 : i32
    %c0_i32_1 = arith.constant 0 : i32
    return %c0_i32, %c0_i32_0 : i32, i32
  }
  func.func @transform_5(%arg0: i32) -> (i32, i32) {
    %c0_i32 = arith.constant 0 : i32
    %c0_i32_0 = arith.constant 0 : i32
    %c0_i32_1 = arith.constant 0 : i32
    return %c0_i32, %c0_i32_0 : i32, i32
  }
  func.func @transform_6(%arg0: i32) -> (i32, i32) {
    %c0_i32 = arith.constant 0 : i32
    %c0_i32_0 = arith.constant 0 : i32
    return %arg0, %c0_i32 : i32, i32
  }
}

module attributes {stable_mosaic.version = 14 : i64} {
  func.func @body(%arg0: i32, %arg1: memref<2000x64xf32, #tpu.memory_space<vmem>>, %arg2: memref<2x2000x64xf32, #tpu.memory_space<vmem>>, %arg3: memref<1x64xf32, #tpu.memory_space<vmem>>, %arg4: memref<64x64xf32, #tpu.memory_space<vmem>>, %arg5: memref<1x64xf32, #tpu.memory_space<vmem>>, %arg6: memref<2000x1xi32, #tpu.memory_space<vmem>>, %arg7: memref<64x64xf32, #tpu.memory_space<vmem>>, %arg8: memref<1x64xf32, #tpu.memory_space<vmem>>, %arg9: memref<64x64xf32, #tpu.memory_space<vmem>>, %arg10: memref<1x64xf32, #tpu.memory_space<vmem>>, %arg11: memref<64x1xf32, #tpu.memory_space<vmem>>, %arg12: memref<1x1xf32, #tpu.memory_space<vmem>>, %arg13: memref<128x1xf32, #tpu.memory_space<vmem>>, %arg14: memref<128x64xf32, #tpu.memory_space<vmem>>, %arg15: memref<128x64xf32, #tpu.memory_space<vmem>>) attributes {dimension_semantics = [#tpu.dimension_semantics<arbitrary>], iteration_bounds = array<i64: 5>, scalar_prefetch = 0 : i64, scratch_operands = 2 : i64, tpu.core_type = #tpu.core_type<tc>, window_params = [{transform_indices = @transform_0, window_bounds = array<i64: 2000, 64>}, {transform_indices = @transform_1, window_bounds = array<i64: 2, 2000, 64>}, {pipeline_mode = #tpu.pipeline_mode<synchronous>, transform_indices = @transform_2, window_bounds = array<i64: 1, 64>}, {pipeline_mode = #tpu.pipeline_mode<synchronous>, transform_indices = @transform_3, window_bounds = array<i64: 64, 64>}, {pipeline_mode = #tpu.pipeline_mode<synchronous>, transform_indices = @transform_4, window_bounds = array<i64: 1, 64>}, {transform_indices = @transform_5, window_bounds = array<i64: 2000, 1>}, {pipeline_mode = #tpu.pipeline_mode<synchronous>, transform_indices = @transform_6, window_bounds = array<i64: 64, 64>}, {pipeline_mode = #tpu.pipeline_mode<synchronous>, transform_indices = @transform_7, window_bounds = array<i64: 1, 64>}, {pipeline_mode = #tpu.pipeline_mode<synchronous>, transform_indices = @transform_8, window_bounds = array<i64: 64, 64>}, {pipeline_mode = #tpu.pipeline_mode<synchronous>, transform_indices = @transform_9, window_bounds = array<i64: 1, 64>}, {pipeline_mode = #tpu.pipeline_mode<synchronous>, transform_indices = @transform_10, window_bounds = array<i64: 64, 1>}, {pipeline_mode = #tpu.pipeline_mode<synchronous>, transform_indices = @transform_11, window_bounds = array<i64: 1, 1>}, {pipeline_mode = #tpu.pipeline_mode<synchronous>, transform_indices = @transform_12, window_bounds = array<i64: 128, 1>}]} {
    %get3A = arith.constant 0 : index
    %get3A_0 = arith.constant 0 : index
    %get3A_1 = vector.load %arg1[%get3A, %get3A_0] : memref<2000x64xf32, #tpu.memory_space<vmem>>, vector<2000x64xf32>
    %get3A_2 = arith.constant 0 : index
    %get3A_3 = arith.constant 0 : index
    %get3A_4 = arith.constant 0 : index
    %get3A_5 = vector.load %arg2[%get3A_2, %get3A_3, %get3A_4] : memref<2x2000x64xf32, #tpu.memory_space<vmem>>, vector<1x2000x64xf32>
    %get3A_6 = vector.shape_cast %get3A_5 : vector<1x2000x64xf32> to vector<2000x64xf32>
    %add3A = arith.addf %get3A_1, %get3A_6 : vector<2000x64xf32>
    %get3A_7 = arith.constant 1 : index
    %get3A_8 = arith.constant 0 : index
    %get3A_9 = arith.constant 0 : index
    %get3A_10 = vector.load %arg2[%get3A_7, %get3A_8, %get3A_9] : memref<2x2000x64xf32, #tpu.memory_space<vmem>>, vector<1x2000x64xf32>
    %get3A_11 = vector.shape_cast %get3A_10 : vector<1x2000x64xf32> to vector<2000x64xf32>
    %add3A_12 = arith.addf %add3A, %get3A_11 : vector<2000x64xf32>
    %get3A_13 = arith.constant 0 : index
    %get3A_14 = arith.constant 0 : index
    %get3A_15 = vector.load %arg3[%get3A_13, %get3A_14] : memref<1x64xf32, #tpu.memory_space<vmem>>, vector<1x64xf32>
    %add3A_16 = vector.broadcast %get3A_15 : vector<1x64xf32> to vector<2000x64xf32>
    %add3A_17 = arith.addf %add3A_12, %add3A_16 : vector<2000x64xf32>
    %max3A = arith.constant 0.000000e+00 : f32
    %max3A_18 = vector.broadcast %max3A : f32 to vector<2000x64xf32>
    %max3A_19 = arith.maximumf %add3A_17, %max3A_18 : vector<2000x64xf32>
    %get3A_20 = arith.constant 0 : index
    %get3A_21 = arith.constant 0 : index
    %get3A_22 = vector.load %arg4[%get3A_20, %get3A_21] : memref<64x64xf32, #tpu.memory_space<vmem>>, vector<64x64xf32>
    %dot_general3A = arith.constant dense<0.000000e+00> : vector<2000x64xf32>
    %dot_general3A_23 = tpu.matmul %max3A_19, %get3A_22, %dot_general3A {dimension_numbers = #tpu.dot_dimension_numbers<[1], [0], [0], [1], [0, 0, 1, 1], [], []>, transpose_lhs_hint = false} : vector<2000x64xf32>, vector<64x64xf32>, vector<2000x64xf32> -> vector<2000x64xf32>
    %get3A_24 = arith.constant 0 : index
    %get3A_25 = arith.constant 0 : index
    %get3A_26 = vector.load %arg5[%get3A_24, %get3A_25] : memref<1x64xf32, #tpu.memory_space<vmem>>, vector<1x64xf32>
    %add3A_27 = vector.broadcast %get3A_26 : vector<1x64xf32> to vector<2000x64xf32>
    %add3A_28 = arith.addf %dot_general3A_23, %add3A_27 : vector<2000x64xf32>
    %iota3A = tpu.iota {dimensions = array<i32: 1>} : vector<2000x128xi32>
    %get3A_29 = arith.constant 0 : index
    %get3A_30 = arith.constant 0 : index
    %get3A_31 = vector.load %arg6[%get3A_29, %get3A_30] : memref<2000x1xi32, #tpu.memory_space<vmem>>, vector<2000x1xi32>
    %eq3A = vector.broadcast %get3A_31 : vector<2000x1xi32> to vector<2000x128xi32>
    %eq3A_32 = arith.cmpi eq, %eq3A, %iota3A : vector<2000x128xi32>
    %jit3A = arith.constant 1.000000e+00 : f32
    %jit3A_33 = arith.constant 0.000000e+00 : f32
    %broadcast_in_dim3A = vector.broadcast %jit3A : f32 to vector<2000x128xf32>
    %broadcast_in_dim3A_34 = vector.broadcast %jit3A_33 : f32 to vector<2000x128xf32>
    %select_n3A = arith.select %eq3A_32, %broadcast_in_dim3A, %broadcast_in_dim3A_34 : vector<2000x128xi1>, vector<2000x128xf32>
    %dot_general3A_35 = arith.constant dense<0.000000e+00> : vector<128x64xf32>
    %dot_general3A_36 = tpu.matmul %select_n3A, %add3A_28, %dot_general3A_35 {dimension_numbers = #tpu.dot_dimension_numbers<[0], [0], [1], [1], [0, 1, 1, 1], [], []>, transpose_lhs_hint = false} : vector<2000x128xf32>, vector<2000x64xf32>, vector<128x64xf32> -> vector<128x64xf32>
    %broadcast_in_dim3A_37 = arith.constant 1.000000e+00 : f32
    %broadcast_in_dim3A_38 = vector.broadcast %broadcast_in_dim3A_37 : f32 to vector<2000x64xf32>
    %dot_general3A_39 = arith.constant dense<0.000000e+00> : vector<128x64xf32>
    %dot_general3A_40 = tpu.matmul %select_n3A, %broadcast_in_dim3A_38, %dot_general3A_39 {dimension_numbers = #tpu.dot_dimension_numbers<[0], [0], [1], [1], [0, 1, 1, 1], [], []>, transpose_lhs_hint = false} : vector<2000x128xf32>, vector<2000x64xf32>, vector<128x64xf32> -> vector<128x64xf32>
    %eq3A_41 = arith.constant 0 : i32
    %eq3A_42 = arith.cmpi eq, %arg0, %eq3A_41 : i32
    %convert_element_type3A = arith.extui %eq3A_42 : i1 to i32
    %cond3A = arith.constant 0 : i32
    %cond3A_43 = arith.cmpi ne, %convert_element_type3A, %cond3A : i32
    scf.if %cond3A_43 {
      %broadcast_in_dim3A_62 = arith.constant 0.000000e+00 : f32
      %broadcast_in_dim3A_63 = vector.broadcast %broadcast_in_dim3A_62 : f32 to vector<128x64xf32>
      %swap3A_64 = arith.constant 0 : index
      %swap3A_65 = arith.constant 0 : index
      %swap3A_66 = vector.load %arg14[%swap3A_64, %swap3A_65] : memref<128x64xf32, #tpu.memory_space<vmem>>, vector<128x64xf32>
      tpu.vector_store %arg14[%swap3A_64, %swap3A_65], %broadcast_in_dim3A_63 {strides = array<i32>} : memref<128x64xf32, #tpu.memory_space<vmem>>, vector<128x64xf32>,
      %broadcast_in_dim3A_67 = arith.constant 0.000000e+00 : f32
      %broadcast_in_dim3A_68 = vector.broadcast %broadcast_in_dim3A_67 : f32 to vector<128x64xf32>
      %swap3A_69 = arith.constant 0 : index
      %swap3A_70 = arith.constant 0 : index
      %swap3A_71 = vector.load %arg15[%swap3A_69, %swap3A_70] : memref<128x64xf32, #tpu.memory_space<vmem>>, vector<128x64xf32>
      tpu.vector_store %arg15[%swap3A_69, %swap3A_70], %broadcast_in_dim3A_68 {strides = array<i32>} : memref<128x64xf32, #tpu.memory_space<vmem>>, vector<128x64xf32>,
    } else {
    }
    %get3A_44 = arith.constant 0 : index
    %get3A_45 = arith.constant 0 : index
    %get3A_46 = vector.load %arg14[%get3A_44, %get3A_45] : memref<128x64xf32, #tpu.memory_space<vmem>>, vector<128x64xf32>
    %add3A_47 = arith.addf %get3A_46, %dot_general3A_36 : vector<128x64xf32>
    %swap3A = arith.constant 0 : index
    %swap3A_48 = arith.constant 0 : index
    %swap3A_49 = vector.load %arg14[%swap3A, %swap3A_48] : memref<128x64xf32, #tpu.memory_space<vmem>>, vector<128x64xf32>
    tpu.vector_store %arg14[%swap3A, %swap3A_48], %add3A_47 {strides = array<i32>} : memref<128x64xf32, #tpu.memory_space<vmem>>, vector<128x64xf32>,
    %get3A_50 = arith.constant 0 : index
    %get3A_51 = arith.constant 0 : index
    %get3A_52 = vector.load %arg15[%get3A_50, %get3A_51] : memref<128x64xf32, #tpu.memory_space<vmem>>, vector<128x64xf32>
    %add3A_53 = arith.addf %get3A_52, %dot_general3A_40 : vector<128x64xf32>
    %swap3A_54 = arith.constant 0 : index
    %swap3A_55 = arith.constant 0 : index
    %swap3A_56 = vector.load %arg15[%swap3A_54, %swap3A_55] : memref<128x64xf32, #tpu.memory_space<vmem>>, vector<128x64xf32>
    tpu.vector_store %arg15[%swap3A_54, %swap3A_55], %add3A_53 {strides = array<i32>} : memref<128x64xf32, #tpu.memory_space<vmem>>, vector<128x64xf32>,
    %eq3A_57 = arith.constant 4 : i32
    %eq3A_58 = arith.cmpi eq, %arg0, %eq3A_57 : i32
    %convert_element_type3A_59 = arith.extui %eq3A_58 : i1 to i32
    %cond3A_60 = arith.constant 0 : i32
    %cond3A_61 = arith.cmpi ne, %convert_element_type3A_59, %cond3A_60 : i32
    scf.if %cond3A_61 {
      %get3A_62 = arith.constant 0 : index
      %get3A_63 = arith.constant 0 : index
      %get3A_64 = vector.load %arg14[%get3A_62, %get3A_63] : memref<128x64xf32, #tpu.memory_space<vmem>>, vector<128x64xf32>
      %get3A_65 = arith.constant 0 : index
      %get3A_66 = arith.constant 0 : index
      %get3A_67 = vector.load %arg15[%get3A_65, %get3A_66] : memref<128x64xf32, #tpu.memory_space<vmem>>, vector<128x64xf32>
      %max3A_68 = arith.constant 1.000000e+00 : f32
      %max3A_69 = vector.broadcast %max3A_68 : f32 to vector<128x64xf32>
      %max3A_70 = arith.maximumf %get3A_67, %max3A_69 : vector<128x64xf32>
      %div3A = arith.divf %get3A_64, %max3A_70 : vector<128x64xf32>
      %max3A_71 = arith.constant 0.000000e+00 : f32
      %max3A_72 = vector.broadcast %max3A_71 : f32 to vector<128x64xf32>
      %max3A_73 = arith.maximumf %div3A, %max3A_72 : vector<128x64xf32>
      %get3A_74 = arith.constant 0 : index
      %get3A_75 = arith.constant 0 : index
      %get3A_76 = vector.load %arg7[%get3A_74, %get3A_75] : memref<64x64xf32, #tpu.memory_space<vmem>>, vector<64x64xf32>
      %dot_general3A_77 = arith.constant dense<0.000000e+00> : vector<128x64xf32>
      %dot_general3A_78 = tpu.matmul %max3A_73, %get3A_76, %dot_general3A_77 {dimension_numbers = #tpu.dot_dimension_numbers<[1], [0], [0], [1], [0, 0, 1, 1], [], []>, transpose_lhs_hint = false} : vector<128x64xf32>, vector<64x64xf32>, vector<128x64xf32> -> vector<128x64xf32>
      %get3A_79 = arith.constant 0 : index
      %get3A_80 = arith.constant 0 : index
      %get3A_81 = vector.load %arg8[%get3A_79, %get3A_80] : memref<1x64xf32, #tpu.memory_space<vmem>>, vector<1x64xf32>
      %add3A_82 = vector.broadcast %get3A_81 : vector<1x64xf32> to vector<128x64xf32>
      %add3A_83 = arith.addf %dot_general3A_78, %add3A_82 : vector<128x64xf32>
      %max3A_84 = arith.constant 0.000000e+00 : f32
      %max3A_85 = vector.broadcast %max3A_84 : f32 to vector<128x64xf32>
      %max3A_86 = arith.maximumf %add3A_83, %max3A_85 : vector<128x64xf32>
      %get3A_87 = arith.constant 0 : index
      %get3A_88 = arith.constant 0 : index
      %get3A_89 = vector.load %arg9[%get3A_87, %get3A_88] : memref<64x64xf32, #tpu.memory_space<vmem>>, vector<64x64xf32>
      %dot_general3A_90 = arith.constant dense<0.000000e+00> : vector<128x64xf32>
      %dot_general3A_91 = tpu.matmul %max3A_86, %get3A_89, %dot_general3A_90 {dimension_numbers = #tpu.dot_dimension_numbers<[1], [0], [0], [1], [0, 0, 1, 1], [], []>, transpose_lhs_hint = false} : vector<128x64xf32>, vector<64x64xf32>, vector<128x64xf32> -> vector<128x64xf32>
      %get3A_92 = arith.constant 0 : index
      %get3A_93 = arith.constant 0 : index
      %get3A_94 = vector.load %arg10[%get3A_92, %get3A_93] : memref<1x64xf32, #tpu.memory_space<vmem>>, vector<1x64xf32>
      %add3A_95 = vector.broadcast %get3A_94 : vector<1x64xf32> to vector<128x64xf32>
      %add3A_96 = arith.addf %dot_general3A_91, %add3A_95 : vector<128x64xf32>
      %max3A_97 = arith.constant 0.000000e+00 : f32
      %max3A_98 = vector.broadcast %max3A_97 : f32 to vector<128x64xf32>
      %max3A_99 = arith.maximumf %add3A_96, %max3A_98 : vector<128x64xf32>
      %get3A_100 = arith.constant 0 : index
      %get3A_101 = arith.constant 0 : index
      %get3A_102 = vector.load %arg11[%get3A_100, %get3A_101] : memref<64x1xf32, #tpu.memory_space<vmem>>, vector<64x1xf32>
      %dot_general3A_103 = arith.constant dense<0.000000e+00> : vector<128x1xf32>
      %dot_general3A_104 = tpu.matmul %max3A_99, %get3A_102, %dot_general3A_103 {dimension_numbers = #tpu.dot_dimension_numbers<[1], [0], [0], [1], [0, 0, 1, 1], [], []>, transpose_lhs_hint = false} : vector<128x64xf32>, vector<64x1xf32>, vector<128x1xf32> -> vector<128x1xf32>
      %get3A_105 = arith.constant 0 : index
      %get3A_106 = arith.constant 0 : index
      %get3A_107 = vector.load %arg12[%get3A_105, %get3A_106] : memref<1x1xf32, #tpu.memory_space<vmem>>, vector<1x1xf32>
      %add3A_108 = vector.broadcast %get3A_107 : vector<1x1xf32> to vector<128x1xf32>
      %add3A_109 = arith.addf %dot_general3A_104, %add3A_108 : vector<128x1xf32>
      %swap3A_110 = arith.constant 0 : index
      %swap3A_111 = arith.constant 0 : index
      %swap3A_112 = vector.load %arg13[%swap3A_110, %swap3A_111] : memref<128x1xf32, #tpu.memory_space<vmem>>, vector<128x1xf32>
      tpu.vector_store %arg13[%swap3A_110, %swap3A_111], %add3A_109 {strides = array<i32>} : memref<128x1xf32, #tpu.memory_space<vmem>>, vector<128x1xf32>,
    } else {
    }
    return
  }
  func.func @transform_0(%arg0: i32) -> (i32, i32) {
    %c0_i32 = arith.constant 0 : i32
    %c0_i32_0 = arith.constant 0 : i32
    return %arg0, %c0_i32 : i32, i32
  }
  func.func @transform_1(%arg0: i32) -> (i32, i32, i32) {
    %c0_i32 = arith.constant 0 : i32
    %c0_i32_0 = arith.constant 0 : i32
    %c0_i32_1 = arith.constant 0 : i32
    return %c0_i32, %arg0, %c0_i32_0 : i32, i32, i32
  }
  func.func @transform_2(%arg0: i32) -> (i32, i32) {
    %c0_i32 = arith.constant 0 : i32
    %c0_i32_0 = arith.constant 0 : i32
    %c0_i32_1 = arith.constant 0 : i32
    return %c0_i32, %c0_i32_0 : i32, i32
  }
  func.func @transform_3(%arg0: i32) -> (i32, i32) {
    %c0_i32 = arith.constant 0 : i32
    %c0_i32_0 = arith.constant 0 : i32
    %c0_i32_1 = arith.constant 0 : i32
    return %c0_i32, %c0_i32_0 : i32, i32
  }
  func.func @transform_4(%arg0: i32) -> (i32, i32) {
    %c0_i32 = arith.constant 0 : i32
    %c0_i32_0 = arith.constant 0 : i32
    %c0_i32_1 = arith.constant 0 : i32
    return %c0_i32, %c0_i32_0 : i32, i32
  }
  func.func @transform_5(%arg0: i32) -> (i32, i32) {
    %c0_i32 = arith.constant 0 : i32
    %c0_i32_0 = arith.constant 0 : i32
    return %arg0, %c0_i32 : i32, i32
  }
  func.func @transform_6(%arg0: i32) -> (i32, i32) {
    %c0_i32 = arith.constant 0 : i32
    %c0_i32_0 = arith.constant 0 : i32
    %c0_i32_1 = arith.constant 0 : i32
    return %c0_i32, %c0_i32_0 : i32, i32
  }
  func.func @transform_7(%arg0: i32) -> (i32, i32) {
    %c0_i32 = arith.constant 0 : i32
    %c0_i32_0 = arith.constant 0 : i32
    %c0_i32_1 = arith.constant 0 : i32
    return %c0_i32, %c0_i32_0 : i32, i32
  }
  func.func @transform_8(%arg0: i32) -> (i32, i32) {
    %c0_i32 = arith.constant 0 : i32
    %c0_i32_0 = arith.constant 0 : i32
    %c0_i32_1 = arith.constant 0 : i32
    return %c0_i32, %c0_i32_0 : i32, i32
  }
  func.func @transform_9(%arg0: i32) -> (i32, i32) {
    %c0_i32 = arith.constant 0 : i32
    %c0_i32_0 = arith.constant 0 : i32
    %c0_i32_1 = arith.constant 0 : i32
    return %c0_i32, %c0_i32_0 : i32, i32
  }
  func.func @transform_10(%arg0: i32) -> (i32, i32) {
    %c0_i32 = arith.constant 0 : i32
    %c0_i32_0 = arith.constant 0 : i32
    %c0_i32_1 = arith.constant 0 : i32
    return %c0_i32, %c0_i32_0 : i32, i32
  }
  func.func @transform_11(%arg0: i32) -> (i32, i32) {
    %c0_i32 = arith.constant 0 : i32
    %c0_i32_0 = arith.constant 0 : i32
    %c0_i32_1 = arith.constant 0 : i32
    return %c0_i32, %c0_i32_0 : i32, i32
  }
  func.func @transform_12(%arg0: i32) -> (i32, i32) {
    %c0_i32 = arith.constant 0 : i32
    %c0_i32_0 = arith.constant 0 : i32
    %c0_i32_1 = arith.constant 0 : i32
    return %c0_i32, %c0_i32_0 : i32, i32
  }
}

</mosaic_0001>

<sc_bundles>
// kernel: kernel.12.cloned.1.call-start
scs
__scs_entry_jumppad:
0x0: {  	(pc) =	sbr.rel $0x88, $3  }
0x1: {  	(tag) =	ssettag $0x0;
	lr =	simm.s32 $0x1  }
0x2: {  	[smem:$0x3F8C] =	sst lr;
	_ =	strace $0xD0000000  }
0x3: {  	_ = 	snop  }
0x4: {  	_ = 	snop  }
0x5: {  	_ = 	snop  }
0x6: {  	_ = 	snop  }
0x7: {  	_ = 	snop  }
__scs_overlays_trampoline_lowered:
0x8: {  	[smem:$0x3F9B] =	sst s0  }
0x9: {  	[smem:$0x3F9C] =	sst s1  }
0xa: {  	[smem:$0x3F9D] =	sst s2  }
0xb: {  	[smem:$0x3F9E] =	sst s3  }
0xc: {  	[smem:$0x3F9F] =	sst s4  }
0xd: {  	[smem:$0x3FA0] =	sst s5  }
0xe: {  	[smem:$0x3FA1] =	sst s6  }
0xf: {  	[smem:$0x3FA2] =	sst s7  }
0x10: {  	[smem:$0x3FA3] =	sst s8  }
0x11: {  	[smem:$0x3FA4] =	sst s9;
	s0 =	simm.s32 @!p0 $0x0  }
0x12: {  	s1 =	sld [smem:$0x3F8A];
	s0 =	simm.s32 @p0 $0x1  }
0x13: {  	[smem:$0x3FA5] =	sst s0;
	s0 =	simm.s32 @!p1 $0x0  }
0x14: {  	s2 =	sld [smem:$0x3F89];
	s0 =	simm.s32 @p1 $0x1  }
0x15: {  	[smem:$0x3FA6] =	sst s0;
	s0 =	simm.s32 @!p2 $0x0  }
0x16: {  	s3 =	sld [smem:$0x3FDB];
	s0 =	simm.s32 @p2 $0x1  }
0x17: {  	s4 =	simm.s32 $0x1BF5;
	[smem:$0x3FA8] =	sst s0  }
0x18: {  	s0 =	sld [smem:$0x3F8B];
	_ =	swait.ge [sflag:s4], $0x0  }
0x19: {  	s7 =	sld [smem:$0x3F8C]  }
0x1a: {  	s8 =	sadd.s32 $0xFFFFE003, lr  }
0x1b: {  	s9 =	sadd.s32 $0xFFFFFEF7, lr;
	s5 =	simm.s32 $0xFFFFFFFF;
	p2 =	slt.u32 s8, $0xFFFFF086  }
0x1c: {  	p1 =	slt.u32 s9, $0xF7A;
	s5 =	simm.s32 @!p2 $0x0  }
0x1d: {  	s5 =	simm.s32 @p1 $0x1;
	p0 =	seq.s32 s7, s2  }
0x1e: {  	s7 =	smul.u32 @!p0 $0xF7A, s2;
	p2 =	seq.s32 @!p0 s5, $0x0  }
0x1f: {  	s9 =	smul.u32 $0xF7A, s1;
	s8 =	simm.s32 @!p0 $0x1BF5;
	p2 =	por !p2, p0  }
0x20: {  	[sflag:s8] =	ssyncset.s32 @!p0 $0xFFFFF086;
	s6 =	sadd.s32 @!p0 s3, s7;
	s7 =	simm.s32 @!p0 $0x108  }
0x21: {  	s3 =	sadd.s32 s3, s9;
	s6 =	sadd.s32 @!p0 $0x88, s6;
	s7 =	simm.s32 @p2 $0x1082  }
0x22: {  	[simem:s7], [sflag:s8] =	dma.local @!p0 [hbm:s6], $0xF7A  }
0x23: {  	s9 =	sor.u32 $0xD0000000, s2;
	s6 =	simm.s32 $0x108;
	_ =	swait.ge @!p0 [sflag:s8], $0x0  }
0x24: {  	s3 =	sadd.s32 $0x88, s3;
	s6 =	simm.s32 @!p1 $0x1082;
	[sflag:s4] =	ssyncset.s32 $0xFFFFF086  }
0x25: {  	[simem:s6], [sflag:s4] =	dma.local [hbm:s3], $0xF7A  }
0x26: {  	[smem:$0x3F8C] =	sst s1;
	(tag) =	ssettag s2;
	_ =	strace s9  }
0x27: {  	s1 =	sld [smem:$0x3F9C]  }
0x28: {  	s2 =	sld [smem:$0x3F9D]  }
0x29: {  	s4 =	sld [smem:$0x3F9F]  }
0x2a: {  	p0 =	seq.s32 s5, $0x0;
	s5 =	sld [smem:$0x3FA0]  }
0x2b: {  	s6 =	sld [smem:$0x3FA1]  }
0x2c: {  	s7 =	sld [smem:$0x3FA2]  }
0x2d: {  	s3 =	simm.s32 $0x108;
	s8 =	sld [smem:$0x3FA3]  }
0x2e: {  	s3 =	simm.s32 @!p0 $0x1082;
	s9 =	sld [smem:$0x3FA4]  }
0x2f: {  	lr =	sadd.s32 s0, s3;
	s0 =	sld [smem:$0x3F9B]  }
0x30: {  	s3 =	sld [smem:$0x3F9E]  }
0x31: {  	[smem:$0x3FA7] =	sst s10  }
0x32: {  	s10 =	sld [smem:$0x3FA5];
	_ =	sdelay $0x3  }
0x33: {  	p0 =	seq.s32 s10, $0x1;
	s10 =	sld [smem:$0x3FA7];
	_ =	sdelay $0x3  }
0x34: {  	[smem:$0x3FA7] =	sst s10  }
0x35: {  	s10 =	sld [smem:$0x3FA6];
	_ =	sdelay $0x3  }
0x36: {  	p1 =	seq.s32 s10, $0x1;
	s10 =	sld [smem:$0x3FA7];
	_ =	sdelay $0x3  }
0x37: {  	[smem:$0x3FA7] =	sst s10  }
0x38: {  	s10 =	sld [smem:$0x3FA8]  }
0x39: {  	_ = 	snop;
	(pc) =	sbr.ind lr, $3  }
0x3a: {  	_ = 	snop  }
0x3b: {  	_ = 	snop  }
0x3c: {  	p2 =	seq.s32 s10, $0x1;
	s10 =	sld [smem:$0x3FA7]  }
0x3d: {  	_ =	shalt  }
0x3e: {  	_ =	shalt  }
0x3f: {  	_ =	shalt  }
0x40: {  	_ =	shalt  }
0x41: {  	_ =	shalt  }
0x42: {  	_ =	shalt  }
0x43: {  	_ =	shalt  }
0x44: {  	_ =	shalt  }
0x45: {  	_ =	shalt  }
0x46: {  	_ =	shalt  }
0x47: {  	_ =	shalt  }
0x48: {  	_ =	shalt  }
0x49: {  	_ =	shalt  }
0x4a: {  	_ =	shalt  }
0x4b: {  	_ =	shalt  }
0x4c: {  	_ =	shalt  }
0x4d: {  	_ =	shalt  }
0x4e: {  	_ =	shalt  }
0x4f: {  	_ =	shalt  }
0x50: {  	_ =	shalt  }
0x51: {  	_ =	shalt  }
0x52: {  	_ =	shalt  }
0x53: {  	_ =	shalt  }
0x54: {  	_ =	shalt  }
0x55: {  	_ =	shalt  }
0x56: {  	_ =	shalt  }
0x57: {  	_ =	shalt  }
0x58: {  	_ =	shalt  }
0x59: {  	_ =	shalt  }
0x5a: {  	_ =	shalt  }
0x5b: {  	_ =	shalt  }
0x5c: {  	_ =	shalt  }
0x5d: {  	_ =	shalt  }
0x5e: {  	_ =	shalt  }
0x5f: {  	_ =	shalt  }
0x60: {  	_ =	shalt  }
0x61: {  	_ =	shalt  }
0x62: {  	_ =	shalt  }
0x63: {  	_ =	shalt  }
0x64: {  	_ =	shalt  }
0x65: {  	_ =	shalt  }
0x66: {  	_ =	shalt  }
0x67: {  	_ =	shalt  }
0x68: {  	_ =	shalt  }
0x69: {  	_ =	shalt  }
0x6a: {  	_ =	shalt  }
0x6b: {  	_ =	shalt  }
0x6c: {  	_ =	shalt  }
0x6d: {  	_ =	shalt  }
0x6e: {  	_ =	shalt  }
0x6f: {  	_ =	shalt  }
0x70: {  	_ =	shalt  }
0x71: {  	_ =	shalt  }
0x72: {  	_ =	shalt  }
0x73: {  	_ =	shalt  }
0x74: {  	_ =	shalt  }
0x75: {  	_ =	shalt  }
0x76: {  	_ =	shalt  }
0x77: {  	_ =	shalt  }
0x78: {  	_ =	shalt  }
0x79: {  	_ =	shalt  }
0x7a: {  	_ =	shalt  }
0x7b: {  	_ =	shalt  }
0x7c: {  	_ =	shalt  }
0x7d: {  	_ =	shalt  }
0x7e: {  	_ =	shalt  }
0x7f: {  	_ =	shalt  }
0x80: {  	_ =	shalt  }
0x81: {  	_ =	shalt  }
0x82: {  	_ =	shalt  }
0x83: {  	_ =	shalt  }
0x84: {  	_ =	shalt  }
0x85: {  	_ =	shalt  }
0x86: {  	_ =	shalt  }
0x87: {  	_ =	shalt  }
.Lfunc_end0:
.L_simem_size_0:
called_computation.1_lowered:
.L_overlay_start_0:
0x88: {  	s2 =	sld [smem:$0x3FD9]  }
0x89: {  	s3 =	sld [smem:$0x3FFE];
	_ =	sdelay $0x1  }
0x8a: {  	s1 =	srdreg.scid  }
0x8b: {  	s0 =	sand.u32 $0x1, s1  }
0x8c: {  	s16 =	sshll.u32 s0, $0xA;
	s2 =	sadd.s32 s3, s2  }
0x8d: {  	s2 =	sadd.s32 s2, s16  }
0x8e: {  	[smem:$0x3FB3] =	sst s2  }
0x8f: {  	_ = 	snop  }
0x90: {  	(tm) =	ssettm $0x1  }
0x91: {  	s17 =	sld [smem:$0x3FFB];
	_ =	sdelay $0x3  }
0x92: {  	_ =	strace s17  }
0x93: {  	s2 =	sld [smem:$0x3FFC];
	_ =	sdelay $0x3  }
0x94: {  	_ =	strace s2  }
0x95: {  	s2 =	sld [smem:$0x3FFD];
	_ =	sdelay $0x3  }
0x96: {  	_ =	strace s2  }
0x97: {  	_ =	strace $0x8FFFFFFF  }
0x98: {  	s18 =	sld [smem:$0x3FDB];
	_ =	sdelay $0x1  }
0x99: {  	s19 =	simm.s32 $_scs_section_size  }
0x9a: {  	s4 =	simm.s32 $_size__tile_overlayer_lowered;
	s5 =	simm.s32 $_tile_overlayer_lowered  }
0x9b: {  	s22 =	simm.s32 $0x1BFF;
	s21 =	sshll.u32 s5, $0x1;
	s2 =	sadd.s32 s19, s18  }
0x9c: {  	s6 =	simm.s32 $0x0;
	s20 =	sshll.u32 s4, $0x1;
	s4 =	sadd.s32 s21, s2  }
0x9d: {  	[timem:s6], [sflag:s22] =	dma.local [hbm:s4], s20  }
0x9e: {  	_ =	swait.ge [sflag:s22], s20  }
0x9f: {  	s3 =	ssub.s32 $0x0, s20;
	[sflag:s22] =	ssyncset.done $0x0  }
0xa0: {  	[sflag:s22] =	ssyncadd.s32 s3;
	_ =	sdelay $0x1  }
0xa1: {  	s23 =	simm.s32 $0x1B8B  }
0xa2: {  	_ =	swait.ge [sflag:s23], $0x1  }
0xa3: {  	[sflag:s23] =	ssyncset.done $0x0  }
0xa4: {  	s25 =	simm.s32 $0x1B8E;
	s24 =	sld [smem:$0x3FFE];
	[sflag:s23] =	ssyncadd.s32 $0xFFFFFFFF  }
0xa5: {  	s26 =	simm.s32 $execute0_lowered;
	[smem:$0x3FD2] =	sst s25  }
0xa6: {  	s4 =	sshll.u32 s26, $0x1;
	_ =	strace $0x80000049;
	[dreg:$0x1] =	wrdreg $0xFFFFFFFF  }
0xa7: {  	s28 =	simm.s32 $_size_execute0_lowered;
	s2 =	sadd.s32 s2, s4;
	[dreg:$0x0] =	wrdreg $0x0  }
0xa8: {  	s4 =	sshll.u32 s28, $0x1;
	[dreg:$0x2] =	wrdreg s2  }
0xa9: {  	[dreg:$0x3] =	wrdreg s4  }
0xaa: {  	[dreg:$0x4] =	wrdreg $0xC0  }
0xab: {  	_ =	task [dreg:s6], $0x5FFFF  }
0xac: {  	[dreg:$0x1] =	wrdreg $0xFFFFFFFF  }
0xad: {  	[dreg:$0x0] =	wrdreg $0x60  }
0xae: {  	[dreg:$0x2] =	wrdreg s24  }
0xaf: {  	[dreg:$0x3] =	wrdreg $0x21000  }
0xb0: {  	[dreg:$0x4] =	wrdreg $0x9  }
0xb1: {  	_ =	task.clear_ibuf [dreg:s6], $0x5FFFF;
	_ =	strace $0x90000049  }
0xb2: {  	s29 =	simm.s32 $0x9;
	_ =	strace $0x8000004B  }
0xb3: {  	_ =	swait.ge [sflag:s29], $0x1  }
0xb4: {  	[sflag:s29] =	ssyncadd.s32 $0xFFFFFFFF  }
0xb5: {  	_ =	strace $0x9000004B  }
0xb6: {  	_ =	sfence  }
0xb7: {  	s30 =	sld [smem:$0x0];
	_ =	sdelay $0x2  }
0xb8: {  	s31 =	sshll.u32 s1, $0xD;
	s1 =	sshrl.u32 s1, $0x2  }
0xb9: {  	s3 =	sand.u32 $0x4000, s31;
	s1 =	sadd.s32 s1, s30  }
0xba: {  	s0 =	sor.u32 s3, s0;
	s1 =	sshll.u32 s1, $0x11  }
0xbb: {  	s0 =	sor.u32 s1, s0  }
0xbc: {  	s0 =	sadd.s32 $0x8F2B, s0  }
0xbd: {  	[sflag:s0] =	ssyncadd.remote.s32 $0x1  }
0xbe: {  	_ =	sfence.sel $0xFFFF  }
0xbf: {  	[dreg:$0x0] =	wrdreg $0xFFFFFFFF;
	(pc) =	sbr.abs _section_cstart, $3  }
0xc0: {  	[dreg:$0x1] =	wrdreg $0xFFFFFFFF  }
0xc1: {  	_ =	task.clear_ibuf [dreg:s6], $0x2FFFF;
	_ =	strace $0x9FFFFFFF  }
0xc2: {  	(tm) =	ssettm $0x7FFFFFFF  }
0xc3: {  	_ =	shalt  }
tec
execute0_lowered:
.L_overlay_start_1:
0x0: {  	(tag) =	ssettag $0x1  }
0x1: {  	s6 =	rddreg [dreg:$0x0]  }
0x2: {  	s1 =	rddreg [dreg:$0x1]  }
0x3: {  	s3 =	srdreg.scid;
	s0 =	rddreg [dreg:$0x2];
	s2 =	simm.s32 $0x0  }
0x4: {  	s21 =	simm.s32 $0x80;
	s22 =	simm.s32 $0x1;
	s7 =	sand.u32 $0x1, s3  }
0x5: {  	s23 =	simm.s32 $0x0;
	s3 =	stileid.u32;
	s5 =	smul.u32 $0x4F00, s7  }
0x6: {  	[smem:$0x7FF] =	sst s2;
	s4 =	sadd.s32 $0x2200, s6;
	s10 =	smul.u32 $0xA000, s3  }
0x7: {  	s16 =	sadd.s32 $0x29C00, s6;
	s8 =	ssub.s32 $0x2, s7;
	s18 =	smul.u32 $0xA0000, s7  }
0x8: {  	_ =	strace $0x8000004A;
	s30 =	smul.u32 $0x4F0, s3;
	s29 =	sshrl.u32 s8, $0x1  }
0x9: {  	s15 =	sadd.s32 s5, s6;
	s5 =	sadd.s32 $0x29800, s6;
	s17 =	ssub.s32 s8, s29  }
0xa: {  	s6 =	sadd.s32 s10, s1;
	s11 =	sadd.s32 $0x2000, s10;
	s13 =	sadd.s32 $0x4000, s10  }
0xb: {  	s14 =	sadd.s32 $0x6000, s10;
	s19 =	sadd.s32 $0x8000, s10;
	s12 =	sadd.s32 s10, s18  }
0xc: {  	s7 =	sadd.s32 s11, s1;
	s8 =	sadd.s32 s13, s1;
	s9 =	sadd.s32 s14, s1  }
0xd: {  	s11 =	sadd.s32 s18, s11;
	s10 =	sadd.s32 s19, s1;
	s12 =	sshrl.u32 s12, $0x3  }
0xe: {  	s13 =	sadd.s32 s18, s13;
	s14 =	sadd.s32 s18, s14;
	s18 =	sadd.s32 s18, s19  }
0xf: {  	s31 =	sadd.s32 s30, s15;
	s19 =	simm.s32 $0x100;
	s20 =	sshrl.u32 s11, $0x3  }
0x10: {  	s11 =	sadd.s32 s16, s12;
	s13 =	sshrl.u32 s13, $0x3;
	s14 =	sshrl.u32 s14, $0x3  }
0x11: {  	s18 =	sshrl.u32 s18, $0x3;
	s12 =	sadd.s32 s16, s20;
	s13 =	sadd.s32 s16, s13  }
0x12: {  	s14 =	sadd.s32 s16, s14;
	s15 =	sadd.s32 s16, s18;
	s16 =	smax.u32 s17, $0x1  }
0x13: {  	s17 =	sadd.s32 $0x15C00, s31;
	s18 =	sadd.s32 $0x1FA00, s31;
	s20 =	simm.s32 $0x2  }
.LBB2_1:
0x14: {  	[tilespmem:s19], [sflag:$0x2] =	stream.linear.gather [hbm4b:s5+s2], $0x2000, $0x38;
	[tilespmem:$0xC100] =	vst v63  }
0x15: {  	_ =	swait.ge [sflag:s20], $0x2000  }
0x16: {  	[sflag:s20] =	ssyncset.done $0x0  }
0x17: {  	[sflag:s20] =	ssyncadd.s32 $0xFFFFE000  }
0x18: {  	[spmem:s6] =	stream.linear.scatter [tilespmem:s19], [sflag:$0x2], $0x2000, $0x38;
	[tilespmem:$0xC100] =	vst v63  }
0x19: {  	_ =	swait.ge [sflag:s20], $0x2000  }
0x1a: {  	[sflag:s20] =	ssyncset.done $0x0  }
0x1b: {  	[sflag:s20] =	ssyncadd.s32 $0xFFFFE000  }
0x1c: {  	[spmem:s7] =	stream.linear.scatter [tilespmem:s19], [sflag:$0x2], $0x2000, $0x38;
	[tilespmem:$0xC100] =	vst v63  }
0x1d: {  	_ =	swait.ge [sflag:s20], $0x2000  }
0x1e: {  	[sflag:s20] =	ssyncset.done $0x0  }
0x1f: {  	[sflag:s20] =	ssyncadd.s32 $0xFFFFE000  }
0x20: {  	[spmem:s8] =	stream.linear.scatter [tilespmem:s19], [sflag:$0x2], $0x2000, $0x38;
	[tilespmem:$0xC100] =	vst v63  }
0x21: {  	_ =	swait.ge [sflag:s20], $0x2000  }
0x22: {  	[sflag:s20] =	ssyncset.done $0x0  }
0x23: {  	[sflag:s20] =	ssyncadd.s32 $0xFFFFE000  }
0x24: {  	[spmem:s9] =	stream.linear.scatter [tilespmem:s19], [sflag:$0x2], $0x2000, $0x38;
	[tilespmem:$0xC100] =	vst v63  }
0x25: {  	_ =	swait.ge [sflag:s20], $0x2000  }
0x26: {  	[sflag:s20] =	ssyncset.done $0x0  }
0x27: {  	[sflag:s20] =	ssyncadd.s32 $0xFFFFE000  }
0x28: {  	[spmem:s10] =	stream.linear.scatter [tilespmem:s19], [sflag:$0x2], $0x2000, $0x38;
	[tilespmem:$0xC100] =	vst v63  }
0x29: {  	_ =	swait.ge [sflag:s20], $0x2000  }
0x2a: {  	[sflag:s20] =	ssyncset.done $0x0  }
0x2b: {  	[sflag:s20] =	ssyncadd.s32 $0xFFFFE000  }
0x2c: {  	s24 =	sadd.s32 $0x0, s18;
	[bflag:$0x0] =	sbarrier.arrive $0xFFFF  }
0x2d: {  	[tilespmem:s2], [sflag:$0x2] =	stream.linear.gather [hbm4b:s24+s2], $0x80, $0x38;
	[tilespmem:$0xC100] =	vst v63  }
0x2e: {  	_ =	swait.ge [sflag:s20], $0x80  }
0x2f: {  	[sflag:s20] =	ssyncset.done $0x0  }
0x30: {  	s31 =	sadd.s32 $0x0, s17;
	[sflag:s20] =	ssyncadd.s32 $0xFFFFFF80  }
0x31: {  	[tilespmem:s21], [sflag:$0x2] =	stream.linear.gather [hbm4b:s31+s2], $0x80, $0x38;
	[tilespmem:$0xC100] =	vst v63  }
0x32: {  	_ =	swait.ge [sflag:s20], $0x80  }
0x33: {  	[sflag:s20] =	ssyncset.done $0x0  }
0x34: {  	[sflag:s20] =	ssyncadd.s32 $0xFFFFFF80  }
0x35: {  	[tilespmem:s19], [sflag:$0x1] =	stream.indirect.gather [hbm4b:s4+s21], $0x40, s2, s21, $0xb8;
	[tilespmem:$0xC100] =	vst v63  }
0x36: {  	_ =	swait.ge [sflag:s22], $0x2000  }
0x37: {  	[sflag:s22] =	ssyncset.done $0x0  }
0x38: {  	[sflag:s22] =	ssyncadd.s32 $0xFFFFE000  }
0x39: {  	[spmem:s1] =	stream.indirect.scatter.add.f32 [tilespmem:s19], [sflag:$0x2], $0x40, s21, s21, $0xb8;
	[tilespmem:$0xC100] =	vst v63  }
0x3a: {  	_ =	swait.ge [sflag:s20], $0x2000  }
0x3b: {  	s25 =	simm.s32 $0x20;
	s24 =	simm.s32 $0x10;
	[sflag:s20] =	ssyncset.done $0x0  }
.LBB2_2:
0x3c: {  	s26 =	sadd.s32 s24, s18  }
0x3d: {  	[sflag:s20] =	ssyncadd.s32 $0xFFFFE000;
	s28 =	smov.u32 s25;
	s29 =	sadd.s32 $0x10, s25  }
0x3e: {  	[tilespmem:s2], [sflag:$0x2] =	stream.linear.gather [hbm4b:s26+s2], $0x80, $0x38;
	[tilespmem:$0xC100] =	vst v63  }
0x3f: {  	p0 =	sne.s32 s25, $0x4E0;
	_ =	swait.ge [sflag:s20], $0x80  }
0x40: {  	[sflag:s20] =	ssyncset.done $0x0  }
0x41: {  	s25 =	sadd.s32 s24, s17;
	s24 =	smov.u32 s28;
	[sflag:s20] =	ssyncadd.s32 $0xFFFFFF80  }
0x42: {  	[tilespmem:s21], [sflag:$0x2] =	stream.linear.gather [hbm4b:s25+s2], $0x80, $0x38;
	[tilespmem:$0xC100] =	vst v63  }
0x43: {  	_ =	swait.ge [sflag:s20], $0x80  }
0x44: {  	[sflag:s20] =	ssyncset.done $0x0  }
0x45: {  	[sflag:s20] =	ssyncadd.s32 $0xFFFFFF80  }
0x46: {  	[tilespmem:s19], [sflag:$0x1] =	stream.indirect.gather [hbm4b:s4+s21], $0x40, s2, s21, $0xb8;
	[tilespmem:$0xC100] =	vst v63  }
0x47: {  	_ =	swait.ge [sflag:s22], $0x2000  }
.Ltmp0:
0x48: {  	[sflag:s22] =	ssyncset.done $0x0;
	(pc) =	sbr.rel @p0 .LBB2_2-.Ltmp0, $4  }
0x49: {  	[sflag:s22] =	ssyncadd.s32 $0xFFFFE000  }
0x4a: {  	[spmem:s1] =	stream.indirect.scatter.add.f32 [tilespmem:s19], [sflag:$0x2], $0x40, s21, s21, $0xb8;
	[tilespmem:$0xC100] =	vst v63  }
0x4b: {  	_ =	swait.ge [sflag:s20], $0x2000  }
0x4c: {  	s25 =	smov.u32 s29;
	[sflag:s20] =	ssyncset.done $0x0  }
0x4d: {  	s25 =	sadd.s32 s24, s18;
	[sflag:s20] =	ssyncadd.s32 $0xFFFFE000  }
0x4e: {  	[tilespmem:s2], [sflag:$0x2] =	stream.linear.gather [hbm4b:s25+s2], $0x80, $0x38;
	[tilespmem:$0xC100] =	vst v63  }
0x4f: {  	_ =	swait.ge [sflag:s20], $0x80  }
0x50: {  	[sflag:s20] =	ssyncset.done $0x0  }
0x51: {  	s31 =	sadd.s32 s24, s17;
	[sflag:s20] =	ssyncadd.s32 $0xFFFFFF80  }
0x52: {  	[tilespmem:s21], [sflag:$0x2] =	stream.linear.gather [hbm4b:s31+s2], $0x80, $0x38;
	[tilespmem:$0xC100] =	vst v63  }
0x53: {  	_ =	swait.ge [sflag:s20], $0x80  }
0x54: {  	[sflag:s20] =	ssyncset.done $0x0  }
0x55: {  	[sflag:s20] =	ssyncadd.s32 $0xFFFFFF80  }
0x56: {  	[tilespmem:s19], [sflag:$0x1] =	stream.indirect.gather [hbm4b:s4+s21], $0x40, s2, s21, $0xb8;
	[tilespmem:$0xC100] =	vst v63  }
0x57: {  	_ =	swait.ge [sflag:s22], $0x2000  }
0x58: {  	[sflag:s22] =	ssyncset.done $0x0  }
0x59: {  	[sflag:s22] =	ssyncadd.s32 $0xFFFFE000  }
0x5a: {  	[spmem:s1] =	stream.indirect.scatter.add.f32 [tilespmem:s19], [sflag:$0x2], $0x40, s21, s21, $0xb8;
	[tilespmem:$0xC100] =	vst v63  }
0x5b: {  	_ =	swait.ge [sflag:s20], $0x2000  }
0x5c: {  	[sflag:s20] =	ssyncset.done $0x0  }
0x5d: {  	[sflag:s20] =	ssyncadd.s32 $0xFFFFE000  }
0x5e: {  	[bflag:$0x0] =	sbarrier.arrive $0xFFFF  }
0x5f: {  	[tilespmem:s19], [sflag:$0x2] =	stream.linear.gather [spmem:s6], $0x2000, $0x38;
	[tilespmem:$0xC100] =	vst v63  }
0x60: {  	_ =	swait.ge [sflag:s20], $0x2000  }
0x61: {  	[sflag:s20] =	ssyncset.done $0x0  }
0x62: {  	[sflag:s20] =	ssyncadd.s32 $0xFFFFE000  }
0x63: {  	[hbm4b:s11+s2] =	stream.linear.scatter [tilespmem:s19], [sflag:$0x2], $0x2000, $0x38;
	[tilespmem:$0xC100] =	vst v63  }
0x64: {  	_ =	swait.ge [sflag:s20], $0x2000  }
0x65: {  	[sflag:s20] =	ssyncset.done $0x0  }
0x66: {  	[sflag:s20] =	ssyncadd.s32 $0xFFFFE000  }
0x67: {  	[tilespmem:s19], [sflag:$0x2] =	stream.linear.gather [spmem:s7], $0x2000, $0x38;
	[tilespmem:$0xC100] =	vst v63  }
0x68: {  	_ =	swait.ge [sflag:s20], $0x2000  }
0x69: {  	[sflag:s20] =	ssyncset.done $0x0  }
0x6a: {  	[sflag:s20] =	ssyncadd.s32 $0xFFFFE000  }
0x6b: {  	[hbm4b:s12+s2] =	stream.linear.scatter [tilespmem:s19], [sflag:$0x2], $0x2000, $0x38;
	[tilespmem:$0xC100] =	vst v63  }
0x6c: {  	_ =	swait.ge [sflag:s20], $0x2000  }
0x6d: {  	[sflag:s20] =	ssyncset.done $0x0  }
0x6e: {  	[sflag:s20] =	ssyncadd.s32 $0xFFFFE000  }
0x6f: {  	[tilespmem:s19], [sflag:$0x2] =	stream.linear.gather [spmem:s8], $0x2000, $0x38;
	[tilespmem:$0xC100] =	vst v63  }
0x70: {  	_ =	swait.ge [sflag:s20], $0x2000  }
0x71: {  	[sflag:s20] =	ssyncset.done $0x0  }
0x72: {  	[sflag:s20] =	ssyncadd.s32 $0xFFFFE000  }
0x73: {  	[hbm4b:s13+s2] =	stream.linear.scatter [tilespmem:s19], [sflag:$0x2], $0x2000, $0x38;
	[tilespmem:$0xC100] =	vst v63  }
0x74: {  	_ =	swait.ge [sflag:s20], $0x2000  }
0x75: {  	[sflag:s20] =	ssyncset.done $0x0  }
0x76: {  	[sflag:s20] =	ssyncadd.s32 $0xFFFFE000  }
0x77: {  	[tilespmem:s19], [sflag:$0x2] =	stream.linear.gather [spmem:s9], $0x2000, $0x38;
	[tilespmem:$0xC100] =	vst v63  }
0x78: {  	_ =	swait.ge [sflag:s20], $0x2000  }
0x79: {  	[sflag:s20] =	ssyncset.done $0x0  }
0x7a: {  	[sflag:s20] =	ssyncadd.s32 $0xFFFFE000  }
0x7b: {  	[hbm4b:s14+s2] =	stream.linear.scatter [tilespmem:s19], [sflag:$0x2], $0x2000, $0x38;
	[tilespmem:$0xC100] =	vst v63  }
0x7c: {  	_ =	swait.ge [sflag:s20], $0x2000  }
0x7d: {  	[sflag:s20] =	ssyncset.done $0x0  }
0x7e: {  	[sflag:s20] =	ssyncadd.s32 $0xFFFFE000  }
0x7f: {  	[tilespmem:s19], [sflag:$0x2] =	stream.linear.gather [spmem:s10], $0x2000, $0x38;
	[tilespmem:$0xC100] =	vst v63  }
0x80: {  	s23 =	sadd.s32 $0x1, s23;
	_ =	swait.ge [sflag:s20], $0x2000  }
0x81: {  	p0 =	sne.s32 s23, s16;
	[sflag:s20] =	ssyncset.done $0x0  }
.Ltmp1:
0x82: {  	[sflag:s20] =	ssyncadd.s32 $0xFFFFE000;
	(pc) =	sbr.rel @p0 .LBB2_1-.Ltmp1, $4  }
0x83: {  	[hbm4b:s15+s2] =	stream.linear.scatter [tilespmem:s19], [sflag:$0x2], $0x2000, $0x38;
	[tilespmem:$0xC100] =	vst v63  }
0x84: {  	_ =	swait.ge [sflag:s20], $0x2000  }
0x85: {  	[sflag:s20] =	ssyncset.done $0x0  }
0x86: {  	[sflag:s20] =	ssyncadd.s32 $0xFFFFE000  }
0x87: {  	_ =	sfence.sel $0x180000  }
0x88: {  	[bflag:$0x0] =	sbarrier.arrive $0xFFFF  }
0x89: {  	p0 =	sne.s32 s3, $0x0;
	_ =	strace $0x9000004A  }
0x8a: {  	s0 =	sadd.s32 @!p0 $0x100000, s0;
	[bflag:$0x2] =	sbarrier.arrive $0xFFFF  }
0x8b: {  	[sflag:s0] =	ssyncadd.tile.s32 @!p0 $0x1;
	_ =	shalt  }
.Lfunc_end2:
_tile_overlayer_lowered:
.L_overlay_start_2:
0x8c: {  	(tag) =	ssettag $0x2  }
0x8d: {  	s0 =	rddreg [dreg:$0x0];
	s2 =	stileid.u32  }
0x8e: {  	s1 =	rddreg [dreg:$0x1];
	p0 =	sne.s32 s2, $0x0  }
0x8f: {  	s3 =	rddreg [dreg:$0x2];
	[bflag:$0x3] =	sbarrier.arrive $0xFFFF;
	s2 =	simm.s32 @!p0 $0x1C02  }
0x90: {  	[timem:s3], [sflag:s2] =	dma.local @!p0 [hbm:s0], s1  }
0x91: {  	s0 =	simm.s32 @!p0 $0x2  }
0x92: {  	_ =	swait.ge @!p0 [sflag:s0], s1  }
0x93: {  	s1 =	ssub.s32 @!p0 $0x0, s1;
	[sflag:s0] =	ssyncset.done @!p0 $0x0  }
0x94: {  	[sflag:s0] =	ssyncadd.s32 @!p0 s1  }
0x95: {  	[bflag:$0x3] =	sbarrier.arrive $0xFFFF  }
0x96: {  	_ =	shalt  }

// kernel: kernel.15.cloned.1.call-start
scs
__scs_entry_jumppad:
0x0: {  	(pc) =	sbr.rel $0x88, $3  }
0x1: {  	(tag) =	ssettag $0x0;
	lr =	simm.s32 $0x1  }
0x2: {  	[smem:$0x3F8C] =	sst lr;
	_ =	strace $0xD0000000  }
0x3: {  	_ = 	snop  }
0x4: {  	_ = 	snop  }
0x5: {  	_ = 	snop  }
0x6: {  	_ = 	snop  }
0x7: {  	_ = 	snop  }
__scs_overlays_trampoline_lowered:
0x8: {  	[smem:$0x3F9B] =	sst s0  }
0x9: {  	[smem:$0x3F9C] =	sst s1  }
0xa: {  	[smem:$0x3F9D] =	sst s2  }
0xb: {  	[smem:$0x3F9E] =	sst s3  }
0xc: {  	[smem:$0x3F9F] =	sst s4  }
0xd: {  	[smem:$0x3FA0] =	sst s5  }
0xe: {  	[smem:$0x3FA1] =	sst s6  }
0xf: {  	[smem:$0x3FA2] =	sst s7  }
0x10: {  	[smem:$0x3FA3] =	sst s8  }
0x11: {  	[smem:$0x3FA4] =	sst s9;
	s0 =	simm.s32 @!p0 $0x0  }
0x12: {  	s1 =	sld [smem:$0x3F8A];
	s0 =	simm.s32 @p0 $0x1  }
0x13: {  	[smem:$0x3FA5] =	sst s0;
	s0 =	simm.s32 @!p1 $0x0  }
0x14: {  	s2 =	sld [smem:$0x3F89];
	s0 =	simm.s32 @p1 $0x1  }
0x15: {  	[smem:$0x3FA6] =	sst s0;
	s0 =	simm.s32 @!p2 $0x0  }
0x16: {  	s3 =	sld [smem:$0x3FDB];
	s0 =	simm.s32 @p2 $0x1  }
0x17: {  	s4 =	simm.s32 $0x1BF5;
	[smem:$0x3FA8] =	sst s0  }
0x18: {  	s0 =	sld [smem:$0x3F8B];
	_ =	swait.ge [sflag:s4], $0x0  }
0x19: {  	s7 =	sld [smem:$0x3F8C]  }
0x1a: {  	s8 =	sadd.s32 $0xFFFFE003, lr  }
0x1b: {  	s9 =	sadd.s32 $0xFFFFFEF7, lr;
	s5 =	simm.s32 $0xFFFFFFFF;
	p2 =	slt.u32 s8, $0xFFFFF086  }
0x1c: {  	p1 =	slt.u32 s9, $0xF7A;
	s5 =	simm.s32 @!p2 $0x0  }
0x1d: {  	s5 =	simm.s32 @p1 $0x1;
	p0 =	seq.s32 s7, s2  }
0x1e: {  	s7 =	smul.u32 @!p0 $0xF7A, s2;
	p2 =	seq.s32 @!p0 s5, $0x0  }
0x1f: {  	s9 =	smul.u32 $0xF7A, s1;
	s8 =	simm.s32 @!p0 $0x1BF5;
	p2 =	por !p2, p0  }
0x20: {  	[sflag:s8] =	ssyncset.s32 @!p0 $0xFFFFF086;
	s6 =	sadd.s32 @!p0 s3, s7;
	s7 =	simm.s32 @!p0 $0x108  }
0x21: {  	s3 =	sadd.s32 s3, s9;
	s6 =	sadd.s32 @!p0 $0x88, s6;
	s7 =	simm.s32 @p2 $0x1082  }
0x22: {  	[simem:s7], [sflag:s8] =	dma.local @!p0 [hbm:s6], $0xF7A  }
0x23: {  	s9 =	sor.u32 $0xD0000000, s2;
	s6 =	simm.s32 $0x108;
	_ =	swait.ge @!p0 [sflag:s8], $0x0  }
0x24: {  	s3 =	sadd.s32 $0x88, s3;
	s6 =	simm.s32 @!p1 $0x1082;
	[sflag:s4] =	ssyncset.s32 $0xFFFFF086  }
0x25: {  	[simem:s6], [sflag:s4] =	dma.local [hbm:s3], $0xF7A  }
0x26: {  	[smem:$0x3F8C] =	sst s1;
	(tag) =	ssettag s2;
	_ =	strace s9  }
0x27: {  	s1 =	sld [smem:$0x3F9C]  }
0x28: {  	s2 =	sld [smem:$0x3F9D]  }
0x29: {  	s4 =	sld [smem:$0x3F9F]  }
0x2a: {  	p0 =	seq.s32 s5, $0x0;
	s5 =	sld [smem:$0x3FA0]  }
0x2b: {  	s6 =	sld [smem:$0x3FA1]  }
0x2c: {  	s7 =	sld [smem:$0x3FA2]  }
0x2d: {  	s3 =	simm.s32 $0x108;
	s8 =	sld [smem:$0x3FA3]  }
0x2e: {  	s3 =	simm.s32 @!p0 $0x1082;
	s9 =	sld [smem:$0x3FA4]  }
0x2f: {  	lr =	sadd.s32 s0, s3;
	s0 =	sld [smem:$0x3F9B]  }
0x30: {  	s3 =	sld [smem:$0x3F9E]  }
0x31: {  	[smem:$0x3FA7] =	sst s10  }
0x32: {  	s10 =	sld [smem:$0x3FA5];
	_ =	sdelay $0x3  }
0x33: {  	p0 =	seq.s32 s10, $0x1;
	s10 =	sld [smem:$0x3FA7];
	_ =	sdelay $0x3  }
0x34: {  	[smem:$0x3FA7] =	sst s10  }
0x35: {  	s10 =	sld [smem:$0x3FA6];
	_ =	sdelay $0x3  }
0x36: {  	p1 =	seq.s32 s10, $0x1;
	s10 =	sld [smem:$0x3FA7];
	_ =	sdelay $0x3  }
0x37: {  	[smem:$0x3FA7] =	sst s10  }
0x38: {  	s10 =	sld [smem:$0x3FA8]  }
0x39: {  	_ = 	snop;
	(pc) =	sbr.ind lr, $3  }
0x3a: {  	_ = 	snop  }
0x3b: {  	_ = 	snop  }
0x3c: {  	p2 =	seq.s32 s10, $0x1;
	s10 =	sld [smem:$0x3FA7]  }
0x3d: {  	_ =	shalt  }
0x3e: {  	_ =	shalt  }
0x3f: {  	_ =	shalt  }
0x40: {  	_ =	shalt  }
0x41: {  	_ =	shalt  }
0x42: {  	_ =	shalt  }
0x43: {  	_ =	shalt  }
0x44: {  	_ =	shalt  }
0x45: {  	_ =	shalt  }
0x46: {  	_ =	shalt  }
0x47: {  	_ =	shalt  }
0x48: {  	_ =	shalt  }
0x49: {  	_ =	shalt  }
0x4a: {  	_ =	shalt  }
0x4b: {  	_ =	shalt  }
0x4c: {  	_ =	shalt  }
0x4d: {  	_ =	shalt  }
0x4e: {  	_ =	shalt  }
0x4f: {  	_ =	shalt  }
0x50: {  	_ =	shalt  }
0x51: {  	_ =	shalt  }
0x52: {  	_ =	shalt  }
0x53: {  	_ =	shalt  }
0x54: {  	_ =	shalt  }
0x55: {  	_ =	shalt  }
0x56: {  	_ =	shalt  }
0x57: {  	_ =	shalt  }
0x58: {  	_ =	shalt  }
0x59: {  	_ =	shalt  }
0x5a: {  	_ =	shalt  }
0x5b: {  	_ =	shalt  }
0x5c: {  	_ =	shalt  }
0x5d: {  	_ =	shalt  }
0x5e: {  	_ =	shalt  }
0x5f: {  	_ =	shalt  }
0x60: {  	_ =	shalt  }
0x61: {  	_ =	shalt  }
0x62: {  	_ =	shalt  }
0x63: {  	_ =	shalt  }
0x64: {  	_ =	shalt  }
0x65: {  	_ =	shalt  }
0x66: {  	_ =	shalt  }
0x67: {  	_ =	shalt  }
0x68: {  	_ =	shalt  }
0x69: {  	_ =	shalt  }
0x6a: {  	_ =	shalt  }
0x6b: {  	_ =	shalt  }
0x6c: {  	_ =	shalt  }
0x6d: {  	_ =	shalt  }
0x6e: {  	_ =	shalt  }
0x6f: {  	_ =	shalt  }
0x70: {  	_ =	shalt  }
0x71: {  	_ =	shalt  }
0x72: {  	_ =	shalt  }
0x73: {  	_ =	shalt  }
0x74: {  	_ =	shalt  }
0x75: {  	_ =	shalt  }
0x76: {  	_ =	shalt  }
0x77: {  	_ =	shalt  }
0x78: {  	_ =	shalt  }
0x79: {  	_ =	shalt  }
0x7a: {  	_ =	shalt  }
0x7b: {  	_ =	shalt  }
0x7c: {  	_ =	shalt  }
0x7d: {  	_ =	shalt  }
0x7e: {  	_ =	shalt  }
0x7f: {  	_ =	shalt  }
0x80: {  	_ =	shalt  }
0x81: {  	_ =	shalt  }
0x82: {  	_ =	shalt  }
0x83: {  	_ =	shalt  }
0x84: {  	_ =	shalt  }
0x85: {  	_ =	shalt  }
0x86: {  	_ =	shalt  }
0x87: {  	_ =	shalt  }
.Lfunc_end0:
.L_simem_size_0:
called_computation.2_lowered:
.L_overlay_start_0:
0x88: {  	s2 =	sld [smem:$0x3FD9]  }
0x89: {  	s3 =	sld [smem:$0x3FFE];
	_ =	sdelay $0x1  }
0x8a: {  	s1 =	srdreg.scid  }
0x8b: {  	s0 =	sand.u32 $0x1, s1  }
0x8c: {  	s16 =	sshll.u32 s0, $0xA;
	s2 =	sadd.s32 s3, s2  }
0x8d: {  	s2 =	sadd.s32 s2, s16  }
0x8e: {  	[smem:$0x3FB3] =	sst s2  }
0x8f: {  	_ = 	snop  }
0x90: {  	(tm) =	ssettm $0x1  }
0x91: {  	s17 =	sld [smem:$0x3FFB];
	_ =	sdelay $0x3  }
0x92: {  	_ =	strace s17  }
0x93: {  	s2 =	sld [smem:$0x3FFC];
	_ =	sdelay $0x3  }
0x94: {  	_ =	strace s2  }
0x95: {  	s2 =	sld [smem:$0x3FFD];
	_ =	sdelay $0x3  }
0x96: {  	_ =	strace s2  }
0x97: {  	_ =	strace $0x8FFFFFFF  }
0x98: {  	s18 =	sld [smem:$0x3FDB];
	_ =	sdelay $0x1  }
0x99: {  	s19 =	simm.s32 $_scs_section_size  }
0x9a: {  	s4 =	simm.s32 $_size__tile_overlayer_lowered;
	s5 =	simm.s32 $_tile_overlayer_lowered  }
0x9b: {  	s22 =	simm.s32 $0x1BFF;
	s21 =	sshll.u32 s5, $0x1;
	s2 =	sadd.s32 s19, s18  }
0x9c: {  	s6 =	simm.s32 $0x0;
	s20 =	sshll.u32 s4, $0x1;
	s4 =	sadd.s32 s21, s2  }
0x9d: {  	[timem:s6], [sflag:s22] =	dma.local [hbm:s4], s20  }
0x9e: {  	_ =	swait.ge [sflag:s22], s20  }
0x9f: {  	s3 =	ssub.s32 $0x0, s20;
	[sflag:s22] =	ssyncset.done $0x0  }
0xa0: {  	[sflag:s22] =	ssyncadd.s32 s3;
	_ =	sdelay $0x1  }
0xa1: {  	s23 =	simm.s32 $0x1B8B  }
0xa2: {  	_ =	swait.ge [sflag:s23], $0x1  }
0xa3: {  	[sflag:s23] =	ssyncset.done $0x0  }
0xa4: {  	s25 =	simm.s32 $0x1B8E;
	s24 =	sld [smem:$0x3FFE];
	[sflag:s23] =	ssyncadd.s32 $0xFFFFFFFF  }
0xa5: {  	s26 =	simm.s32 $execute0_lowered;
	[smem:$0x3FD2] =	sst s25  }
0xa6: {  	s4 =	sshll.u32 s26, $0x1;
	_ =	strace $0x8000004C;
	[dreg:$0x1] =	wrdreg $0xFFFFFFFF  }
0xa7: {  	s28 =	simm.s32 $_size_execute0_lowered;
	s2 =	sadd.s32 s2, s4;
	[dreg:$0x0] =	wrdreg $0x0  }
0xa8: {  	s4 =	sshll.u32 s28, $0x1;
	[dreg:$0x2] =	wrdreg s2  }
0xa9: {  	[dreg:$0x3] =	wrdreg s4  }
0xaa: {  	[dreg:$0x4] =	wrdreg $0xC0  }
0xab: {  	_ =	task [dreg:s6], $0x5FFFF  }
0xac: {  	[dreg:$0x1] =	wrdreg $0xFFFFFFFF  }
0xad: {  	[dreg:$0x0] =	wrdreg $0x60  }
0xae: {  	[dreg:$0x2] =	wrdreg s24  }
0xaf: {  	[dreg:$0x3] =	wrdreg $0x21000  }
0xb0: {  	[dreg:$0x4] =	wrdreg $0x9  }
0xb1: {  	_ =	task.clear_ibuf [dreg:s6], $0x5FFFF;
	_ =	strace $0x9000004C  }
0xb2: {  	s29 =	simm.s32 $0x9;
	_ =	strace $0x8000004E  }
0xb3: {  	_ =	swait.ge [sflag:s29], $0x1  }
0xb4: {  	[sflag:s29] =	ssyncadd.s32 $0xFFFFFFFF  }
0xb5: {  	_ =	strace $0x9000004E  }
0xb6: {  	_ =	sfence  }
0xb7: {  	s30 =	sld [smem:$0x0];
	_ =	sdelay $0x2  }
0xb8: {  	s31 =	sshll.u32 s1, $0xD;
	s1 =	sshrl.u32 s1, $0x2  }
0xb9: {  	s3 =	sand.u32 $0x4000, s31;
	s1 =	sadd.s32 s1, s30  }
0xba: {  	s0 =	sor.u32 s3, s0;
	s1 =	sshll.u32 s1, $0x11  }
0xbb: {  	s0 =	sor.u32 s1, s0  }
0xbc: {  	s0 =	sadd.s32 $0x8F2B, s0  }
0xbd: {  	[sflag:s0] =	ssyncadd.remote.s32 $0x1  }
0xbe: {  	_ =	sfence.sel $0xFFFF  }
0xbf: {  	[dreg:$0x0] =	wrdreg $0xFFFFFFFF;
	(pc) =	sbr.abs _section_cstart, $3  }
0xc0: {  	[dreg:$0x1] =	wrdreg $0xFFFFFFFF  }
0xc1: {  	_ =	task.clear_ibuf [dreg:s6], $0x2FFFF;
	_ =	strace $0x9FFFFFFF  }
0xc2: {  	(tm) =	ssettm $0x7FFFFFFF  }
0xc3: {  	_ =	shalt  }
tec
execute0_lowered:
.L_overlay_start_1:
0x0: {  	(tag) =	ssettag $0x1  }
0x1: {  	s6 =	rddreg [dreg:$0x0]  }
0x2: {  	s1 =	rddreg [dreg:$0x1]  }
0x3: {  	s3 =	srdreg.scid;
	s0 =	rddreg [dreg:$0x2];
	s2 =	simm.s32 $0x0  }
0x4: {  	s21 =	simm.s32 $0x80;
	s22 =	simm.s32 $0x1;
	s7 =	sand.u32 $0x1, s3  }
0x5: {  	s23 =	simm.s32 $0x0;
	s3 =	stileid.u32;
	s5 =	smul.u32 $0x4F00, s7  }
0x6: {  	[smem:$0x7FF] =	sst s2;
	s4 =	sadd.s32 $0x2200, s6;
	s10 =	smul.u32 $0xA000, s3  }
0x7: {  	s16 =	sadd.s32 $0x29C00, s6;
	s8 =	ssub.s32 $0x2, s7;
	s18 =	smul.u32 $0xA0000, s7  }
0x8: {  	_ =	strace $0x8000004D;
	s30 =	smul.u32 $0x4F0, s3;
	s29 =	sshrl.u32 s8, $0x1  }
0x9: {  	s15 =	sadd.s32 s5, s6;
	s5 =	sadd.s32 $0x29800, s6;
	s17 =	ssub.s32 s8, s29  }
0xa: {  	s6 =	sadd.s32 s10, s1;
	s11 =	sadd.s32 $0x2000, s10;
	s13 =	sadd.s32 $0x4000, s10  }
0xb: {  	s14 =	sadd.s32 $0x6000, s10;
	s19 =	sadd.s32 $0x8000, s10;
	s12 =	sadd.s32 s10, s18  }
0xc: {  	s7 =	sadd.s32 s11, s1;
	s8 =	sadd.s32 s13, s1;
	s9 =	sadd.s32 s14, s1  }
0xd: {  	s11 =	sadd.s32 s18, s11;
	s10 =	sadd.s32 s19, s1;
	s12 =	sshrl.u32 s12, $0x3  }
0xe: {  	s13 =	sadd.s32 s18, s13;
	s14 =	sadd.s32 s18, s14;
	s18 =	sadd.s32 s18, s19  }
0xf: {  	s31 =	sadd.s32 s30, s15;
	s19 =	simm.s32 $0x100;
	s20 =	sshrl.u32 s11, $0x3  }
0x10: {  	s11 =	sadd.s32 s16, s12;
	s13 =	sshrl.u32 s13, $0x3;
	s14 =	sshrl.u32 s14, $0x3  }
0x11: {  	s18 =	sshrl.u32 s18, $0x3;
	s12 =	sadd.s32 s16, s20;
	s13 =	sadd.s32 s16, s13  }
0x12: {  	s14 =	sadd.s32 s16, s14;
	s15 =	sadd.s32 s16, s18;
	s16 =	smax.u32 s17, $0x1  }
0x13: {  	s17 =	sadd.s32 $0x15C00, s31;
	s18 =	sadd.s32 $0x1FA00, s31;
	s20 =	simm.s32 $0x2  }
.LBB2_1:
0x14: {  	[tilespmem:s19], [sflag:$0x2] =	stream.linear.gather [hbm4b:s5+s2], $0x2000, $0x38;
	[tilespmem:$0xC100] =	vst v63  }
0x15: {  	_ =	swait.ge [sflag:s20], $0x2000  }
0x16: {  	[sflag:s20] =	ssyncset.done $0x0  }
0x17: {  	[sflag:s20] =	ssyncadd.s32 $0xFFFFE000  }
0x18: {  	[spmem:s6] =	stream.linear.scatter [tilespmem:s19], [sflag:$0x2], $0x2000, $0x38;
	[tilespmem:$0xC100] =	vst v63  }
0x19: {  	_ =	swait.ge [sflag:s20], $0x2000  }
0x1a: {  	[sflag:s20] =	ssyncset.done $0x0  }
0x1b: {  	[sflag:s20] =	ssyncadd.s32 $0xFFFFE000  }
0x1c: {  	[spmem:s7] =	stream.linear.scatter [tilespmem:s19], [sflag:$0x2], $0x2000, $0x38;
	[tilespmem:$0xC100] =	vst v63  }
0x1d: {  	_ =	swait.ge [sflag:s20], $0x2000  }
0x1e: {  	[sflag:s20] =	ssyncset.done $0x0  }
0x1f: {  	[sflag:s20] =	ssyncadd.s32 $0xFFFFE000  }
0x20: {  	[spmem:s8] =	stream.linear.scatter [tilespmem:s19], [sflag:$0x2], $0x2000, $0x38;
	[tilespmem:$0xC100] =	vst v63  }
0x21: {  	_ =	swait.ge [sflag:s20], $0x2000  }
0x22: {  	[sflag:s20] =	ssyncset.done $0x0  }
0x23: {  	[sflag:s20] =	ssyncadd.s32 $0xFFFFE000  }
0x24: {  	[spmem:s9] =	stream.linear.scatter [tilespmem:s19], [sflag:$0x2], $0x2000, $0x38;
	[tilespmem:$0xC100] =	vst v63  }
0x25: {  	_ =	swait.ge [sflag:s20], $0x2000  }
0x26: {  	[sflag:s20] =	ssyncset.done $0x0  }
0x27: {  	[sflag:s20] =	ssyncadd.s32 $0xFFFFE000  }
0x28: {  	[spmem:s10] =	stream.linear.scatter [tilespmem:s19], [sflag:$0x2], $0x2000, $0x38;
	[tilespmem:$0xC100] =	vst v63  }
0x29: {  	_ =	swait.ge [sflag:s20], $0x2000  }
0x2a: {  	[sflag:s20] =	ssyncset.done $0x0  }
0x2b: {  	[sflag:s20] =	ssyncadd.s32 $0xFFFFE000  }
0x2c: {  	s24 =	sadd.s32 $0x0, s18;
	[bflag:$0x0] =	sbarrier.arrive $0xFFFF  }
0x2d: {  	[tilespmem:s2], [sflag:$0x2] =	stream.linear.gather [hbm4b:s24+s2], $0x80, $0x38;
	[tilespmem:$0xC100] =	vst v63  }
0x2e: {  	_ =	swait.ge [sflag:s20], $0x80  }
0x2f: {  	[sflag:s20] =	ssyncset.done $0x0  }
0x30: {  	s31 =	sadd.s32 $0x0, s17;
	[sflag:s20] =	ssyncadd.s32 $0xFFFFFF80  }
0x31: {  	[tilespmem:s21], [sflag:$0x2] =	stream.linear.gather [hbm4b:s31+s2], $0x80, $0x38;
	[tilespmem:$0xC100] =	vst v63  }
0x32: {  	_ =	swait.ge [sflag:s20], $0x80  }
0x33: {  	[sflag:s20] =	ssyncset.done $0x0  }
0x34: {  	[sflag:s20] =	ssyncadd.s32 $0xFFFFFF80  }
0x35: {  	[tilespmem:s19], [sflag:$0x1] =	stream.indirect.gather [hbm4b:s4+s21], $0x40, s2, s21, $0xb8;
	[tilespmem:$0xC100] =	vst v63  }
0x36: {  	_ =	swait.ge [sflag:s22], $0x2000  }
0x37: {  	[sflag:s22] =	ssyncset.done $0x0  }
0x38: {  	[sflag:s22] =	ssyncadd.s32 $0xFFFFE000  }
0x39: {  	[spmem:s1] =	stream.indirect.scatter.add.f32 [tilespmem:s19], [sflag:$0x2], $0x40, s21, s21, $0xb8;
	[tilespmem:$0xC100] =	vst v63  }
0x3a: {  	_ =	swait.ge [sflag:s20], $0x2000  }
0x3b: {  	s25 =	simm.s32 $0x20;
	s24 =	simm.s32 $0x10;
	[sflag:s20] =	ssyncset.done $0x0  }
.LBB2_2:
0x3c: {  	s26 =	sadd.s32 s24, s18  }
0x3d: {  	[sflag:s20] =	ssyncadd.s32 $0xFFFFE000;
	s28 =	smov.u32 s25;
	s29 =	sadd.s32 $0x10, s25  }
0x3e: {  	[tilespmem:s2], [sflag:$0x2] =	stream.linear.gather [hbm4b:s26+s2], $0x80, $0x38;
	[tilespmem:$0xC100] =	vst v63  }
0x3f: {  	p0 =	sne.s32 s25, $0x4E0;
	_ =	swait.ge [sflag:s20], $0x80  }
0x40: {  	[sflag:s20] =	ssyncset.done $0x0  }
0x41: {  	s25 =	sadd.s32 s24, s17;
	s24 =	smov.u32 s28;
	[sflag:s20] =	ssyncadd.s32 $0xFFFFFF80  }
0x42: {  	[tilespmem:s21], [sflag:$0x2] =	stream.linear.gather [hbm4b:s25+s2], $0x80, $0x38;
	[tilespmem:$0xC100] =	vst v63  }
0x43: {  	_ =	swait.ge [sflag:s20], $0x80  }
0x44: {  	[sflag:s20] =	ssyncset.done $0x0  }
0x45: {  	[sflag:s20] =	ssyncadd.s32 $0xFFFFFF80  }
0x46: {  	[tilespmem:s19], [sflag:$0x1] =	stream.indirect.gather [hbm4b:s4+s21], $0x40, s2, s21, $0xb8;
	[tilespmem:$0xC100] =	vst v63  }
0x47: {  	_ =	swait.ge [sflag:s22], $0x2000  }
.Ltmp0:
0x48: {  	[sflag:s22] =	ssyncset.done $0x0;
	(pc) =	sbr.rel @p0 .LBB2_2-.Ltmp0, $4  }
0x49: {  	[sflag:s22] =	ssyncadd.s32 $0xFFFFE000  }
0x4a: {  	[spmem:s1] =	stream.indirect.scatter.add.f32 [tilespmem:s19], [sflag:$0x2], $0x40, s21, s21, $0xb8;
	[tilespmem:$0xC100] =	vst v63  }
0x4b: {  	_ =	swait.ge [sflag:s20], $0x2000  }
0x4c: {  	s25 =	smov.u32 s29;
	[sflag:s20] =	ssyncset.done $0x0  }
0x4d: {  	s25 =	sadd.s32 s24, s18;
	[sflag:s20] =	ssyncadd.s32 $0xFFFFE000  }
0x4e: {  	[tilespmem:s2], [sflag:$0x2] =	stream.linear.gather [hbm4b:s25+s2], $0x80, $0x38;
	[tilespmem:$0xC100] =	vst v63  }
0x4f: {  	_ =	swait.ge [sflag:s20], $0x80  }
0x50: {  	[sflag:s20] =	ssyncset.done $0x0  }
0x51: {  	s31 =	sadd.s32 s24, s17;
	[sflag:s20] =	ssyncadd.s32 $0xFFFFFF80  }
0x52: {  	[tilespmem:s21], [sflag:$0x2] =	stream.linear.gather [hbm4b:s31+s2], $0x80, $0x38;
	[tilespmem:$0xC100] =	vst v63  }
0x53: {  	_ =	swait.ge [sflag:s20], $0x80  }
0x54: {  	[sflag:s20] =	ssyncset.done $0x0  }
0x55: {  	[sflag:s20] =	ssyncadd.s32 $0xFFFFFF80  }
0x56: {  	[tilespmem:s19], [sflag:$0x1] =	stream.indirect.gather [hbm4b:s4+s21], $0x40, s2, s21, $0xb8;
	[tilespmem:$0xC100] =	vst v63  }
0x57: {  	_ =	swait.ge [sflag:s22], $0x2000  }
0x58: {  	[sflag:s22] =	ssyncset.done $0x0  }
0x59: {  	[sflag:s22] =	ssyncadd.s32 $0xFFFFE000  }
0x5a: {  	[spmem:s1] =	stream.indirect.scatter.add.f32 [tilespmem:s19], [sflag:$0x2], $0x40, s21, s21, $0xb8;
	[tilespmem:$0xC100] =	vst v63  }
0x5b: {  	_ =	swait.ge [sflag:s20], $0x2000  }
0x5c: {  	[sflag:s20] =	ssyncset.done $0x0  }
0x5d: {  	[sflag:s20] =	ssyncadd.s32 $0xFFFFE000  }
0x5e: {  	[bflag:$0x0] =	sbarrier.arrive $0xFFFF  }
0x5f: {  	[tilespmem:s19], [sflag:$0x2] =	stream.linear.gather [spmem:s6], $0x2000, $0x38;
	[tilespmem:$0xC100] =	vst v63  }
0x60: {  	_ =	swait.ge [sflag:s20], $0x2000  }
0x61: {  	[sflag:s20] =	ssyncset.done $0x0  }
0x62: {  	[sflag:s20] =	ssyncadd.s32 $0xFFFFE000  }
0x63: {  	[hbm4b:s11+s2] =	stream.linear.scatter [tilespmem:s19], [sflag:$0x2], $0x2000, $0x38;
	[tilespmem:$0xC100] =	vst v63  }
0x64: {  	_ =	swait.ge [sflag:s20], $0x2000  }
0x65: {  	[sflag:s20] =	ssyncset.done $0x0  }
0x66: {  	[sflag:s20] =	ssyncadd.s32 $0xFFFFE000  }
0x67: {  	[tilespmem:s19], [sflag:$0x2] =	stream.linear.gather [spmem:s7], $0x2000, $0x38;
	[tilespmem:$0xC100] =	vst v63  }
0x68: {  	_ =	swait.ge [sflag:s20], $0x2000  }
0x69: {  	[sflag:s20] =	ssyncset.done $0x0  }
0x6a: {  	[sflag:s20] =	ssyncadd.s32 $0xFFFFE000  }
0x6b: {  	[hbm4b:s12+s2] =	stream.linear.scatter [tilespmem:s19], [sflag:$0x2], $0x2000, $0x38;
	[tilespmem:$0xC100] =	vst v63  }
0x6c: {  	_ =	swait.ge [sflag:s20], $0x2000  }
0x6d: {  	[sflag:s20] =	ssyncset.done $0x0  }
0x6e: {  	[sflag:s20] =	ssyncadd.s32 $0xFFFFE000  }
0x6f: {  	[tilespmem:s19], [sflag:$0x2] =	stream.linear.gather [spmem:s8], $0x2000, $0x38;
	[tilespmem:$0xC100] =	vst v63  }
0x70: {  	_ =	swait.ge [sflag:s20], $0x2000  }
0x71: {  	[sflag:s20] =	ssyncset.done $0x0  }
0x72: {  	[sflag:s20] =	ssyncadd.s32 $0xFFFFE000  }
0x73: {  	[hbm4b:s13+s2] =	stream.linear.scatter [tilespmem:s19], [sflag:$0x2], $0x2000, $0x38;
	[tilespmem:$0xC100] =	vst v63  }
0x74: {  	_ =	swait.ge [sflag:s20], $0x2000  }
0x75: {  	[sflag:s20] =	ssyncset.done $0x0  }
0x76: {  	[sflag:s20] =	ssyncadd.s32 $0xFFFFE000  }
0x77: {  	[tilespmem:s19], [sflag:$0x2] =	stream.linear.gather [spmem:s9], $0x2000, $0x38;
	[tilespmem:$0xC100] =	vst v63  }
0x78: {  	_ =	swait.ge [sflag:s20], $0x2000  }
0x79: {  	[sflag:s20] =	ssyncset.done $0x0  }
0x7a: {  	[sflag:s20] =	ssyncadd.s32 $0xFFFFE000  }
0x7b: {  	[hbm4b:s14+s2] =	stream.linear.scatter [tilespmem:s19], [sflag:$0x2], $0x2000, $0x38;
	[tilespmem:$0xC100] =	vst v63  }
0x7c: {  	_ =	swait.ge [sflag:s20], $0x2000  }
0x7d: {  	[sflag:s20] =	ssyncset.done $0x0  }
0x7e: {  	[sflag:s20] =	ssyncadd.s32 $0xFFFFE000  }
0x7f: {  	[tilespmem:s19], [sflag:$0x2] =	stream.linear.gather [spmem:s10], $0x2000, $0x38;
	[tilespmem:$0xC100] =	vst v63  }
0x80: {  	s23 =	sadd.s32 $0x1, s23;
	_ =	swait.ge [sflag:s20], $0x2000  }
0x81: {  	p0 =	sne.s32 s23, s16;
	[sflag:s20] =	ssyncset.done $0x0  }
.Ltmp1:
0x82: {  	[sflag:s20] =	ssyncadd.s32 $0xFFFFE000;
	(pc) =	sbr.rel @p0 .LBB2_1-.Ltmp1, $4  }
0x83: {  	[hbm4b:s15+s2] =	stream.linear.scatter [tilespmem:s19], [sflag:$0x2], $0x2000, $0x38;
	[tilespmem:$0xC100] =	vst v63  }
0x84: {  	_ =	swait.ge [sflag:s20], $0x2000  }
0x85: {  	[sflag:s20] =	ssyncset.done $0x0  }
0x86: {  	[sflag:s20] =	ssyncadd.s32 $0xFFFFE000  }
0x87: {  	_ =	sfence.sel $0x180000  }
0x88: {  	[bflag:$0x0] =	sbarrier.arrive $0xFFFF  }
0x89: {  	p0 =	sne.s32 s3, $0x0;
	_ =	strace $0x9000004D  }
0x8a: {  	s0 =	sadd.s32 @!p0 $0x100000, s0;
	[bflag:$0x2] =	sbarrier.arrive $0xFFFF  }
0x8b: {  	[sflag:s0] =	ssyncadd.tile.s32 @!p0 $0x1;
	_ =	shalt  }
.Lfunc_end2:
_tile_overlayer_lowered:
.L_overlay_start_2:
0x8c: {  	(tag) =	ssettag $0x2  }
0x8d: {  	s0 =	rddreg [dreg:$0x0];
	s2 =	stileid.u32  }
0x8e: {  	s1 =	rddreg [dreg:$0x1];
	p0 =	sne.s32 s2, $0x0  }
0x8f: {  	s3 =	rddreg [dreg:$0x2];
	[bflag:$0x3] =	sbarrier.arrive $0xFFFF;
	s2 =	simm.s32 @!p0 $0x1C02  }
0x90: {  	[timem:s3], [sflag:s2] =	dma.local @!p0 [hbm:s0], s1  }
0x91: {  	s0 =	simm.s32 @!p0 $0x2  }
0x92: {  	_ =	swait.ge @!p0 [sflag:s0], s1  }
0x93: {  	s1 =	ssub.s32 @!p0 $0x0, s1;
	[sflag:s0] =	ssyncset.done @!p0 $0x0  }
0x94: {  	[sflag:s0] =	ssyncadd.s32 @!p0 s1  }
0x95: {  	[bflag:$0x3] =	sbarrier.arrive $0xFFFF  }
0x96: {  	_ =	shalt  }

// kernel: kernel.9.cloned.1.call-start
scs
__scs_entry_jumppad:
0x0: {  	(pc) =	sbr.rel $0x88, $3  }
0x1: {  	(tag) =	ssettag $0x0;
	lr =	simm.s32 $0x1  }
0x2: {  	[smem:$0x3F8C] =	sst lr;
	_ =	strace $0xD0000000  }
0x3: {  	_ = 	snop  }
0x4: {  	_ = 	snop  }
0x5: {  	_ = 	snop  }
0x6: {  	_ = 	snop  }
0x7: {  	_ = 	snop  }
__scs_overlays_trampoline_lowered:
0x8: {  	[smem:$0x3F9B] =	sst s0  }
0x9: {  	[smem:$0x3F9C] =	sst s1  }
0xa: {  	[smem:$0x3F9D] =	sst s2  }
0xb: {  	[smem:$0x3F9E] =	sst s3  }
0xc: {  	[smem:$0x3F9F] =	sst s4  }
0xd: {  	[smem:$0x3FA0] =	sst s5  }
0xe: {  	[smem:$0x3FA1] =	sst s6  }
0xf: {  	[smem:$0x3FA2] =	sst s7  }
0x10: {  	[smem:$0x3FA3] =	sst s8  }
0x11: {  	[smem:$0x3FA4] =	sst s9;
	s0 =	simm.s32 @!p0 $0x0  }
0x12: {  	s1 =	sld [smem:$0x3F8A];
	s0 =	simm.s32 @p0 $0x1  }
0x13: {  	[smem:$0x3FA5] =	sst s0;
	s0 =	simm.s32 @!p1 $0x0  }
0x14: {  	s2 =	sld [smem:$0x3F89];
	s0 =	simm.s32 @p1 $0x1  }
0x15: {  	[smem:$0x3FA6] =	sst s0;
	s0 =	simm.s32 @!p2 $0x0  }
0x16: {  	s3 =	sld [smem:$0x3FDB];
	s0 =	simm.s32 @p2 $0x1  }
0x17: {  	s4 =	simm.s32 $0x1BF5;
	[smem:$0x3FA8] =	sst s0  }
0x18: {  	s0 =	sld [smem:$0x3F8B];
	_ =	swait.ge [sflag:s4], $0x0  }
0x19: {  	s7 =	sld [smem:$0x3F8C]  }
0x1a: {  	s8 =	sadd.s32 $0xFFFFE003, lr  }
0x1b: {  	s9 =	sadd.s32 $0xFFFFFEF7, lr;
	s5 =	simm.s32 $0xFFFFFFFF;
	p2 =	slt.u32 s8, $0xFFFFF086  }
0x1c: {  	p1 =	slt.u32 s9, $0xF7A;
	s5 =	simm.s32 @!p2 $0x0  }
0x1d: {  	s5 =	simm.s32 @p1 $0x1;
	p0 =	seq.s32 s7, s2  }
0x1e: {  	s7 =	smul.u32 @!p0 $0xF7A, s2;
	p2 =	seq.s32 @!p0 s5, $0x0  }
0x1f: {  	s9 =	smul.u32 $0xF7A, s1;
	s8 =	simm.s32 @!p0 $0x1BF5;
	p2 =	por !p2, p0  }
0x20: {  	[sflag:s8] =	ssyncset.s32 @!p0 $0xFFFFF086;
	s6 =	sadd.s32 @!p0 s3, s7;
	s7 =	simm.s32 @!p0 $0x108  }
0x21: {  	s3 =	sadd.s32 s3, s9;
	s6 =	sadd.s32 @!p0 $0x88, s6;
	s7 =	simm.s32 @p2 $0x1082  }
0x22: {  	[simem:s7], [sflag:s8] =	dma.local @!p0 [hbm:s6], $0xF7A  }
0x23: {  	s9 =	sor.u32 $0xD0000000, s2;
	s6 =	simm.s32 $0x108;
	_ =	swait.ge @!p0 [sflag:s8], $0x0  }
0x24: {  	s3 =	sadd.s32 $0x88, s3;
	s6 =	simm.s32 @!p1 $0x1082;
	[sflag:s4] =	ssyncset.s32 $0xFFFFF086  }
0x25: {  	[simem:s6], [sflag:s4] =	dma.local [hbm:s3], $0xF7A  }
0x26: {  	[smem:$0x3F8C] =	sst s1;
	(tag) =	ssettag s2;
	_ =	strace s9  }
0x27: {  	s1 =	sld [smem:$0x3F9C]  }
0x28: {  	s2 =	sld [smem:$0x3F9D]  }
0x29: {  	s4 =	sld [smem:$0x3F9F]  }
0x2a: {  	p0 =	seq.s32 s5, $0x0;
	s5 =	sld [smem:$0x3FA0]  }
0x2b: {  	s6 =	sld [smem:$0x3FA1]  }
0x2c: {  	s7 =	sld [smem:$0x3FA2]  }
0x2d: {  	s3 =	simm.s32 $0x108;
	s8 =	sld [smem:$0x3FA3]  }
0x2e: {  	s3 =	simm.s32 @!p0 $0x1082;
	s9 =	sld [smem:$0x3FA4]  }
0x2f: {  	lr =	sadd.s32 s0, s3;
	s0 =	sld [smem:$0x3F9B]  }
0x30: {  	s3 =	sld [smem:$0x3F9E]  }
0x31: {  	[smem:$0x3FA7] =	sst s10  }
0x32: {  	s10 =	sld [smem:$0x3FA5];
	_ =	sdelay $0x3  }
0x33: {  	p0 =	seq.s32 s10, $0x1;
	s10 =	sld [smem:$0x3FA7];
	_ =	sdelay $0x3  }
0x34: {  	[smem:$0x3FA7] =	sst s10  }
0x35: {  	s10 =	sld [smem:$0x3FA6];
	_ =	sdelay $0x3  }
0x36: {  	p1 =	seq.s32 s10, $0x1;
	s10 =	sld [smem:$0x3FA7];
	_ =	sdelay $0x3  }
0x37: {  	[smem:$0x3FA7] =	sst s10  }
0x38: {  	s10 =	sld [smem:$0x3FA8]  }
0x39: {  	_ = 	snop;
	(pc) =	sbr.ind lr, $3  }
0x3a: {  	_ = 	snop  }
0x3b: {  	_ = 	snop  }
0x3c: {  	p2 =	seq.s32 s10, $0x1;
	s10 =	sld [smem:$0x3FA7]  }
0x3d: {  	_ =	shalt  }
0x3e: {  	_ =	shalt  }
0x3f: {  	_ =	shalt  }
0x40: {  	_ =	shalt  }
0x41: {  	_ =	shalt  }
0x42: {  	_ =	shalt  }
0x43: {  	_ =	shalt  }
0x44: {  	_ =	shalt  }
0x45: {  	_ =	shalt  }
0x46: {  	_ =	shalt  }
0x47: {  	_ =	shalt  }
0x48: {  	_ =	shalt  }
0x49: {  	_ =	shalt  }
0x4a: {  	_ =	shalt  }
0x4b: {  	_ =	shalt  }
0x4c: {  	_ =	shalt  }
0x4d: {  	_ =	shalt  }
0x4e: {  	_ =	shalt  }
0x4f: {  	_ =	shalt  }
0x50: {  	_ =	shalt  }
0x51: {  	_ =	shalt  }
0x52: {  	_ =	shalt  }
0x53: {  	_ =	shalt  }
0x54: {  	_ =	shalt  }
0x55: {  	_ =	shalt  }
0x56: {  	_ =	shalt  }
0x57: {  	_ =	shalt  }
0x58: {  	_ =	shalt  }
0x59: {  	_ =	shalt  }
0x5a: {  	_ =	shalt  }
0x5b: {  	_ =	shalt  }
0x5c: {  	_ =	shalt  }
0x5d: {  	_ =	shalt  }
0x5e: {  	_ =	shalt  }
0x5f: {  	_ =	shalt  }
0x60: {  	_ =	shalt  }
0x61: {  	_ =	shalt  }
0x62: {  	_ =	shalt  }
0x63: {  	_ =	shalt  }
0x64: {  	_ =	shalt  }
0x65: {  	_ =	shalt  }
0x66: {  	_ =	shalt  }
0x67: {  	_ =	shalt  }
0x68: {  	_ =	shalt  }
0x69: {  	_ =	shalt  }
0x6a: {  	_ =	shalt  }
0x6b: {  	_ =	shalt  }
0x6c: {  	_ =	shalt  }
0x6d: {  	_ =	shalt  }
0x6e: {  	_ =	shalt  }
0x6f: {  	_ =	shalt  }
0x70: {  	_ =	shalt  }
0x71: {  	_ =	shalt  }
0x72: {  	_ =	shalt  }
0x73: {  	_ =	shalt  }
0x74: {  	_ =	shalt  }
0x75: {  	_ =	shalt  }
0x76: {  	_ =	shalt  }
0x77: {  	_ =	shalt  }
0x78: {  	_ =	shalt  }
0x79: {  	_ =	shalt  }
0x7a: {  	_ =	shalt  }
0x7b: {  	_ =	shalt  }
0x7c: {  	_ =	shalt  }
0x7d: {  	_ =	shalt  }
0x7e: {  	_ =	shalt  }
0x7f: {  	_ =	shalt  }
0x80: {  	_ =	shalt  }
0x81: {  	_ =	shalt  }
0x82: {  	_ =	shalt  }
0x83: {  	_ =	shalt  }
0x84: {  	_ =	shalt  }
0x85: {  	_ =	shalt  }
0x86: {  	_ =	shalt  }
0x87: {  	_ =	shalt  }
.Lfunc_end0:
.L_simem_size_0:
called_computation_lowered:
.L_overlay_start_0:
0x88: {  	s2 =	sld [smem:$0x3FD9]  }
0x89: {  	s3 =	sld [smem:$0x3FFE];
	_ =	sdelay $0x1  }
0x8a: {  	s1 =	srdreg.scid  }
0x8b: {  	s0 =	sand.u32 $0x1, s1  }
0x8c: {  	s16 =	sshll.u32 s0, $0xA;
	s2 =	sadd.s32 s3, s2  }
0x8d: {  	s2 =	sadd.s32 s2, s16  }
0x8e: {  	[smem:$0x3FB3] =	sst s2  }
0x8f: {  	_ = 	snop  }
0x90: {  	(tm) =	ssettm $0x1  }
0x91: {  	s17 =	sld [smem:$0x3FFB];
	_ =	sdelay $0x3  }
0x92: {  	_ =	strace s17  }
0x93: {  	s2 =	sld [smem:$0x3FFC];
	_ =	sdelay $0x3  }
0x94: {  	_ =	strace s2  }
0x95: {  	s2 =	sld [smem:$0x3FFD];
	_ =	sdelay $0x3  }
0x96: {  	_ =	strace s2  }
0x97: {  	_ =	strace $0x8FFFFFFF  }
0x98: {  	s18 =	sld [smem:$0x3FDB];
	_ =	sdelay $0x1  }
0x99: {  	s19 =	simm.s32 $_scs_section_size  }
0x9a: {  	s4 =	simm.s32 $_size__tile_overlayer_lowered;
	s5 =	simm.s32 $_tile_overlayer_lowered  }
0x9b: {  	s22 =	simm.s32 $0x1BFF;
	s21 =	sshll.u32 s5, $0x1;
	s2 =	sadd.s32 s19, s18  }
0x9c: {  	s6 =	simm.s32 $0x0;
	s20 =	sshll.u32 s4, $0x1;
	s4 =	sadd.s32 s21, s2  }
0x9d: {  	[timem:s6], [sflag:s22] =	dma.local [hbm:s4], s20  }
0x9e: {  	_ =	swait.ge [sflag:s22], s20  }
0x9f: {  	s3 =	ssub.s32 $0x0, s20;
	[sflag:s22] =	ssyncset.done $0x0  }
0xa0: {  	[sflag:s22] =	ssyncadd.s32 s3;
	_ =	sdelay $0x1  }
0xa1: {  	s23 =	simm.s32 $0x1B8B  }
0xa2: {  	_ =	swait.ge [sflag:s23], $0x1  }
0xa3: {  	[sflag:s23] =	ssyncset.done $0x0  }
0xa4: {  	s25 =	simm.s32 $0x1B8E;
	s24 =	sld [smem:$0x3FFE];
	[sflag:s23] =	ssyncadd.s32 $0xFFFFFFFF  }
0xa5: {  	s26 =	simm.s32 $execute0_lowered;
	[smem:$0x3FD2] =	sst s25  }
0xa6: {  	s4 =	sshll.u32 s26, $0x1;
	_ =	strace $0x80000046;
	[dreg:$0x1] =	wrdreg $0xFFFFFFFF  }
0xa7: {  	s28 =	simm.s32 $_size_execute0_lowered;
	s2 =	sadd.s32 s2, s4;
	[dreg:$0x0] =	wrdreg $0x0  }
0xa8: {  	s4 =	sshll.u32 s28, $0x1;
	[dreg:$0x2] =	wrdreg s2  }
0xa9: {  	[dreg:$0x3] =	wrdreg s4  }
0xaa: {  	[dreg:$0x4] =	wrdreg $0xC0  }
0xab: {  	_ =	task [dreg:s6], $0x5FFFF  }
0xac: {  	[dreg:$0x1] =	wrdreg $0xFFFFFFFF  }
0xad: {  	[dreg:$0x0] =	wrdreg $0x60  }
0xae: {  	[dreg:$0x2] =	wrdreg s24  }
0xaf: {  	[dreg:$0x3] =	wrdreg $0x21000  }
0xb0: {  	[dreg:$0x4] =	wrdreg $0x9  }
0xb1: {  	_ =	task.clear_ibuf [dreg:s6], $0x5FFFF;
	_ =	strace $0x90000046  }
0xb2: {  	s29 =	simm.s32 $0x9;
	_ =	strace $0x80000048  }
0xb3: {  	_ =	swait.ge [sflag:s29], $0x1  }
0xb4: {  	[sflag:s29] =	ssyncadd.s32 $0xFFFFFFFF  }
0xb5: {  	_ =	strace $0x90000048  }
0xb6: {  	_ =	sfence  }
0xb7: {  	s30 =	sld [smem:$0x0];
	_ =	sdelay $0x2  }
0xb8: {  	s31 =	sshll.u32 s1, $0xD;
	s1 =	sshrl.u32 s1, $0x2  }
0xb9: {  	s3 =	sand.u32 $0x4000, s31;
	s1 =	sadd.s32 s1, s30  }
0xba: {  	s0 =	sor.u32 s3, s0;
	s1 =	sshll.u32 s1, $0x11  }
0xbb: {  	s0 =	sor.u32 s1, s0  }
0xbc: {  	s0 =	sadd.s32 $0x8F2B, s0  }
0xbd: {  	[sflag:s0] =	ssyncadd.remote.s32 $0x1  }
0xbe: {  	_ =	sfence.sel $0xFFFF  }
0xbf: {  	[dreg:$0x0] =	wrdreg $0xFFFFFFFF;
	(pc) =	sbr.abs _section_cstart, $3  }
0xc0: {  	[dreg:$0x1] =	wrdreg $0xFFFFFFFF  }
0xc1: {  	_ =	task.clear_ibuf [dreg:s6], $0x2FFFF;
	_ =	strace $0x9FFFFFFF  }
0xc2: {  	(tm) =	ssettm $0x7FFFFFFF  }
0xc3: {  	_ =	shalt  }
tec
execute0_lowered:
.L_overlay_start_1:
0x0: {  	(tag) =	ssettag $0x1  }
0x1: {  	s6 =	rddreg [dreg:$0x0]  }
0x2: {  	s1 =	rddreg [dreg:$0x1]  }
0x3: {  	s3 =	srdreg.scid;
	s0 =	rddreg [dreg:$0x2];
	s2 =	simm.s32 $0x0  }
0x4: {  	s21 =	simm.s32 $0x80;
	s22 =	simm.s32 $0x1;
	s7 =	sand.u32 $0x1, s3  }
0x5: {  	s23 =	simm.s32 $0x0;
	s3 =	stileid.u32;
	s5 =	smul.u32 $0x4F00, s7  }
0x6: {  	[smem:$0x7FF] =	sst s2;
	s4 =	sadd.s32 $0x2200, s6;
	s10 =	smul.u32 $0xA000, s3  }
0x7: {  	s16 =	sadd.s32 $0x29C00, s6;
	s8 =	ssub.s32 $0x2, s7;
	s18 =	smul.u32 $0xA0000, s7  }
0x8: {  	_ =	strace $0x80000047;
	s30 =	smul.u32 $0x4F0, s3;
	s29 =	sshrl.u32 s8, $0x1  }
0x9: {  	s15 =	sadd.s32 s5, s6;
	s5 =	sadd.s32 $0x29800, s6;
	s17 =	ssub.s32 s8, s29  }
0xa: {  	s6 =	sadd.s32 s10, s1;
	s11 =	sadd.s32 $0x2000, s10;
	s13 =	sadd.s32 $0x4000, s10  }
0xb: {  	s14 =	sadd.s32 $0x6000, s10;
	s19 =	sadd.s32 $0x8000, s10;
	s12 =	sadd.s32 s10, s18  }
0xc: {  	s7 =	sadd.s32 s11, s1;
	s8 =	sadd.s32 s13, s1;
	s9 =	sadd.s32 s14, s1  }
0xd: {  	s11 =	sadd.s32 s18, s11;
	s10 =	sadd.s32 s19, s1;
	s12 =	sshrl.u32 s12, $0x3  }
0xe: {  	s13 =	sadd.s32 s18, s13;
	s14 =	sadd.s32 s18, s14;
	s18 =	sadd.s32 s18, s19  }
0xf: {  	s31 =	sadd.s32 s30, s15;
	s19 =	simm.s32 $0x100;
	s20 =	sshrl.u32 s11, $0x3  }
0x10: {  	s11 =	sadd.s32 s16, s12;
	s13 =	sshrl.u32 s13, $0x3;
	s14 =	sshrl.u32 s14, $0x3  }
0x11: {  	s18 =	sshrl.u32 s18, $0x3;
	s12 =	sadd.s32 s16, s20;
	s13 =	sadd.s32 s16, s13  }
0x12: {  	s14 =	sadd.s32 s16, s14;
	s15 =	sadd.s32 s16, s18;
	s16 =	smax.u32 s17, $0x1  }
0x13: {  	s17 =	sadd.s32 $0x15C00, s31;
	s18 =	sadd.s32 $0x1FA00, s31;
	s20 =	simm.s32 $0x2  }
.LBB2_1:
0x14: {  	[tilespmem:s19], [sflag:$0x2] =	stream.linear.gather [hbm4b:s5+s2], $0x2000, $0x38;
	[tilespmem:$0xC100] =	vst v63  }
0x15: {  	_ =	swait.ge [sflag:s20], $0x2000  }
0x16: {  	[sflag:s20] =	ssyncset.done $0x0  }
0x17: {  	[sflag:s20] =	ssyncadd.s32 $0xFFFFE000  }
0x18: {  	[spmem:s6] =	stream.linear.scatter [tilespmem:s19], [sflag:$0x2], $0x2000, $0x38;
	[tilespmem:$0xC100] =	vst v63  }
0x19: {  	_ =	swait.ge [sflag:s20], $0x2000  }
0x1a: {  	[sflag:s20] =	ssyncset.done $0x0  }
0x1b: {  	[sflag:s20] =	ssyncadd.s32 $0xFFFFE000  }
0x1c: {  	[spmem:s7] =	stream.linear.scatter [tilespmem:s19], [sflag:$0x2], $0x2000, $0x38;
	[tilespmem:$0xC100] =	vst v63  }
0x1d: {  	_ =	swait.ge [sflag:s20], $0x2000  }
0x1e: {  	[sflag:s20] =	ssyncset.done $0x0  }
0x1f: {  	[sflag:s20] =	ssyncadd.s32 $0xFFFFE000  }
0x20: {  	[spmem:s8] =	stream.linear.scatter [tilespmem:s19], [sflag:$0x2], $0x2000, $0x38;
	[tilespmem:$0xC100] =	vst v63  }
0x21: {  	_ =	swait.ge [sflag:s20], $0x2000  }
0x22: {  	[sflag:s20] =	ssyncset.done $0x0  }
0x23: {  	[sflag:s20] =	ssyncadd.s32 $0xFFFFE000  }
0x24: {  	[spmem:s9] =	stream.linear.scatter [tilespmem:s19], [sflag:$0x2], $0x2000, $0x38;
	[tilespmem:$0xC100] =	vst v63  }
0x25: {  	_ =	swait.ge [sflag:s20], $0x2000  }
0x26: {  	[sflag:s20] =	ssyncset.done $0x0  }
0x27: {  	[sflag:s20] =	ssyncadd.s32 $0xFFFFE000  }
0x28: {  	[spmem:s10] =	stream.linear.scatter [tilespmem:s19], [sflag:$0x2], $0x2000, $0x38;
	[tilespmem:$0xC100] =	vst v63  }
0x29: {  	_ =	swait.ge [sflag:s20], $0x2000  }
0x2a: {  	[sflag:s20] =	ssyncset.done $0x0  }
0x2b: {  	[sflag:s20] =	ssyncadd.s32 $0xFFFFE000  }
0x2c: {  	s24 =	sadd.s32 $0x0, s18;
	[bflag:$0x0] =	sbarrier.arrive $0xFFFF  }
0x2d: {  	[tilespmem:s2], [sflag:$0x2] =	stream.linear.gather [hbm4b:s24+s2], $0x80, $0x38;
	[tilespmem:$0xC100] =	vst v63  }
0x2e: {  	_ =	swait.ge [sflag:s20], $0x80  }
0x2f: {  	[sflag:s20] =	ssyncset.done $0x0  }
0x30: {  	s31 =	sadd.s32 $0x0, s17;
	[sflag:s20] =	ssyncadd.s32 $0xFFFFFF80  }
0x31: {  	[tilespmem:s21], [sflag:$0x2] =	stream.linear.gather [hbm4b:s31+s2], $0x80, $0x38;
	[tilespmem:$0xC100] =	vst v63  }
0x32: {  	_ =	swait.ge [sflag:s20], $0x80  }
0x33: {  	[sflag:s20] =	ssyncset.done $0x0  }
0x34: {  	[sflag:s20] =	ssyncadd.s32 $0xFFFFFF80  }
0x35: {  	[tilespmem:s19], [sflag:$0x1] =	stream.indirect.gather [hbm4b:s4+s21], $0x40, s2, s21, $0xb8;
	[tilespmem:$0xC100] =	vst v63  }
0x36: {  	_ =	swait.ge [sflag:s22], $0x2000  }
0x37: {  	[sflag:s22] =	ssyncset.done $0x0  }
0x38: {  	[sflag:s22] =	ssyncadd.s32 $0xFFFFE000  }
0x39: {  	[spmem:s1] =	stream.indirect.scatter.add.f32 [tilespmem:s19], [sflag:$0x2], $0x40, s21, s21, $0xb8;
	[tilespmem:$0xC100] =	vst v63  }
0x3a: {  	_ =	swait.ge [sflag:s20], $0x2000  }
0x3b: {  	s25 =	simm.s32 $0x20;
	s24 =	simm.s32 $0x10;
	[sflag:s20] =	ssyncset.done $0x0  }
.LBB2_2:
0x3c: {  	s26 =	sadd.s32 s24, s18  }
0x3d: {  	[sflag:s20] =	ssyncadd.s32 $0xFFFFE000;
	s28 =	smov.u32 s25;
	s29 =	sadd.s32 $0x10, s25  }
0x3e: {  	[tilespmem:s2], [sflag:$0x2] =	stream.linear.gather [hbm4b:s26+s2], $0x80, $0x38;
	[tilespmem:$0xC100] =	vst v63  }
0x3f: {  	p0 =	sne.s32 s25, $0x4E0;
	_ =	swait.ge [sflag:s20], $0x80  }
0x40: {  	[sflag:s20] =	ssyncset.done $0x0  }
0x41: {  	s25 =	sadd.s32 s24, s17;
	s24 =	smov.u32 s28;
	[sflag:s20] =	ssyncadd.s32 $0xFFFFFF80  }
0x42: {  	[tilespmem:s21], [sflag:$0x2] =	stream.linear.gather [hbm4b:s25+s2], $0x80, $0x38;
	[tilespmem:$0xC100] =	vst v63  }
0x43: {  	_ =	swait.ge [sflag:s20], $0x80  }
0x44: {  	[sflag:s20] =	ssyncset.done $0x0  }
0x45: {  	[sflag:s20] =	ssyncadd.s32 $0xFFFFFF80  }
0x46: {  	[tilespmem:s19], [sflag:$0x1] =	stream.indirect.gather [hbm4b:s4+s21], $0x40, s2, s21, $0xb8;
	[tilespmem:$0xC100] =	vst v63  }
0x47: {  	_ =	swait.ge [sflag:s22], $0x2000  }
.Ltmp0:
0x48: {  	[sflag:s22] =	ssyncset.done $0x0;
	(pc) =	sbr.rel @p0 .LBB2_2-.Ltmp0, $4  }
0x49: {  	[sflag:s22] =	ssyncadd.s32 $0xFFFFE000  }
0x4a: {  	[spmem:s1] =	stream.indirect.scatter.add.f32 [tilespmem:s19], [sflag:$0x2], $0x40, s21, s21, $0xb8;
	[tilespmem:$0xC100] =	vst v63  }
0x4b: {  	_ =	swait.ge [sflag:s20], $0x2000  }
0x4c: {  	s25 =	smov.u32 s29;
	[sflag:s20] =	ssyncset.done $0x0  }
0x4d: {  	s25 =	sadd.s32 s24, s18;
	[sflag:s20] =	ssyncadd.s32 $0xFFFFE000  }
0x4e: {  	[tilespmem:s2], [sflag:$0x2] =	stream.linear.gather [hbm4b:s25+s2], $0x80, $0x38;
	[tilespmem:$0xC100] =	vst v63  }
0x4f: {  	_ =	swait.ge [sflag:s20], $0x80  }
0x50: {  	[sflag:s20] =	ssyncset.done $0x0  }
0x51: {  	s31 =	sadd.s32 s24, s17;
	[sflag:s20] =	ssyncadd.s32 $0xFFFFFF80  }
0x52: {  	[tilespmem:s21], [sflag:$0x2] =	stream.linear.gather [hbm4b:s31+s2], $0x80, $0x38;
	[tilespmem:$0xC100] =	vst v63  }
0x53: {  	_ =	swait.ge [sflag:s20], $0x80  }
0x54: {  	[sflag:s20] =	ssyncset.done $0x0  }
0x55: {  	[sflag:s20] =	ssyncadd.s32 $0xFFFFFF80  }
0x56: {  	[tilespmem:s19], [sflag:$0x1] =	stream.indirect.gather [hbm4b:s4+s21], $0x40, s2, s21, $0xb8;
	[tilespmem:$0xC100] =	vst v63  }
0x57: {  	_ =	swait.ge [sflag:s22], $0x2000  }
0x58: {  	[sflag:s22] =	ssyncset.done $0x0  }
0x59: {  	[sflag:s22] =	ssyncadd.s32 $0xFFFFE000  }
0x5a: {  	[spmem:s1] =	stream.indirect.scatter.add.f32 [tilespmem:s19], [sflag:$0x2], $0x40, s21, s21, $0xb8;
	[tilespmem:$0xC100] =	vst v63  }
0x5b: {  	_ =	swait.ge [sflag:s20], $0x2000  }
0x5c: {  	[sflag:s20] =	ssyncset.done $0x0  }
0x5d: {  	[sflag:s20] =	ssyncadd.s32 $0xFFFFE000  }
0x5e: {  	[bflag:$0x0] =	sbarrier.arrive $0xFFFF  }
0x5f: {  	[tilespmem:s19], [sflag:$0x2] =	stream.linear.gather [spmem:s6], $0x2000, $0x38;
	[tilespmem:$0xC100] =	vst v63  }
0x60: {  	_ =	swait.ge [sflag:s20], $0x2000  }
0x61: {  	[sflag:s20] =	ssyncset.done $0x0  }
0x62: {  	[sflag:s20] =	ssyncadd.s32 $0xFFFFE000  }
0x63: {  	[hbm4b:s11+s2] =	stream.linear.scatter [tilespmem:s19], [sflag:$0x2], $0x2000, $0x38;
	[tilespmem:$0xC100] =	vst v63  }
0x64: {  	_ =	swait.ge [sflag:s20], $0x2000  }
0x65: {  	[sflag:s20] =	ssyncset.done $0x0  }
0x66: {  	[sflag:s20] =	ssyncadd.s32 $0xFFFFE000  }
0x67: {  	[tilespmem:s19], [sflag:$0x2] =	stream.linear.gather [spmem:s7], $0x2000, $0x38;
	[tilespmem:$0xC100] =	vst v63  }
0x68: {  	_ =	swait.ge [sflag:s20], $0x2000  }
0x69: {  	[sflag:s20] =	ssyncset.done $0x0  }
0x6a: {  	[sflag:s20] =	ssyncadd.s32 $0xFFFFE000  }
0x6b: {  	[hbm4b:s12+s2] =	stream.linear.scatter [tilespmem:s19], [sflag:$0x2], $0x2000, $0x38;
	[tilespmem:$0xC100] =	vst v63  }
0x6c: {  	_ =	swait.ge [sflag:s20], $0x2000  }
0x6d: {  	[sflag:s20] =	ssyncset.done $0x0  }
0x6e: {  	[sflag:s20] =	ssyncadd.s32 $0xFFFFE000  }
0x6f: {  	[tilespmem:s19], [sflag:$0x2] =	stream.linear.gather [spmem:s8], $0x2000, $0x38;
	[tilespmem:$0xC100] =	vst v63  }
0x70: {  	_ =	swait.ge [sflag:s20], $0x2000  }
0x71: {  	[sflag:s20] =	ssyncset.done $0x0  }
0x72: {  	[sflag:s20] =	ssyncadd.s32 $0xFFFFE000  }
0x73: {  	[hbm4b:s13+s2] =	stream.linear.scatter [tilespmem:s19], [sflag:$0x2], $0x2000, $0x38;
	[tilespmem:$0xC100] =	vst v63  }
0x74: {  	_ =	swait.ge [sflag:s20], $0x2000  }
0x75: {  	[sflag:s20] =	ssyncset.done $0x0  }
0x76: {  	[sflag:s20] =	ssyncadd.s32 $0xFFFFE000  }
0x77: {  	[tilespmem:s19], [sflag:$0x2] =	stream.linear.gather [spmem:s9], $0x2000, $0x38;
	[tilespmem:$0xC100] =	vst v63  }
0x78: {  	_ =	swait.ge [sflag:s20], $0x2000  }
0x79: {  	[sflag:s20] =	ssyncset.done $0x0  }
0x7a: {  	[sflag:s20] =	ssyncadd.s32 $0xFFFFE000  }
0x7b: {  	[hbm4b:s14+s2] =	stream.linear.scatter [tilespmem:s19], [sflag:$0x2], $0x2000, $0x38;
	[tilespmem:$0xC100] =	vst v63  }
0x7c: {  	_ =	swait.ge [sflag:s20], $0x2000  }
0x7d: {  	[sflag:s20] =	ssyncset.done $0x0  }
0x7e: {  	[sflag:s20] =	ssyncadd.s32 $0xFFFFE000  }
0x7f: {  	[tilespmem:s19], [sflag:$0x2] =	stream.linear.gather [spmem:s10], $0x2000, $0x38;
	[tilespmem:$0xC100] =	vst v63  }
0x80: {  	s23 =	sadd.s32 $0x1, s23;
	_ =	swait.ge [sflag:s20], $0x2000  }
0x81: {  	p0 =	sne.s32 s23, s16;
	[sflag:s20] =	ssyncset.done $0x0  }
.Ltmp1:
0x82: {  	[sflag:s20] =	ssyncadd.s32 $0xFFFFE000;
	(pc) =	sbr.rel @p0 .LBB2_1-.Ltmp1, $4  }
0x83: {  	[hbm4b:s15+s2] =	stream.linear.scatter [tilespmem:s19], [sflag:$0x2], $0x2000, $0x38;
	[tilespmem:$0xC100] =	vst v63  }
0x84: {  	_ =	swait.ge [sflag:s20], $0x2000  }
0x85: {  	[sflag:s20] =	ssyncset.done $0x0  }
0x86: {  	[sflag:s20] =	ssyncadd.s32 $0xFFFFE000  }
0x87: {  	_ =	sfence.sel $0x180000  }
0x88: {  	[bflag:$0x0] =	sbarrier.arrive $0xFFFF  }
0x89: {  	p0 =	sne.s32 s3, $0x0;
	_ =	strace $0x90000047  }
0x8a: {  	s0 =	sadd.s32 @!p0 $0x100000, s0;
	[bflag:$0x2] =	sbarrier.arrive $0xFFFF  }
0x8b: {  	[sflag:s0] =	ssyncadd.tile.s32 @!p0 $0x1;
	_ =	shalt  }
.Lfunc_end2:
_tile_overlayer_lowered:
.L_overlay_start_2:
0x8c: {  	(tag) =	ssettag $0x2  }
0x8d: {  	s0 =	rddreg [dreg:$0x0];
	s2 =	stileid.u32  }
0x8e: {  	s1 =	rddreg [dreg:$0x1];
	p0 =	sne.s32 s2, $0x0  }
0x8f: {  	s3 =	rddreg [dreg:$0x2];
	[bflag:$0x3] =	sbarrier.arrive $0xFFFF;
	s2 =	simm.s32 @!p0 $0x1C02  }
0x90: {  	[timem:s3], [sflag:s2] =	dma.local @!p0 [hbm:s0], s1  }
0x91: {  	s0 =	simm.s32 @!p0 $0x2  }
0x92: {  	_ =	swait.ge @!p0 [sflag:s0], s1  }
0x93: {  	s1 =	ssub.s32 @!p0 $0x0, s1;
	[sflag:s0] =	ssyncset.done @!p0 $0x0  }
0x94: {  	[sflag:s0] =	ssyncadd.s32 @!p0 s1  }
0x95: {  	[bflag:$0x3] =	sbarrier.arrive $0xFFFF  }
0x96: {  	_ =	shalt  }

</sc_bundles>
